<compile_context>
chip_gen: v7x
topology: tpu7x:2x2x1
jax: 0.10.2.dev20260603
libtpu: 0.0.44.dev20260713+nightly
codegen_flags: <defaults>
</compile_context>

<pallas_src>
import functools

import jax
import jax.numpy as jnp
from jax import lax
from jax.experimental import pallas as pl
from jax.experimental.pallas import tpu as pltpu
from jax.experimental.pallas import tpu_sc as plsc

N = 10000
E = 320000
D = 128
H = 128

NC = 2
NS = 16
NW = NC * NS
EPW = E // NW
CH = 80
SCH = 25
NSC = EPW // (CH * SCH)
ZR = N // 10
NP = 10240
HS = NP // 10

_MESH = plsc.VectorSubcoreMesh(
    core_axis_name="c", subcore_axis_name="s", num_cores=NC, num_subcores=NS
)


def _sc_aggr_body(with_ef, feat_hbm, src_hbm, dst_hbm, ef_hbm, z2_hbm, z1_hbm,
                  hn_out, he0_out, he1_out, src_v, dst_v, ef_v, rows0, rows1,
                  rows2, he_v, acc_sh, he_sh, g0, g1, g2):
    c = lax.axis_index("c")
    s = lax.axis_index("s")
    wid = s * NC + c

    @pl.when(s < 10)
    def _zero():
        pltpu.sync_copy(z2_hbm, acc_sh.at[pl.ds(s * ZR, ZR)])
        if with_ef:
            pltpu.sync_copy(z1_hbm.at[pl.ds(s * HS, HS)], he_v)
            pltpu.sync_copy(he_v, he_sh.at[pl.ds(s * HS, HS)])

    plsc.subcore_barrier()

    def gather_start(j, buf, sem):
        pltpu.make_async_copy(feat_hbm.at[src_v.at[j]], buf, sem).start()

    def gather_wait(j, buf, sem):
        pltpu.make_async_copy(feat_hbm.at[src_v.at[j]], buf, sem).wait()

    def he_scatter(j):
        if with_ef:
            pltpu.sync_copy(ef_v.at[j], he_sh.at[dst_v.at[j]], add=True)

    def super_step(k, carry):
        pltpu.sync_copy(src_hbm.at[wid * NSC + k], src_v)
        pltpu.sync_copy(dst_hbm.at[wid * NSC + k], dst_v)
        if with_ef:
            pltpu.sync_copy(ef_hbm.at[wid * NSC + k], ef_v)

        bufs = (rows0, rows1, rows2)
        sems = (g0, g1, g2)

        def do_chunk(j, u):
            gather_wait(j, bufs[u], sems[u])
            pltpu.sync_copy(bufs[u], acc_sh.at[dst_v.at[j]], add=True)
            he_scatter(j)

        gather_start(0, rows0, g0)
        gather_start(1, rows1, g1)

        def tri(t, inner):
            j0 = 3 * t
            for u in range(3):
                gather_start(j0 + u + 2, bufs[(u + 2) % 3], sems[(u + 2) % 3])
                do_chunk(j0 + u, u)
            return inner

        lax.fori_loop(0, SCH // 3 - 1, tri, 0)
        gather_start(SCH - 2, rows2, g2)
        do_chunk(SCH - 4, 0)
        gather_start(SCH - 1, rows0, g0)
        do_chunk(SCH - 3, 1)
        do_chunk(SCH - 2, 2)
        do_chunk(SCH - 1, 0)
        return carry

    lax.fori_loop(0, NSC, super_step, 0)
    plsc.subcore_barrier()

    @pl.when(s < 10)
    def _writeback():
        pltpu.sync_copy(acc_sh.at[pl.ds(s * ZR, ZR)], hn_out.at[c, pl.ds(s * ZR, ZR)])
        if with_ef:
            pltpu.sync_copy(he_sh.at[pl.ds(s * HS, HS)], he_v)

            @pl.when(c == 0)
            def _wb_he0():
                pltpu.sync_copy(he_v, he0_out.at[pl.ds(s * HS, HS)])

            @pl.when(c == 1)
            def _wb_he1():
                pltpu.sync_copy(he_v, he1_out.at[pl.ds(s * HS, HS)])


def _make_sc_aggr(with_ef):
    return pl.kernel(
        functools.partial(_sc_aggr_body, with_ef),
        out_type=[
            jax.ShapeDtypeStruct((NC, N, D), jnp.float32),
            jax.ShapeDtypeStruct((NP,), jnp.float32),
            jax.ShapeDtypeStruct((NP,), jnp.float32),
        ],
        mesh=_MESH,
        scratch_types=[
            pltpu.VMEM((SCH, CH), jnp.int32),
            pltpu.VMEM((SCH, CH), jnp.int32),
            pltpu.VMEM((SCH, CH), jnp.float32),
            pltpu.VMEM((CH, D), jnp.float32),
            pltpu.VMEM((CH, D), jnp.float32),
            pltpu.VMEM((CH, D), jnp.float32),
            pltpu.VMEM((HS,), jnp.float32),
            pltpu.VMEM_SHARED((N, D), jnp.float32),
            pltpu.VMEM_SHARED((NP,), jnp.float32),
            pltpu.SemaphoreType.DMA,
            pltpu.SemaphoreType.DMA,
            pltpu.SemaphoreType.DMA,
        ],
        name="sc_edge_aggr",
    )


_BN = 2000


def _bf(x):
    return x.astype(jnp.bfloat16)


def _bdot(a, w):
    return jnp.dot(_bf(a), w, preferred_element_type=jnp.float32)


def _layer1_body(nf, hn0, hn1, he0, he1, wn, wh, we, b, o):
    hn = hn0[...] + hn1[...]
    he = he0[...] + he1[...]
    acc = _bdot(nf[...], wn[...]) + _bdot(hn, wh[...])
    acc = acc + _bf(he).astype(jnp.float32) * we[...].astype(jnp.float32) + b[...]
    o[...] = jnp.maximum(acc, 0.0)


def _head_body(h, hn0, hn1, he0, he1, wh, wn, we, b1, w2, b2, w3, b3, o):
    hn = hn0[...] + hn1[...]
    he = he0[...] + he1[...]
    t = _bdot(h[...], wh[...]) + _bdot(hn, wn[...])
    t = t + _bf(he).astype(jnp.float32) * we[...].astype(jnp.float32) + b1[...]
    t = jnp.maximum(t, 0.0)
    t = jnp.maximum(_bdot(t, w2[...]) + b2[...], 0.0)
    tb = _bf(t).astype(jnp.float32) * w3[...].astype(jnp.float32)
    o[...] = jnp.sum(tb, axis=1, keepdims=True) + b3[...]


def _row_spec(width):
    return pl.BlockSpec((_BN, width), lambda i: (i, 0))


def _full_spec(shape):
    return pl.BlockSpec(shape, lambda i: tuple(0 for _ in shape))


def kernel(node_feat, edge_feat, edge_index, W_c1, b_c1, W_r1, b_r1, W_r2, b_r2, W_r3, b_r3):
    src3 = edge_index[0].reshape(NW * NSC, SCH, CH)
    dst3 = edge_index[1].reshape(NW * NSC, SCH, CH)
    ef3 = edge_feat.reshape(NW * NSC, SCH, CH)
    z2 = jnp.zeros((ZR, D), jnp.float32)
    z1 = jnp.zeros((NP,), jnp.float32)

    hn_p, he_a, he_b = _make_sc_aggr(True)(node_feat, src3, dst3, ef3, z2, z1)
    he0 = he_a[:N].reshape(N, 1)
    he1 = he_b[:N].reshape(N, 1)

    h = pl.pallas_call(
        _layer1_body,
        grid=(N // _BN,),
        in_specs=[
            _row_spec(D), _row_spec(D), _row_spec(D), _row_spec(1), _row_spec(1),
            _full_spec((D, H)), _full_spec((D, H)), _full_spec((1, H)), _full_spec((1, H)),
        ],
        out_specs=_row_spec(H),
        out_shape=jax.ShapeDtypeStruct((N, H), jnp.float32),
    )(
        node_feat, hn_p[0], hn_p[1], he0, he1,
        _bf(W_c1[:, :D].T), _bf(W_c1[:, D:2 * D].T),
        _bf(W_c1[:, 2 * D:].T).astype(jnp.float32),
        b_c1.reshape(1, H),
    )

    hn2_p, _, _ = _make_sc_aggr(False)(h, src3, dst3, ef3, z2, z1)

    out = pl.pallas_call(
        _head_body,
        grid=(N // _BN,),
        in_specs=[
            _row_spec(H), _row_spec(H), _row_spec(H), _row_spec(1), _row_spec(1),
            _full_spec((H, H)), _full_spec((H, H)), _full_spec((1, H)), _full_spec((1, H)),
            _full_spec((H, H)), _full_spec((1, H)),
            _full_spec((1, H)), _full_spec((1, 1)),
        ],
        out_specs=_row_spec(1),
        out_shape=jax.ShapeDtypeStruct((N, 1), jnp.float32),
    )(
        h, hn2_p[0], hn2_p[1], he0, he1,
        _bf(W_r1[:, :H].T), _bf(W_r1[:, H:2 * H].T),
        _bf(W_r1[:, 2 * H:].T).astype(jnp.float32),
        b_r1.reshape(1, H),
        _bf(W_r2.T), b_r2.reshape(1, H),
        _bf(W_r3).astype(jnp.float32), b_r3.reshape(1, 1),
    )
    return out

# --- scband reference (transcript-rebuilt; emitter-appended) ---
"""Pipeline reference for scband-dropout-model-pass-message-one-layer-regonly-76192719831687 (READ-ONLY COPY).

The authoritative reference and input builder live on the scoring server;
editing this copy changes nothing except your own understanding.
"""

import jax, jax.numpy as jnp
import numpy as np

N = 10000
E = 320000
D = 128
H = 128
R = 1


def _lin_params(key, out_f, in_f):
    k1, k2 = jax.random.split(key)
    scale = 1.0 / np.sqrt(in_f)
    W = jax.random.uniform(k1, (out_f, in_f), jnp.float32, -scale, scale)
    b = jax.random.uniform(k2, (out_f,), jnp.float32, -scale, scale)
    return W, b


def setup_inputs(seed: int = 0) -> dict:
    key = jax.random.key(seed)
    ks = jax.random.split(key, 8)
    node_feat = jax.random.normal(ks[0], (N, D), jnp.float32)
    edge_feat = jax.random.normal(ks[1], (E, 1), jnp.float32)
    edge_index = jax.random.randint(ks[2], (2, E), 0, N, jnp.int32)
    W_c1, b_c1 = _lin_params(ks[3], H, D * 2 + 1)
    W_r1, b_r1 = _lin_params(ks[4], H, H * 2 + 1)
    W_r2, b_r2 = _lin_params(ks[5], H, H)
    W_r3, b_r3 = _lin_params(ks[6], R, H)
    return {
        "node_feat": node_feat,
        "edge_feat": edge_feat,
        "edge_index": edge_index,
        "W_c1": W_c1, "b_c1": b_c1,
        "W_r1": W_r1, "b_r1": b_r1,
        "W_r2": W_r2, "b_r2": b_r2,
        "W_r3": W_r3, "b_r3": b_r3,
    }


def reference(node_feat, edge_feat, edge_index, W_c1, b_c1, W_r1, b_r1, W_r2, b_r2, W_r3, b_r3):
    src = edge_index[0]
    dst = edge_index[1]
    # SAGEConvPassMessage: copy_u sum and copy_e sum aggregation into dst nodes
    hn_aggr = jax.ops.segment_sum(node_feat[src], dst, num_segments=N)
    he_aggr = jax.ops.segment_sum(edge_feat, dst, num_segments=N)
    h_total = jnp.concatenate([node_feat, hn_aggr, he_aggr], axis=1)
    h = h_total @ W_c1.T + b_c1
    # relu + dropout (eval mode -> identity)
    h = jax.nn.relu(h)
    # RegressionBranch
    hn_aggr2 = jax.ops.segment_sum(h[src], dst, num_segments=N)
    he_aggr2 = jax.ops.segment_sum(edge_feat, dst, num_segments=N)
    h_total2 = jnp.concatenate([h, hn_aggr2, he_aggr2], axis=1)
    h2 = jax.nn.relu(h_total2 @ W_r1.T + b_r1)
    h2 = jax.nn.relu(h2 @ W_r2.T + b_r2)
    out = h2 @ W_r3.T + b_r3
    return out

if __name__ == "__main__":
    import jax
    _d = setup_inputs()
    print(jax.jit(kernel)(*tuple(_d.values())))

</pallas_src>

<mosaic_0001>
#map = affine_map<(d0, d1) -> (0, 0)>
#map1 = affine_map<(d0, d1) -> (0, 0, 0)>
#map2 = affine_map<(d0, d1) -> (0)>
module attributes {stable_mosaic.version = 14 : i64} {
  func.func @sc_edge_aggr(%arg0: i32, %arg1: i32, %arg2: memref<10000x128xf32, #tpu.memory_space<hbm>>, %arg3: memref<160x25x80xi32, #tpu.memory_space<hbm>>, %arg4: memref<160x25x80xi32, #tpu.memory_space<hbm>>, %arg5: memref<160x25x80xf32, #tpu.memory_space<hbm>>, %arg6: memref<1000x128xf32, #tpu.memory_space<hbm>>, %arg7: memref<10240xf32, #tpu.memory_space<hbm>>, %arg8: memref<2x10000x128xf32, #tpu.memory_space<hbm>>, %arg9: memref<10240xf32, #tpu.memory_space<hbm>>, %arg10: memref<10240xf32, #tpu.memory_space<hbm>>, %arg11: memref<25x80xi32, #tpu.memory_space<vmem>>, %arg12: memref<25x80xi32, #tpu.memory_space<vmem>>, %arg13: memref<25x80xf32, #tpu.memory_space<vmem>>, %arg14: memref<80x128xf32, #tpu.memory_space<vmem>>, %arg15: memref<80x128xf32, #tpu.memory_space<vmem>>, %arg16: memref<80x128xf32, #tpu.memory_space<vmem>>, %arg17: memref<1024xf32, #tpu.memory_space<vmem>>, %arg18: memref<10000x128xf32, #tpu.memory_space<vmem_shared>>, %arg19: memref<10240xf32, #tpu.memory_space<vmem_shared>>, %arg20: memref<!tpu.dma_semaphore, #tpu.memory_space<semaphore_mem>>, %arg21: memref<!tpu.dma_semaphore, #tpu.memory_space<semaphore_mem>>, %arg22: memref<!tpu.dma_semaphore, #tpu.memory_space<semaphore_mem>>) attributes {dimension_semantics = [#tpu.dimension_semantics<core_parallel>, #tpu.dimension_semantics<subcore_parallel>], iteration_bounds = array<i64: 2, 16>, scalar_prefetch = 0 : i64, scratch_operands = 12 : i64, tpu.core_type = #tpu.core_type<sc_vector_subcore>, window_params = [{transform_indices = #map}, {transform_indices = #map1}, {transform_indices = #map1}, {transform_indices = #map1}, {transform_indices = #map}, {transform_indices = #map2}, {transform_indices = #map1}, {transform_indices = #map2}, {transform_indices = #map2}]} {
    %mul3A = arith.constant 2 : i32
    %mul3A_0 = arith.muli %arg1, %mul3A : i32
    %add3A = arith.addi %mul3A_0, %arg0 : i32
    %lt3A = arith.constant 10 : i32
    %lt3A_1 = arith.cmpi slt, %arg1, %lt3A : i32
    %convert_element_type3A = arith.extui %lt3A_1 : i1 to i32
    %cond3A = arith.constant 0 : i32
    %cond3A_2 = arith.cmpi ne, %convert_element_type3A, %cond3A : i32
    scf.if %cond3A_2 {
      %mul3A_14 = arith.constant 1000 : i32
      %mul3A_15 = arith.muli %arg1, %mul3A_14 : i32
      "tpu.region"() ({
        %run_scoped3A = tpu.sem_alloc : memref<!tpu.dma_semaphore, #tpu.memory_space<semaphore_mem>>
        %dma_start3A = arith.constant 0 : i32
        %dma_start3A_16 = tpu.memref_slice %arg18[%mul3A_15, %dma_start3A] : memref<10000x128xf32, #tpu.memory_space<vmem_shared>> -> memref<1000x128xf32, #tpu.memory_space<vmem_shared>>
        tpu.enqueue_dma source(%arg6 : memref<1000x128xf32, #tpu.memory_space<hbm>>) target(%dma_start3A_16 : memref<1000x128xf32, #tpu.memory_space<vmem_shared>>) target_semaphore(%run_scoped3A : memref<!tpu.dma_semaphore, #tpu.memory_space<semaphore_mem>>)
        %dma_wait3A = arith.constant 0 : i32
        %dma_wait3A_17 = tpu.memref_slice %arg18[%mul3A_15, %dma_wait3A] : memref<10000x128xf32, #tpu.memory_space<vmem_shared>> -> memref<1000x128xf32, #tpu.memory_space<vmem_shared>>
        tpu.wait_dma2 semaphore(%run_scoped3A : memref<!tpu.dma_semaphore, #tpu.memory_space<semaphore_mem>>) src(%arg6 : memref<1000x128xf32, #tpu.memory_space<hbm>>) dst(%dma_wait3A_17 : memref<1000x128xf32, #tpu.memory_space<vmem_shared>>)
        tpu.yield
      }) : () -> ()
    } else {
    }
    %barrier3A = arith.constant 0 : index
    tpu.barrier barrier_id(%barrier3A)
    %scan3A = arith.constant 0 : i32
    %scan3A_3 = arith.constant 0 : i32
    %scan3A_4 = arith.constant 5 : i32
    %scan3A_5 = arith.addi %scan3A_3, %scan3A_4 : i32
    %scan3A_6 = arith.constant 1 : i32
    scf.for %scan3A_14 = %scan3A_3 to %scan3A_5 step %scan3A_6  : i32 {
      %mul3A_15 = arith.constant 5 : i32
      %mul3A_16 = arith.muli %add3A, %mul3A_15 : i32
      %add3A_17 = arith.addi %mul3A_16, %scan3A_14 : i32
      "tpu.region"() ({
        %run_scoped3A_84 = tpu.sem_alloc : memref<!tpu.dma_semaphore, #tpu.memory_space<semaphore_mem>>
        %dma_start3A_85 = arith.constant 0 : i32
        %dma_start3A_86 = arith.constant 0 : i32
        %dma_start3A_87 = tpu.memref_slice %arg3[%add3A_17, %dma_start3A_85, %dma_start3A_86] : memref<160x25x80xi32, #tpu.memory_space<hbm>> -> memref<1x25x80xi32, #tpu.memory_space<hbm>>
        %dma_start3A_88 = tpu.memref_squeeze %dma_start3A_87 : memref<1x25x80xi32, #tpu.memory_space<hbm>> -> memref<25x80xi32, #tpu.memory_space<hbm>>
        %dma_start3A_89 = arith.constant 0 : i32
        %dma_start3A_90 = arith.constant 0 : i32
        %dma_start3A_91 = tpu.memref_slice %arg3[%add3A_17, %dma_start3A_89, %dma_start3A_90] : memref<160x25x80xi32, #tpu.memory_space<hbm>> -> memref<1x25x80xi32, #tpu.memory_space<hbm>>
        %dma_start3A_92 = tpu.memref_squeeze %dma_start3A_91 : memref<1x25x80xi32, #tpu.memory_space<hbm>> -> memref<25x80xi32, #tpu.memory_space<hbm>>
        tpu.enqueue_dma source(%dma_start3A_92 : memref<25x80xi32, #tpu.memory_space<hbm>>) target(%arg11 : memref<25x80xi32, #tpu.memory_space<vmem>>) target_semaphore(%run_scoped3A_84 : memref<!tpu.dma_semaphore, #tpu.memory_space<semaphore_mem>>)
        %dma_wait3A_93 = arith.constant 0 : i32
        %dma_wait3A_94 = arith.constant 0 : i32
        %dma_wait3A_95 = tpu.memref_slice %arg3[%add3A_17, %dma_wait3A_93, %dma_wait3A_94] : memref<160x25x80xi32, #tpu.memory_space<hbm>> -> memref<1x25x80xi32, #tpu.memory_space<hbm>>
        %dma_wait3A_96 = tpu.memref_squeeze %dma_wait3A_95 : memref<1x25x80xi32, #tpu.memory_space<hbm>> -> memref<25x80xi32, #tpu.memory_space<hbm>>
        %dma_wait3A_97 = arith.constant 0 : i32
        %dma_wait3A_98 = arith.constant 0 : i32
        %dma_wait3A_99 = tpu.memref_slice %arg3[%add3A_17, %dma_wait3A_97, %dma_wait3A_98] : memref<160x25x80xi32, #tpu.memory_space<hbm>> -> memref<1x25x80xi32, #tpu.memory_space<hbm>>
        %dma_wait3A_100 = tpu.memref_squeeze %dma_wait3A_99 : memref<1x25x80xi32, #tpu.memory_space<hbm>> -> memref<25x80xi32, #tpu.memory_space<hbm>>
        tpu.wait_dma2 semaphore(%run_scoped3A_84 : memref<!tpu.dma_semaphore, #tpu.memory_space<semaphore_mem>>) src(%dma_wait3A_100 : memref<25x80xi32, #tpu.memory_space<hbm>>) dst(%arg11 : memref<25x80xi32, #tpu.memory_space<vmem>>)
        tpu.yield
      }) : () -> ()
      %mul3A_18 = arith.constant 5 : i32
      %mul3A_19 = arith.muli %add3A, %mul3A_18 : i32
      %add3A_20 = arith.addi %mul3A_19, %scan3A_14 : i32
      "tpu.region"() ({
        %run_scoped3A_84 = tpu.sem_alloc : memref<!tpu.dma_semaphore, #tpu.memory_space<semaphore_mem>>
        %dma_start3A_85 = arith.constant 0 : i32
        %dma_start3A_86 = arith.constant 0 : i32
        %dma_start3A_87 = tpu.memref_slice %arg4[%add3A_20, %dma_start3A_85, %dma_start3A_86] : memref<160x25x80xi32, #tpu.memory_space<hbm>> -> memref<1x25x80xi32, #tpu.memory_space<hbm>>
        %dma_start3A_88 = tpu.memref_squeeze %dma_start3A_87 : memref<1x25x80xi32, #tpu.memory_space<hbm>> -> memref<25x80xi32, #tpu.memory_space<hbm>>
        %dma_start3A_89 = arith.constant 0 : i32
        %dma_start3A_90 = arith.constant 0 : i32
        %dma_start3A_91 = tpu.memref_slice %arg4[%add3A_20, %dma_start3A_89, %dma_start3A_90] : memref<160x25x80xi32, #tpu.memory_space<hbm>> -> memref<1x25x80xi32, #tpu.memory_space<hbm>>
        %dma_start3A_92 = tpu.memref_squeeze %dma_start3A_91 : memref<1x25x80xi32, #tpu.memory_space<hbm>> -> memref<25x80xi32, #tpu.memory_space<hbm>>
        tpu.enqueue_dma source(%dma_start3A_92 : memref<25x80xi32, #tpu.memory_space<hbm>>) target(%arg12 : memref<25x80xi32, #tpu.memory_space<vmem>>) target_semaphore(%run_scoped3A_84 : memref<!tpu.dma_semaphore, #tpu.memory_space<semaphore_mem>>)
        %dma_wait3A_93 = arith.constant 0 : i32
        %dma_wait3A_94 = arith.constant 0 : i32
        %dma_wait3A_95 = tpu.memref_slice %arg4[%add3A_20, %dma_wait3A_93, %dma_wait3A_94] : memref<160x25x80xi32, #tpu.memory_space<hbm>> -> memref<1x25x80xi32, #tpu.memory_space<hbm>>
        %dma_wait3A_96 = tpu.memref_squeeze %dma_wait3A_95 : memref<1x25x80xi32, #tpu.memory_space<hbm>> -> memref<25x80xi32, #tpu.memory_space<hbm>>
        %dma_wait3A_97 = arith.constant 0 : i32
        %dma_wait3A_98 = arith.constant 0 : i32
        %dma_wait3A_99 = tpu.memref_slice %arg4[%add3A_20, %dma_wait3A_97, %dma_wait3A_98] : memref<160x25x80xi32, #tpu.memory_space<hbm>> -> memref<1x25x80xi32, #tpu.memory_space<hbm>>
        %dma_wait3A_100 = tpu.memref_squeeze %dma_wait3A_99 : memref<1x25x80xi32, #tpu.memory_space<hbm>> -> memref<25x80xi32, #tpu.memory_space<hbm>>
        tpu.wait_dma2 semaphore(%run_scoped3A_84 : memref<!tpu.dma_semaphore, #tpu.memory_space<semaphore_mem>>) src(%dma_wait3A_100 : memref<25x80xi32, #tpu.memory_space<hbm>>) dst(%arg12 : memref<25x80xi32, #tpu.memory_space<vmem>>)
        tpu.yield
      }) : () -> ()
      %dma_start3A = arith.constant 0 : i32
      %dma_start3A_21 = arith.constant 0 : i32
      %dma_start3A_22 = tpu.memref_slice %arg11[%dma_start3A, %dma_start3A_21] : memref<25x80xi32, #tpu.memory_space<vmem>> -> memref<1x80xi32, #tpu.memory_space<vmem>>
      %dma_start3A_23 = tpu.memref_squeeze %dma_start3A_22 : memref<1x80xi32, #tpu.memory_space<vmem>> -> memref<80xi32, #tpu.memory_space<vmem>>
      %dma_start3A_24 = arith.constant 0 : i32
      %dma_start3A_25 = arith.constant 0 : i32
      %dma_start3A_26 = tpu.memref_slice %arg2[%dma_start3A_24, %dma_start3A_25] : memref<10000x128xf32, #tpu.memory_space<hbm>> -> memref<10000x128xf32, #tpu.memory_space<hbm>>
      tpu.enqueue_indirect_dma source(%dma_start3A_26 : memref<10000x128xf32, #tpu.memory_space<hbm>>) target(%arg14 : memref<80x128xf32, #tpu.memory_space<vmem>>) offsets(%dma_start3A_23 : memref<80xi32, #tpu.memory_space<vmem>>) semaphore(%arg20 : memref<!tpu.dma_semaphore, #tpu.memory_space<semaphore_mem>>)
      %dma_start3A_27 = arith.constant 1 : i32
      %dma_start3A_28 = arith.constant 0 : i32
      %dma_start3A_29 = tpu.memref_slice %arg11[%dma_start3A_27, %dma_start3A_28] : memref<25x80xi32, #tpu.memory_space<vmem>> -> memref<1x80xi32, #tpu.memory_space<vmem>>
      %dma_start3A_30 = tpu.memref_squeeze %dma_start3A_29 : memref<1x80xi32, #tpu.memory_space<vmem>> -> memref<80xi32, #tpu.memory_space<vmem>>
      %dma_start3A_31 = arith.constant 0 : i32
      %dma_start3A_32 = arith.constant 0 : i32
      %dma_start3A_33 = tpu.memref_slice %arg2[%dma_start3A_31, %dma_start3A_32] : memref<10000x128xf32, #tpu.memory_space<hbm>> -> memref<10000x128xf32, #tpu.memory_space<hbm>>
      tpu.enqueue_indirect_dma source(%dma_start3A_33 : memref<10000x128xf32, #tpu.memory_space<hbm>>) target(%arg15 : memref<80x128xf32, #tpu.memory_space<vmem>>) offsets(%dma_start3A_30 : memref<80xi32, #tpu.memory_space<vmem>>) semaphore(%arg21 : memref<!tpu.dma_semaphore, #tpu.memory_space<semaphore_mem>>)
      %scan3A_34 = arith.constant 0 : i32
      %scan3A_35 = arith.constant 0 : i32
      %scan3A_36 = arith.constant 7 : i32
      %scan3A_37 = arith.addi %scan3A_35, %scan3A_36 : i32
      %scan3A_38 = arith.constant 1 : i32
      scf.for %scan3A_84 = %scan3A_35 to %scan3A_37 step %scan3A_38  : i32 {
        %mul3A_85 = arith.constant 3 : i32
        %mul3A_86 = arith.muli %mul3A_85, %scan3A_84 : i32
        %add3A_87 = arith.constant 0 : i32
        %add3A_88 = arith.addi %mul3A_86, %add3A_87 : i32
        %add3A_89 = arith.constant 2 : i32
        %add3A_90 = arith.addi %add3A_88, %add3A_89 : i32
        %dma_start3A_91 = arith.constant 0 : i32
        %dma_start3A_92 = tpu.memref_slice %arg11[%add3A_90, %dma_start3A_91] : memref<25x80xi32, #tpu.memory_space<vmem>> -> memref<1x80xi32, #tpu.memory_space<vmem>>
        %dma_start3A_93 = tpu.memref_squeeze %dma_start3A_92 : memref<1x80xi32, #tpu.memory_space<vmem>> -> memref<80xi32, #tpu.memory_space<vmem>>
        %dma_start3A_94 = arith.constant 0 : i32
        %dma_start3A_95 = arith.constant 0 : i32
        %dma_start3A_96 = tpu.memref_slice %arg2[%dma_start3A_94, %dma_start3A_95] : memref<10000x128xf32, #tpu.memory_space<hbm>> -> memref<10000x128xf32, #tpu.memory_space<hbm>>
        tpu.enqueue_indirect_dma source(%dma_start3A_96 : memref<10000x128xf32, #tpu.memory_space<hbm>>) target(%arg16 : memref<80x128xf32, #tpu.memory_space<vmem>>) offsets(%dma_start3A_93 : memref<80xi32, #tpu.memory_space<vmem>>) semaphore(%arg22 : memref<!tpu.dma_semaphore, #tpu.memory_space<semaphore_mem>>)
        %add3A_97 = arith.constant 0 : i32
        %add3A_98 = arith.addi %mul3A_86, %add3A_97 : i32
        %dma_wait3A_99 = arith.constant 0 : i32
        %dma_wait3A_100 = tpu.memref_slice %arg11[%add3A_98, %dma_wait3A_99] : memref<25x80xi32, #tpu.memory_space<vmem>> -> memref<1x80xi32, #tpu.memory_space<vmem>>
        %dma_wait3A_101 = tpu.memref_squeeze %dma_wait3A_100 : memref<1x80xi32, #tpu.memory_space<vmem>> -> memref<80xi32, #tpu.memory_space<vmem>>
        %dma_wait3A_102 = arith.constant 0 : i32
        %dma_wait3A_103 = arith.constant 0 : i32
        %dma_wait3A_104 = tpu.memref_slice %arg2[%dma_wait3A_102, %dma_wait3A_103] : memref<10000x128xf32, #tpu.memory_space<hbm>> -> memref<10000x128xf32, #tpu.memory_space<hbm>>
        tpu.wait_indirect_dma semaphore(%arg20 : memref<!tpu.dma_semaphore, #tpu.memory_space<semaphore_mem>>) src(%dma_wait3A_104 : memref<10000x128xf32, #tpu.memory_space<hbm>>) dst(%arg14 : memref<80x128xf32, #tpu.memory_space<vmem>>)
        "tpu.region"() ({
          %run_scoped3A_141 = tpu.sem_alloc : memref<!tpu.dma_semaphore, #tpu.memory_space<semaphore_mem>>
          %dma_start3A_142 = arith.constant 0 : i32
          %dma_start3A_143 = tpu.memref_slice %arg12[%add3A_98, %dma_start3A_142] : memref<25x80xi32, #tpu.memory_space<vmem>> -> memref<1x80xi32, #tpu.memory_space<vmem>>
          %dma_start3A_144 = tpu.memref_squeeze %dma_start3A_143 : memref<1x80xi32, #tpu.memory_space<vmem>> -> memref<80xi32, #tpu.memory_space<vmem>>
          %dma_start3A_145 = arith.constant 0 : i32
          %dma_start3A_146 = arith.constant 0 : i32
          %dma_start3A_147 = tpu.memref_slice %arg18[%dma_start3A_145, %dma_start3A_146] : memref<10000x128xf32, #tpu.memory_space<vmem_shared>> -> memref<10000x128xf32, #tpu.memory_space<vmem_shared>>
          tpu.enqueue_indirect_dma source(%arg14 : memref<80x128xf32, #tpu.memory_space<vmem>>) target(%dma_start3A_147 : memref<10000x128xf32, #tpu.memory_space<vmem_shared>>) offsets(%dma_start3A_144 : memref<80xi32, #tpu.memory_space<vmem>>) semaphore(%run_scoped3A_141 : memref<!tpu.dma_semaphore, #tpu.memory_space<semaphore_mem>>) {add = true}
          %dma_wait3A_148 = arith.constant 0 : i32
          %dma_wait3A_149 = tpu.memref_slice %arg12[%add3A_98, %dma_wait3A_148] : memref<25x80xi32, #tpu.memory_space<vmem>> -> memref<1x80xi32, #tpu.memory_space<vmem>>
          %dma_wait3A_150 = tpu.memref_squeeze %dma_wait3A_149 : memref<1x80xi32, #tpu.memory_space<vmem>> -> memref<80xi32, #tpu.memory_space<vmem>>
          %dma_wait3A_151 = arith.constant 0 : i32
          %dma_wait3A_152 = arith.constant 0 : i32
          %dma_wait3A_153 = tpu.memref_slice %arg18[%dma_wait3A_151, %dma_wait3A_152] : memref<10000x128xf32, #tpu.memory_space<vmem_shared>> -> memref<10000x128xf32, #tpu.memory_space<vmem_shared>>
          tpu.wait_indirect_dma semaphore(%run_scoped3A_141 : memref<!tpu.dma_semaphore, #tpu.memory_space<semaphore_mem>>) src(%arg14 : memref<80x128xf32, #tpu.memory_space<vmem>>) dst(%dma_wait3A_153 : memref<10000x128xf32, #tpu.memory_space<vmem_shared>>)
          tpu.yield
        }) : () -> ()
        %add3A_105 = arith.constant 1 : i32
        %add3A_106 = arith.addi %mul3A_86, %add3A_105 : i32
        %add3A_107 = arith.constant 2 : i32
        %add3A_108 = arith.addi %add3A_106, %add3A_107 : i32
        %dma_start3A_109 = arith.constant 0 : i32
        %dma_start3A_110 = tpu.memref_slice %arg11[%add3A_108, %dma_start3A_109] : memref<25x80xi32, #tpu.memory_space<vmem>> -> memref<1x80xi32, #tpu.memory_space<vmem>>
        %dma_start3A_111 = tpu.memref_squeeze %dma_start3A_110 : memref<1x80xi32, #tpu.memory_space<vmem>> -> memref<80xi32, #tpu.memory_space<vmem>>
        %dma_start3A_112 = arith.constant 0 : i32
        %dma_start3A_113 = arith.constant 0 : i32
        %dma_start3A_114 = tpu.memref_slice %arg2[%dma_start3A_112, %dma_start3A_113] : memref<10000x128xf32, #tpu.memory_space<hbm>> -> memref<10000x128xf32, #tpu.memory_space<hbm>>
        tpu.enqueue_indirect_dma source(%dma_start3A_114 : memref<10000x128xf32, #tpu.memory_space<hbm>>) target(%arg14 : memref<80x128xf32, #tpu.memory_space<vmem>>) offsets(%dma_start3A_111 : memref<80xi32, #tpu.memory_space<vmem>>) semaphore(%arg20 : memref<!tpu.dma_semaphore, #tpu.memory_space<semaphore_mem>>)
        %add3A_115 = arith.constant 1 : i32
        %add3A_116 = arith.addi %mul3A_86, %add3A_115 : i32
        %dma_wait3A_117 = arith.constant 0 : i32
        %dma_wait3A_118 = tpu.memref_slice %arg11[%add3A_116, %dma_wait3A_117] : memref<25x80xi32, #tpu.memory_space<vmem>> -> memref<1x80xi32, #tpu.memory_space<vmem>>
        %dma_wait3A_119 = tpu.memref_squeeze %dma_wait3A_118 : memref<1x80xi32, #tpu.memory_space<vmem>> -> memref<80xi32, #tpu.memory_space<vmem>>
        %dma_wait3A_120 = arith.constant 0 : i32
        %dma_wait3A_121 = arith.constant 0 : i32
        %dma_wait3A_122 = tpu.memref_slice %arg2[%dma_wait3A_120, %dma_wait3A_121] : memref<10000x128xf32, #tpu.memory_space<hbm>> -> memref<10000x128xf32, #tpu.memory_space<hbm>>
        tpu.wait_indirect_dma semaphore(%arg21 : memref<!tpu.dma_semaphore, #tpu.memory_space<semaphore_mem>>) src(%dma_wait3A_122 : memref<10000x128xf32, #tpu.memory_space<hbm>>) dst(%arg15 : memref<80x128xf32, #tpu.memory_space<vmem>>)
        "tpu.region"() ({
          %run_scoped3A_141 = tpu.sem_alloc : memref<!tpu.dma_semaphore, #tpu.memory_space<semaphore_mem>>
          %dma_start3A_142 = arith.constant 0 : i32
          %dma_start3A_143 = tpu.memref_slice %arg12[%add3A_116, %dma_start3A_142] : memref<25x80xi32, #tpu.memory_space<vmem>> -> memref<1x80xi32, #tpu.memory_space<vmem>>
          %dma_start3A_144 = tpu.memref_squeeze %dma_start3A_143 : memref<1x80xi32, #tpu.memory_space<vmem>> -> memref<80xi32, #tpu.memory_space<vmem>>
          %dma_start3A_145 = arith.constant 0 : i32
          %dma_start3A_146 = arith.constant 0 : i32
          %dma_start3A_147 = tpu.memref_slice %arg18[%dma_start3A_145, %dma_start3A_146] : memref<10000x128xf32, #tpu.memory_space<vmem_shared>> -> memref<10000x128xf32, #tpu.memory_space<vmem_shared>>
          tpu.enqueue_indirect_dma source(%arg15 : memref<80x128xf32, #tpu.memory_space<vmem>>) target(%dma_start3A_147 : memref<10000x128xf32, #tpu.memory_space<vmem_shared>>) offsets(%dma_start3A_144 : memref<80xi32, #tpu.memory_space<vmem>>) semaphore(%run_scoped3A_141 : memref<!tpu.dma_semaphore, #tpu.memory_space<semaphore_mem>>) {add = true}
          %dma_wait3A_148 = arith.constant 0 : i32
          %dma_wait3A_149 = tpu.memref_slice %arg12[%add3A_116, %dma_wait3A_148] : memref<25x80xi32, #tpu.memory_space<vmem>> -> memref<1x80xi32, #tpu.memory_space<vmem>>
          %dma_wait3A_150 = tpu.memref_squeeze %dma_wait3A_149 : memref<1x80xi32, #tpu.memory_space<vmem>> -> memref<80xi32, #tpu.memory_space<vmem>>
          %dma_wait3A_151 = arith.constant 0 : i32
          %dma_wait3A_152 = arith.constant 0 : i32
          %dma_wait3A_153 = tpu.memref_slice %arg18[%dma_wait3A_151, %dma_wait3A_152] : memref<10000x128xf32, #tpu.memory_space<vmem_shared>> -> memref<10000x128xf32, #tpu.memory_space<vmem_shared>>
          tpu.wait_indirect_dma semaphore(%run_scoped3A_141 : memref<!tpu.dma_semaphore, #tpu.memory_space<semaphore_mem>>) src(%arg15 : memref<80x128xf32, #tpu.memory_space<vmem>>) dst(%dma_wait3A_153 : memref<10000x128xf32, #tpu.memory_space<vmem_shared>>)
          tpu.yield
        }) : () -> ()
        %add3A_123 = arith.constant 2 : i32
        %add3A_124 = arith.addi %mul3A_86, %add3A_123 : i32
        %add3A_125 = arith.constant 2 : i32
        %add3A_126 = arith.addi %add3A_124, %add3A_125 : i32
        %dma_start3A_127 = arith.constant 0 : i32
        %dma_start3A_128 = tpu.memref_slice %arg11[%add3A_126, %dma_start3A_127] : memref<25x80xi32, #tpu.memory_space<vmem>> -> memref<1x80xi32, #tpu.memory_space<vmem>>
        %dma_start3A_129 = tpu.memref_squeeze %dma_start3A_128 : memref<1x80xi32, #tpu.memory_space<vmem>> -> memref<80xi32, #tpu.memory_space<vmem>>
        %dma_start3A_130 = arith.constant 0 : i32
        %dma_start3A_131 = arith.constant 0 : i32
        %dma_start3A_132 = tpu.memref_slice %arg2[%dma_start3A_130, %dma_start3A_131] : memref<10000x128xf32, #tpu.memory_space<hbm>> -> memref<10000x128xf32, #tpu.memory_space<hbm>>
        tpu.enqueue_indirect_dma source(%dma_start3A_132 : memref<10000x128xf32, #tpu.memory_space<hbm>>) target(%arg15 : memref<80x128xf32, #tpu.memory_space<vmem>>) offsets(%dma_start3A_129 : memref<80xi32, #tpu.memory_space<vmem>>) semaphore(%arg21 : memref<!tpu.dma_semaphore, #tpu.memory_space<semaphore_mem>>)
        %add3A_133 = arith.constant 2 : i32
        %add3A_134 = arith.addi %mul3A_86, %add3A_133 : i32
        %dma_wait3A_135 = arith.constant 0 : i32
        %dma_wait3A_136 = tpu.memref_slice %arg11[%add3A_134, %dma_wait3A_135] : memref<25x80xi32, #tpu.memory_space<vmem>> -> memref<1x80xi32, #tpu.memory_space<vmem>>
        %dma_wait3A_137 = tpu.memref_squeeze %dma_wait3A_136 : memref<1x80xi32, #tpu.memory_space<vmem>> -> memref<80xi32, #tpu.memory_space<vmem>>
        %dma_wait3A_138 = arith.constant 0 : i32
        %dma_wait3A_139 = arith.constant 0 : i32
        %dma_wait3A_140 = tpu.memref_slice %arg2[%dma_wait3A_138, %dma_wait3A_139] : memref<10000x128xf32, #tpu.memory_space<hbm>> -> memref<10000x128xf32, #tpu.memory_space<hbm>>
        tpu.wait_indirect_dma semaphore(%arg22 : memref<!tpu.dma_semaphore, #tpu.memory_space<semaphore_mem>>) src(%dma_wait3A_140 : memref<10000x128xf32, #tpu.memory_space<hbm>>) dst(%arg16 : memref<80x128xf32, #tpu.memory_space<vmem>>)
        "tpu.region"() ({
          %run_scoped3A_141 = tpu.sem_alloc : memref<!tpu.dma_semaphore, #tpu.memory_space<semaphore_mem>>
          %dma_start3A_142 = arith.constant 0 : i32
          %dma_start3A_143 = tpu.memref_slice %arg12[%add3A_134, %dma_start3A_142] : memref<25x80xi32, #tpu.memory_space<vmem>> -> memref<1x80xi32, #tpu.memory_space<vmem>>
          %dma_start3A_144 = tpu.memref_squeeze %dma_start3A_143 : memref<1x80xi32, #tpu.memory_space<vmem>> -> memref<80xi32, #tpu.memory_space<vmem>>
          %dma_start3A_145 = arith.constant 0 : i32
          %dma_start3A_146 = arith.constant 0 : i32
          %dma_start3A_147 = tpu.memref_slice %arg18[%dma_start3A_145, %dma_start3A_146] : memref<10000x128xf32, #tpu.memory_space<vmem_shared>> -> memref<10000x128xf32, #tpu.memory_space<vmem_shared>>
          tpu.enqueue_indirect_dma source(%arg16 : memref<80x128xf32, #tpu.memory_space<vmem>>) target(%dma_start3A_147 : memref<10000x128xf32, #tpu.memory_space<vmem_shared>>) offsets(%dma_start3A_144 : memref<80xi32, #tpu.memory_space<vmem>>) semaphore(%run_scoped3A_141 : memref<!tpu.dma_semaphore, #tpu.memory_space<semaphore_mem>>) {add = true}
          %dma_wait3A_148 = arith.constant 0 : i32
          %dma_wait3A_149 = tpu.memref_slice %arg12[%add3A_134, %dma_wait3A_148] : memref<25x80xi32, #tpu.memory_space<vmem>> -> memref<1x80xi32, #tpu.memory_space<vmem>>
          %dma_wait3A_150 = tpu.memref_squeeze %dma_wait3A_149 : memref<1x80xi32, #tpu.memory_space<vmem>> -> memref<80xi32, #tpu.memory_space<vmem>>
          %dma_wait3A_151 = arith.constant 0 : i32
          %dma_wait3A_152 = arith.constant 0 : i32
          %dma_wait3A_153 = tpu.memref_slice %arg18[%dma_wait3A_151, %dma_wait3A_152] : memref<10000x128xf32, #tpu.memory_space<vmem_shared>> -> memref<10000x128xf32, #tpu.memory_space<vmem_shared>>
          tpu.wait_indirect_dma semaphore(%run_scoped3A_141 : memref<!tpu.dma_semaphore, #tpu.memory_space<semaphore_mem>>) src(%arg16 : memref<80x128xf32, #tpu.memory_space<vmem>>) dst(%dma_wait3A_153 : memref<10000x128xf32, #tpu.memory_space<vmem_shared>>)
          tpu.yield
        }) : () -> ()
      }
      %scan3A_39 = arith.constant 7 : i32
      %dma_start3A_40 = arith.constant 23 : i32
      %dma_start3A_41 = arith.constant 0 : i32
      %dma_start3A_42 = tpu.memref_slice %arg11[%dma_start3A_40, %dma_start3A_41] : memref<25x80xi32, #tpu.memory_space<vmem>> -> memref<1x80xi32, #tpu.memory_space<vmem>>
      %dma_start3A_43 = tpu.memref_squeeze %dma_start3A_42 : memref<1x80xi32, #tpu.memory_space<vmem>> -> memref<80xi32, #tpu.memory_space<vmem>>
      %dma_start3A_44 = arith.constant 0 : i32
      %dma_start3A_45 = arith.constant 0 : i32
      %dma_start3A_46 = tpu.memref_slice %arg2[%dma_start3A_44, %dma_start3A_45] : memref<10000x128xf32, #tpu.memory_space<hbm>> -> memref<10000x128xf32, #tpu.memory_space<hbm>>
      tpu.enqueue_indirect_dma source(%dma_start3A_46 : memref<10000x128xf32, #tpu.memory_space<hbm>>) target(%arg16 : memref<80x128xf32, #tpu.memory_space<vmem>>) offsets(%dma_start3A_43 : memref<80xi32, #tpu.memory_space<vmem>>) semaphore(%arg22 : memref<!tpu.dma_semaphore, #tpu.memory_space<semaphore_mem>>)
      %dma_wait3A = arith.constant 21 : i32
      %dma_wait3A_47 = arith.constant 0 : i32
      %dma_wait3A_48 = tpu.memref_slice %arg11[%dma_wait3A, %dma_wait3A_47] : memref<25x80xi32, #tpu.memory_space<vmem>> -> memref<1x80xi32, #tpu.memory_space<vmem>>
      %dma_wait3A_49 = tpu.memref_squeeze %dma_wait3A_48 : memref<1x80xi32, #tpu.memory_space<vmem>> -> memref<80xi32, #tpu.memory_space<vmem>>
      %dma_wait3A_50 = arith.constant 0 : i32
      %dma_wait3A_51 = arith.constant 0 : i32
      %dma_wait3A_52 = tpu.memref_slice %arg2[%dma_wait3A_50, %dma_wait3A_51] : memref<10000x128xf32, #tpu.memory_space<hbm>> -> memref<10000x128xf32, #tpu.memory_space<hbm>>
      tpu.wait_indirect_dma semaphore(%arg20 : memref<!tpu.dma_semaphore, #tpu.memory_space<semaphore_mem>>) src(%dma_wait3A_52 : memref<10000x128xf32, #tpu.memory_space<hbm>>) dst(%arg14 : memref<80x128xf32, #tpu.memory_space<vmem>>)
      %run_scoped3A = arith.constant 21 : i32
      "tpu.region"() ({
        %run_scoped3A_84 = tpu.sem_alloc : memref<!tpu.dma_semaphore, #tpu.memory_space<semaphore_mem>>
        %dma_start3A_85 = arith.constant 0 : i32
        %dma_start3A_86 = tpu.memref_slice %arg12[%run_scoped3A, %dma_start3A_85] : memref<25x80xi32, #tpu.memory_space<vmem>> -> memref<1x80xi32, #tpu.memory_space<vmem>>
        %dma_start3A_87 = tpu.memref_squeeze %dma_start3A_86 : memref<1x80xi32, #tpu.memory_space<vmem>> -> memref<80xi32, #tpu.memory_space<vmem>>
        %dma_start3A_88 = arith.constant 0 : i32
        %dma_start3A_89 = arith.constant 0 : i32
        %dma_start3A_90 = tpu.memref_slice %arg18[%dma_start3A_88, %dma_start3A_89] : memref<10000x128xf32, #tpu.memory_space<vmem_shared>> -> memref<10000x128xf32, #tpu.memory_space<vmem_shared>>
        tpu.enqueue_indirect_dma source(%arg14 : memref<80x128xf32, #tpu.memory_space<vmem>>) target(%dma_start3A_90 : memref<10000x128xf32, #tpu.memory_space<vmem_shared>>) offsets(%dma_start3A_87 : memref<80xi32, #tpu.memory_space<vmem>>) semaphore(%run_scoped3A_84 : memref<!tpu.dma_semaphore, #tpu.memory_space<semaphore_mem>>) {add = true}
        %dma_wait3A_91 = arith.constant 0 : i32
        %dma_wait3A_92 = tpu.memref_slice %arg12[%run_scoped3A, %dma_wait3A_91] : memref<25x80xi32, #tpu.memory_space<vmem>> -> memref<1x80xi32, #tpu.memory_space<vmem>>
        %dma_wait3A_93 = tpu.memref_squeeze %dma_wait3A_92 : memref<1x80xi32, #tpu.memory_space<vmem>> -> memref<80xi32, #tpu.memory_space<vmem>>
        %dma_wait3A_94 = arith.constant 0 : i32
        %dma_wait3A_95 = arith.constant 0 : i32
        %dma_wait3A_96 = tpu.memref_slice %arg18[%dma_wait3A_94, %dma_wait3A_95] : memref<10000x128xf32, #tpu.memory_space<vmem_shared>> -> memref<10000x128xf32, #tpu.memory_space<vmem_shared>>
        tpu.wait_indirect_dma semaphore(%run_scoped3A_84 : memref<!tpu.dma_semaphore, #tpu.memory_space<semaphore_mem>>) src(%arg14 : memref<80x128xf32, #tpu.memory_space<vmem>>) dst(%dma_wait3A_96 : memref<10000x128xf32, #tpu.memory_space<vmem_shared>>)
        tpu.yield
      }) : () -> ()
      %dma_start3A_53 = arith.constant 24 : i32
      %dma_start3A_54 = arith.constant 0 : i32
      %dma_start3A_55 = tpu.memref_slice %arg11[%dma_start3A_53, %dma_start3A_54] : memref<25x80xi32, #tpu.memory_space<vmem>> -> memref<1x80xi32, #tpu.memory_space<vmem>>
      %dma_start3A_56 = tpu.memref_squeeze %dma_start3A_55 : memref<1x80xi32, #tpu.memory_space<vmem>> -> memref<80xi32, #tpu.memory_space<vmem>>
      %dma_start3A_57 = arith.constant 0 : i32
      %dma_start3A_58 = arith.constant 0 : i32
      %dma_start3A_59 = tpu.memref_slice %arg2[%dma_start3A_57, %dma_start3A_58] : memref<10000x128xf32, #tpu.memory_space<hbm>> -> memref<10000x128xf32, #tpu.memory_space<hbm>>
      tpu.enqueue_indirect_dma source(%dma_start3A_59 : memref<10000x128xf32, #tpu.memory_space<hbm>>) target(%arg14 : memref<80x128xf32, #tpu.memory_space<vmem>>) offsets(%dma_start3A_56 : memref<80xi32, #tpu.memory_space<vmem>>) semaphore(%arg20 : memref<!tpu.dma_semaphore, #tpu.memory_space<semaphore_mem>>)
      %dma_wait3A_60 = arith.constant 22 : i32
      %dma_wait3A_61 = arith.constant 0 : i32
      %dma_wait3A_62 = tpu.memref_slice %arg11[%dma_wait3A_60, %dma_wait3A_61] : memref<25x80xi32, #tpu.memory_space<vmem>> -> memref<1x80xi32, #tpu.memory_space<vmem>>
      %dma_wait3A_63 = tpu.memref_squeeze %dma_wait3A_62 : memref<1x80xi32, #tpu.memory_space<vmem>> -> memref<80xi32, #tpu.memory_space<vmem>>
      %dma_wait3A_64 = arith.constant 0 : i32
      %dma_wait3A_65 = arith.constant 0 : i32
      %dma_wait3A_66 = tpu.memref_slice %arg2[%dma_wait3A_64, %dma_wait3A_65] : memref<10000x128xf32, #tpu.memory_space<hbm>> -> memref<10000x128xf32, #tpu.memory_space<hbm>>
      tpu.wait_indirect_dma semaphore(%arg21 : memref<!tpu.dma_semaphore, #tpu.memory_space<semaphore_mem>>) src(%dma_wait3A_66 : memref<10000x128xf32, #tpu.memory_space<hbm>>) dst(%arg15 : memref<80x128xf32, #tpu.memory_space<vmem>>)
      %run_scoped3A_67 = arith.constant 22 : i32
      "tpu.region"() ({
        %run_scoped3A_84 = tpu.sem_alloc : memref<!tpu.dma_semaphore, #tpu.memory_space<semaphore_mem>>
        %dma_start3A_85 = arith.constant 0 : i32
        %dma_start3A_86 = tpu.memref_slice %arg12[%run_scoped3A_67, %dma_start3A_85] : memref<25x80xi32, #tpu.memory_space<vmem>> -> memref<1x80xi32, #tpu.memory_space<vmem>>
        %dma_start3A_87 = tpu.memref_squeeze %dma_start3A_86 : memref<1x80xi32, #tpu.memory_space<vmem>> -> memref<80xi32, #tpu.memory_space<vmem>>
        %dma_start3A_88 = arith.constant 0 : i32
        %dma_start3A_89 = arith.constant 0 : i32
        %dma_start3A_90 = tpu.memref_slice %arg18[%dma_start3A_88, %dma_start3A_89] : memref<10000x128xf32, #tpu.memory_space<vmem_shared>> -> memref<10000x128xf32, #tpu.memory_space<vmem_shared>>
        tpu.enqueue_indirect_dma source(%arg15 : memref<80x128xf32, #tpu.memory_space<vmem>>) target(%dma_start3A_90 : memref<10000x128xf32, #tpu.memory_space<vmem_shared>>) offsets(%dma_start3A_87 : memref<80xi32, #tpu.memory_space<vmem>>) semaphore(%run_scoped3A_84 : memref<!tpu.dma_semaphore, #tpu.memory_space<semaphore_mem>>) {add = true}
        %dma_wait3A_91 = arith.constant 0 : i32
        %dma_wait3A_92 = tpu.memref_slice %arg12[%run_scoped3A_67, %dma_wait3A_91] : memref<25x80xi32, #tpu.memory_space<vmem>> -> memref<1x80xi32, #tpu.memory_space<vmem>>
        %dma_wait3A_93 = tpu.memref_squeeze %dma_wait3A_92 : memref<1x80xi32, #tpu.memory_space<vmem>> -> memref<80xi32, #tpu.memory_space<vmem>>
        %dma_wait3A_94 = arith.constant 0 : i32
        %dma_wait3A_95 = arith.constant 0 : i32
        %dma_wait3A_96 = tpu.memref_slice %arg18[%dma_wait3A_94, %dma_wait3A_95] : memref<10000x128xf32, #tpu.memory_space<vmem_shared>> -> memref<10000x128xf32, #tpu.memory_space<vmem_shared>>
        tpu.wait_indirect_dma semaphore(%run_scoped3A_84 : memref<!tpu.dma_semaphore, #tpu.memory_space<semaphore_mem>>) src(%arg15 : memref<80x128xf32, #tpu.memory_space<vmem>>) dst(%dma_wait3A_96 : memref<10000x128xf32, #tpu.memory_space<vmem_shared>>)
        tpu.yield
      }) : () -> ()
      %dma_wait3A_68 = arith.constant 23 : i32
      %dma_wait3A_69 = arith.constant 0 : i32
      %dma_wait3A_70 = tpu.memref_slice %arg11[%dma_wait3A_68, %dma_wait3A_69] : memref<25x80xi32, #tpu.memory_space<vmem>> -> memref<1x80xi32, #tpu.memory_space<vmem>>
      %dma_wait3A_71 = tpu.memref_squeeze %dma_wait3A_70 : memref<1x80xi32, #tpu.memory_space<vmem>> -> memref<80xi32, #tpu.memory_space<vmem>>
      %dma_wait3A_72 = arith.constant 0 : i32
      %dma_wait3A_73 = arith.constant 0 : i32
      %dma_wait3A_74 = tpu.memref_slice %arg2[%dma_wait3A_72, %dma_wait3A_73] : memref<10000x128xf32, #tpu.memory_space<hbm>> -> memref<10000x128xf32, #tpu.memory_space<hbm>>
      tpu.wait_indirect_dma semaphore(%arg22 : memref<!tpu.dma_semaphore, #tpu.memory_space<semaphore_mem>>) src(%dma_wait3A_74 : memref<10000x128xf32, #tpu.memory_space<hbm>>) dst(%arg16 : memref<80x128xf32, #tpu.memory_space<vmem>>)
      %run_scoped3A_75 = arith.constant 23 : i32
      "tpu.region"() ({
        %run_scoped3A_84 = tpu.sem_alloc : memref<!tpu.dma_semaphore, #tpu.memory_space<semaphore_mem>>
        %dma_start3A_85 = arith.constant 0 : i32
        %dma_start3A_86 = tpu.memref_slice %arg12[%run_scoped3A_75, %dma_start3A_85] : memref<25x80xi32, #tpu.memory_space<vmem>> -> memref<1x80xi32, #tpu.memory_space<vmem>>
        %dma_start3A_87 = tpu.memref_squeeze %dma_start3A_86 : memref<1x80xi32, #tpu.memory_space<vmem>> -> memref<80xi32, #tpu.memory_space<vmem>>
        %dma_start3A_88 = arith.constant 0 : i32
        %dma_start3A_89 = arith.constant 0 : i32
        %dma_start3A_90 = tpu.memref_slice %arg18[%dma_start3A_88, %dma_start3A_89] : memref<10000x128xf32, #tpu.memory_space<vmem_shared>> -> memref<10000x128xf32, #tpu.memory_space<vmem_shared>>
        tpu.enqueue_indirect_dma source(%arg16 : memref<80x128xf32, #tpu.memory_space<vmem>>) target(%dma_start3A_90 : memref<10000x128xf32, #tpu.memory_space<vmem_shared>>) offsets(%dma_start3A_87 : memref<80xi32, #tpu.memory_space<vmem>>) semaphore(%run_scoped3A_84 : memref<!tpu.dma_semaphore, #tpu.memory_space<semaphore_mem>>) {add = true}
        %dma_wait3A_91 = arith.constant 0 : i32
        %dma_wait3A_92 = tpu.memref_slice %arg12[%run_scoped3A_75, %dma_wait3A_91] : memref<25x80xi32, #tpu.memory_space<vmem>> -> memref<1x80xi32, #tpu.memory_space<vmem>>
        %dma_wait3A_93 = tpu.memref_squeeze %dma_wait3A_92 : memref<1x80xi32, #tpu.memory_space<vmem>> -> memref<80xi32, #tpu.memory_space<vmem>>
        %dma_wait3A_94 = arith.constant 0 : i32
        %dma_wait3A_95 = arith.constant 0 : i32
        %dma_wait3A_96 = tpu.memref_slice %arg18[%dma_wait3A_94, %dma_wait3A_95] : memref<10000x128xf32, #tpu.memory_space<vmem_shared>> -> memref<10000x128xf32, #tpu.memory_space<vmem_shared>>
        tpu.wait_indirect_dma semaphore(%run_scoped3A_84 : memref<!tpu.dma_semaphore, #tpu.memory_space<semaphore_mem>>) src(%arg16 : memref<80x128xf32, #tpu.memory_space<vmem>>) dst(%dma_wait3A_96 : memref<10000x128xf32, #tpu.memory_space<vmem_shared>>)
        tpu.yield
      }) : () -> ()
      %dma_wait3A_76 = arith.constant 24 : i32
      %dma_wait3A_77 = arith.constant 0 : i32
      %dma_wait3A_78 = tpu.memref_slice %arg11[%dma_wait3A_76, %dma_wait3A_77] : memref<25x80xi32, #tpu.memory_space<vmem>> -> memref<1x80xi32, #tpu.memory_space<vmem>>
      %dma_wait3A_79 = tpu.memref_squeeze %dma_wait3A_78 : memref<1x80xi32, #tpu.memory_space<vmem>> -> memref<80xi32, #tpu.memory_space<vmem>>
      %dma_wait3A_80 = arith.constant 0 : i32
      %dma_wait3A_81 = arith.constant 0 : i32
      %dma_wait3A_82 = tpu.memref_slice %arg2[%dma_wait3A_80, %dma_wait3A_81] : memref<10000x128xf32, #tpu.memory_space<hbm>> -> memref<10000x128xf32, #tpu.memory_space<hbm>>
      tpu.wait_indirect_dma semaphore(%arg20 : memref<!tpu.dma_semaphore, #tpu.memory_space<semaphore_mem>>) src(%dma_wait3A_82 : memref<10000x128xf32, #tpu.memory_space<hbm>>) dst(%arg14 : memref<80x128xf32, #tpu.memory_space<vmem>>)
      %run_scoped3A_83 = arith.constant 24 : i32
      "tpu.region"() ({
        %run_scoped3A_84 = tpu.sem_alloc : memref<!tpu.dma_semaphore, #tpu.memory_space<semaphore_mem>>
        %dma_start3A_85 = arith.constant 0 : i32
        %dma_start3A_86 = tpu.memref_slice %arg12[%run_scoped3A_83, %dma_start3A_85] : memref<25x80xi32, #tpu.memory_space<vmem>> -> memref<1x80xi32, #tpu.memory_space<vmem>>
        %dma_start3A_87 = tpu.memref_squeeze %dma_start3A_86 : memref<1x80xi32, #tpu.memory_space<vmem>> -> memref<80xi32, #tpu.memory_space<vmem>>
        %dma_start3A_88 = arith.constant 0 : i32
        %dma_start3A_89 = arith.constant 0 : i32
        %dma_start3A_90 = tpu.memref_slice %arg18[%dma_start3A_88, %dma_start3A_89] : memref<10000x128xf32, #tpu.memory_space<vmem_shared>> -> memref<10000x128xf32, #tpu.memory_space<vmem_shared>>
        tpu.enqueue_indirect_dma source(%arg14 : memref<80x128xf32, #tpu.memory_space<vmem>>) target(%dma_start3A_90 : memref<10000x128xf32, #tpu.memory_space<vmem_shared>>) offsets(%dma_start3A_87 : memref<80xi32, #tpu.memory_space<vmem>>) semaphore(%run_scoped3A_84 : memref<!tpu.dma_semaphore, #tpu.memory_space<semaphore_mem>>) {add = true}
        %dma_wait3A_91 = arith.constant 0 : i32
        %dma_wait3A_92 = tpu.memref_slice %arg12[%run_scoped3A_83, %dma_wait3A_91] : memref<25x80xi32, #tpu.memory_space<vmem>> -> memref<1x80xi32, #tpu.memory_space<vmem>>
        %dma_wait3A_93 = tpu.memref_squeeze %dma_wait3A_92 : memref<1x80xi32, #tpu.memory_space<vmem>> -> memref<80xi32, #tpu.memory_space<vmem>>
        %dma_wait3A_94 = arith.constant 0 : i32
        %dma_wait3A_95 = arith.constant 0 : i32
        %dma_wait3A_96 = tpu.memref_slice %arg18[%dma_wait3A_94, %dma_wait3A_95] : memref<10000x128xf32, #tpu.memory_space<vmem_shared>> -> memref<10000x128xf32, #tpu.memory_space<vmem_shared>>
        tpu.wait_indirect_dma semaphore(%run_scoped3A_84 : memref<!tpu.dma_semaphore, #tpu.memory_space<semaphore_mem>>) src(%arg14 : memref<80x128xf32, #tpu.memory_space<vmem>>) dst(%dma_wait3A_96 : memref<10000x128xf32, #tpu.memory_space<vmem_shared>>)
        tpu.yield
      }) : () -> ()
    }
    %scan3A_7 = arith.constant 5 : i32
    %barrier3A_8 = arith.constant 0 : index
    tpu.barrier barrier_id(%barrier3A_8)
    %lt3A_9 = arith.constant 10 : i32
    %lt3A_10 = arith.cmpi slt, %arg1, %lt3A_9 : i32
    %convert_element_type3A_11 = arith.extui %lt3A_10 : i1 to i32
    %cond3A_12 = arith.constant 0 : i32
    %cond3A_13 = arith.cmpi ne, %convert_element_type3A_11, %cond3A_12 : i32
    scf.if %cond3A_13 {
      %mul3A_14 = arith.constant 1000 : i32
      %mul3A_15 = arith.muli %arg1, %mul3A_14 : i32
      %mul3A_16 = arith.constant 1000 : i32
      %mul3A_17 = arith.muli %arg1, %mul3A_16 : i32
      "tpu.region"() ({
        %run_scoped3A = tpu.sem_alloc : memref<!tpu.dma_semaphore, #tpu.memory_space<semaphore_mem>>
        %dma_start3A = arith.constant 0 : i32
        %dma_start3A_18 = tpu.memref_slice %arg8[%arg0, %mul3A_17, %dma_start3A] : memref<2x10000x128xf32, #tpu.memory_space<hbm>> -> memref<1x1000x128xf32, #tpu.memory_space<hbm>>
        %dma_start3A_19 = tpu.memref_squeeze %dma_start3A_18 : memref<1x1000x128xf32, #tpu.memory_space<hbm>> -> memref<1000x128xf32, #tpu.memory_space<hbm>>
        %dma_start3A_20 = arith.constant 0 : i32
        %dma_start3A_21 = tpu.memref_slice %arg18[%mul3A_15, %dma_start3A_20] : memref<10000x128xf32, #tpu.memory_space<vmem_shared>> -> memref<1000x128xf32, #tpu.memory_space<vmem_shared>>
        tpu.enqueue_dma source(%dma_start3A_21 : memref<1000x128xf32, #tpu.memory_space<vmem_shared>>) target(%dma_start3A_19 : memref<1000x128xf32, #tpu.memory_space<hbm>>) target_semaphore(%run_scoped3A : memref<!tpu.dma_semaphore, #tpu.memory_space<semaphore_mem>>)
        %dma_wait3A = arith.constant 0 : i32
        %dma_wait3A_22 = tpu.memref_slice %arg8[%arg0, %mul3A_17, %dma_wait3A] : memref<2x10000x128xf32, #tpu.memory_space<hbm>> -> memref<1x1000x128xf32, #tpu.memory_space<hbm>>
        %dma_wait3A_23 = tpu.memref_squeeze %dma_wait3A_22 : memref<1x1000x128xf32, #tpu.memory_space<hbm>> -> memref<1000x128xf32, #tpu.memory_space<hbm>>
        %dma_wait3A_24 = arith.constant 0 : i32
        %dma_wait3A_25 = tpu.memref_slice %arg18[%mul3A_15, %dma_wait3A_24] : memref<10000x128xf32, #tpu.memory_space<vmem_shared>> -> memref<1000x128xf32, #tpu.memory_space<vmem_shared>>
        tpu.wait_dma2 semaphore(%run_scoped3A : memref<!tpu.dma_semaphore, #tpu.memory_space<semaphore_mem>>) src(%dma_wait3A_25 : memref<1000x128xf32, #tpu.memory_space<vmem_shared>>) dst(%dma_wait3A_23 : memref<1000x128xf32, #tpu.memory_space<hbm>>)
        tpu.yield
      }) : () -> ()
    } else {
    }
    return
  }
}

#map = affine_map<(d0, d1) -> (0, 0)>
#map1 = affine_map<(d0, d1) -> (0, 0, 0)>
#map2 = affine_map<(d0, d1) -> (0)>
module attributes {stable_mosaic.version = 14 : i64} {
  func.func @sc_edge_aggr(%arg0: i32, %arg1: i32, %arg2: memref<10000x128xf32, #tpu.memory_space<hbm>>, %arg3: memref<160x25x80xi32, #tpu.memory_space<hbm>>, %arg4: memref<160x25x80xi32, #tpu.memory_space<hbm>>, %arg5: memref<160x25x80xf32, #tpu.memory_space<hbm>>, %arg6: memref<1000x128xf32, #tpu.memory_space<hbm>>, %arg7: memref<10240xf32, #tpu.memory_space<hbm>>, %arg8: memref<2x10000x128xf32, #tpu.memory_space<hbm>>, %arg9: memref<10240xf32, #tpu.memory_space<hbm>>, %arg10: memref<10240xf32, #tpu.memory_space<hbm>>, %arg11: memref<25x80xi32, #tpu.memory_space<vmem>>, %arg12: memref<25x80xi32, #tpu.memory_space<vmem>>, %arg13: memref<25x80xf32, #tpu.memory_space<vmem>>, %arg14: memref<80x128xf32, #tpu.memory_space<vmem>>, %arg15: memref<80x128xf32, #tpu.memory_space<vmem>>, %arg16: memref<80x128xf32, #tpu.memory_space<vmem>>, %arg17: memref<1024xf32, #tpu.memory_space<vmem>>, %arg18: memref<10000x128xf32, #tpu.memory_space<vmem_shared>>, %arg19: memref<10240xf32, #tpu.memory_space<vmem_shared>>, %arg20: memref<!tpu.dma_semaphore, #tpu.memory_space<semaphore_mem>>, %arg21: memref<!tpu.dma_semaphore, #tpu.memory_space<semaphore_mem>>, %arg22: memref<!tpu.dma_semaphore, #tpu.memory_space<semaphore_mem>>) attributes {dimension_semantics = [#tpu.dimension_semantics<core_parallel>, #tpu.dimension_semantics<subcore_parallel>], iteration_bounds = array<i64: 2, 16>, scalar_prefetch = 0 : i64, scratch_operands = 12 : i64, tpu.core_type = #tpu.core_type<sc_vector_subcore>, window_params = [{transform_indices = #map}, {transform_indices = #map1}, {transform_indices = #map1}, {transform_indices = #map1}, {transform_indices = #map}, {transform_indices = #map2}, {transform_indices = #map1}, {transform_indices = #map2}, {transform_indices = #map2}]} {
    %mul3A = arith.constant 2 : i32
    %mul3A_0 = arith.muli %arg1, %mul3A : i32
    %add3A = arith.addi %mul3A_0, %arg0 : i32
    %lt3A = arith.constant 10 : i32
    %lt3A_1 = arith.cmpi slt, %arg1, %lt3A : i32
    %convert_element_type3A = arith.extui %lt3A_1 : i1 to i32
    %cond3A = arith.constant 0 : i32
    %cond3A_2 = arith.cmpi ne, %convert_element_type3A, %cond3A : i32
    scf.if %cond3A_2 {
      %mul3A_14 = arith.constant 1000 : i32
      %mul3A_15 = arith.muli %arg1, %mul3A_14 : i32
      "tpu.region"() ({
        %run_scoped3A = tpu.sem_alloc : memref<!tpu.dma_semaphore, #tpu.memory_space<semaphore_mem>>
        %dma_start3A = arith.constant 0 : i32
        %dma_start3A_20 = tpu.memref_slice %arg18[%mul3A_15, %dma_start3A] : memref<10000x128xf32, #tpu.memory_space<vmem_shared>> -> memref<1000x128xf32, #tpu.memory_space<vmem_shared>>
        tpu.enqueue_dma source(%arg6 : memref<1000x128xf32, #tpu.memory_space<hbm>>) target(%dma_start3A_20 : memref<1000x128xf32, #tpu.memory_space<vmem_shared>>) target_semaphore(%run_scoped3A : memref<!tpu.dma_semaphore, #tpu.memory_space<semaphore_mem>>)
        %dma_wait3A = arith.constant 0 : i32
        %dma_wait3A_21 = tpu.memref_slice %arg18[%mul3A_15, %dma_wait3A] : memref<10000x128xf32, #tpu.memory_space<vmem_shared>> -> memref<1000x128xf32, #tpu.memory_space<vmem_shared>>
        tpu.wait_dma2 semaphore(%run_scoped3A : memref<!tpu.dma_semaphore, #tpu.memory_space<semaphore_mem>>) src(%arg6 : memref<1000x128xf32, #tpu.memory_space<hbm>>) dst(%dma_wait3A_21 : memref<1000x128xf32, #tpu.memory_space<vmem_shared>>)
        tpu.yield
      }) : () -> ()
      %mul3A_16 = arith.constant 1024 : i32
      %mul3A_17 = arith.muli %arg1, %mul3A_16 : i32
      "tpu.region"() ({
        %run_scoped3A = tpu.sem_alloc : memref<!tpu.dma_semaphore, #tpu.memory_space<semaphore_mem>>
        %dma_start3A = tpu.memref_slice %arg7[%mul3A_17] : memref<10240xf32, #tpu.memory_space<hbm>> -> memref<1024xf32, #tpu.memory_space<hbm>>
        %dma_start3A_20 = tpu.memref_slice %arg7[%mul3A_17] : memref<10240xf32, #tpu.memory_space<hbm>> -> memref<1024xf32, #tpu.memory_space<hbm>>
        tpu.enqueue_dma source(%dma_start3A_20 : memref<1024xf32, #tpu.memory_space<hbm>>) target(%arg17 : memref<1024xf32, #tpu.memory_space<vmem>>) target_semaphore(%run_scoped3A : memref<!tpu.dma_semaphore, #tpu.memory_space<semaphore_mem>>)
        %dma_wait3A = tpu.memref_slice %arg7[%mul3A_17] : memref<10240xf32, #tpu.memory_space<hbm>> -> memref<1024xf32, #tpu.memory_space<hbm>>
        %dma_wait3A_21 = tpu.memref_slice %arg7[%mul3A_17] : memref<10240xf32, #tpu.memory_space<hbm>> -> memref<1024xf32, #tpu.memory_space<hbm>>
        tpu.wait_dma2 semaphore(%run_scoped3A : memref<!tpu.dma_semaphore, #tpu.memory_space<semaphore_mem>>) src(%dma_wait3A_21 : memref<1024xf32, #tpu.memory_space<hbm>>) dst(%arg17 : memref<1024xf32, #tpu.memory_space<vmem>>)
        tpu.yield
      }) : () -> ()
      %mul3A_18 = arith.constant 1024 : i32
      %mul3A_19 = arith.muli %arg1, %mul3A_18 : i32
      "tpu.region"() ({
        %run_scoped3A = tpu.sem_alloc : memref<!tpu.dma_semaphore, #tpu.memory_space<semaphore_mem>>
        %dma_start3A = tpu.memref_slice %arg19[%mul3A_19] : memref<10240xf32, #tpu.memory_space<vmem_shared>> -> memref<1024xf32, #tpu.memory_space<vmem_shared>>
        %dma_start3A_20 = tpu.memref_slice %arg19[%mul3A_19] : memref<10240xf32, #tpu.memory_space<vmem_shared>> -> memref<1024xf32, #tpu.memory_space<vmem_shared>>
        tpu.enqueue_dma source(%arg17 : memref<1024xf32, #tpu.memory_space<vmem>>) target(%dma_start3A_20 : memref<1024xf32, #tpu.memory_space<vmem_shared>>) target_semaphore(%run_scoped3A : memref<!tpu.dma_semaphore, #tpu.memory_space<semaphore_mem>>)
        %dma_wait3A = tpu.memref_slice %arg19[%mul3A_19] : memref<10240xf32, #tpu.memory_space<vmem_shared>> -> memref<1024xf32, #tpu.memory_space<vmem_shared>>
        %dma_wait3A_21 = tpu.memref_slice %arg19[%mul3A_19] : memref<10240xf32, #tpu.memory_space<vmem_shared>> -> memref<1024xf32, #tpu.memory_space<vmem_shared>>
        tpu.wait_dma2 semaphore(%run_scoped3A : memref<!tpu.dma_semaphore, #tpu.memory_space<semaphore_mem>>) src(%arg17 : memref<1024xf32, #tpu.memory_space<vmem>>) dst(%dma_wait3A_21 : memref<1024xf32, #tpu.memory_space<vmem_shared>>)
        tpu.yield
      }) : () -> ()
    } else {
    }
    %barrier3A = arith.constant 0 : index
    tpu.barrier barrier_id(%barrier3A)
    %scan3A = arith.constant 0 : i32
    %scan3A_3 = arith.constant 0 : i32
    %scan3A_4 = arith.constant 5 : i32
    %scan3A_5 = arith.addi %scan3A_3, %scan3A_4 : i32
    %scan3A_6 = arith.constant 1 : i32
    scf.for %scan3A_14 = %scan3A_3 to %scan3A_5 step %scan3A_6  : i32 {
      %mul3A_15 = arith.constant 5 : i32
      %mul3A_16 = arith.muli %add3A, %mul3A_15 : i32
      %add3A_17 = arith.addi %mul3A_16, %scan3A_14 : i32
      "tpu.region"() ({
        %run_scoped3A_95 = tpu.sem_alloc : memref<!tpu.dma_semaphore, #tpu.memory_space<semaphore_mem>>
        %dma_start3A_96 = arith.constant 0 : i32
        %dma_start3A_97 = arith.constant 0 : i32
        %dma_start3A_98 = tpu.memref_slice %arg3[%add3A_17, %dma_start3A_96, %dma_start3A_97] : memref<160x25x80xi32, #tpu.memory_space<hbm>> -> memref<1x25x80xi32, #tpu.memory_space<hbm>>
        %dma_start3A_99 = tpu.memref_squeeze %dma_start3A_98 : memref<1x25x80xi32, #tpu.memory_space<hbm>> -> memref<25x80xi32, #tpu.memory_space<hbm>>
        %dma_start3A_100 = arith.constant 0 : i32
        %dma_start3A_101 = arith.constant 0 : i32
        %dma_start3A_102 = tpu.memref_slice %arg3[%add3A_17, %dma_start3A_100, %dma_start3A_101] : memref<160x25x80xi32, #tpu.memory_space<hbm>> -> memref<1x25x80xi32, #tpu.memory_space<hbm>>
        %dma_start3A_103 = tpu.memref_squeeze %dma_start3A_102 : memref<1x25x80xi32, #tpu.memory_space<hbm>> -> memref<25x80xi32, #tpu.memory_space<hbm>>
        tpu.enqueue_dma source(%dma_start3A_103 : memref<25x80xi32, #tpu.memory_space<hbm>>) target(%arg11 : memref<25x80xi32, #tpu.memory_space<vmem>>) target_semaphore(%run_scoped3A_95 : memref<!tpu.dma_semaphore, #tpu.memory_space<semaphore_mem>>)
        %dma_wait3A_104 = arith.constant 0 : i32
        %dma_wait3A_105 = arith.constant 0 : i32
        %dma_wait3A_106 = tpu.memref_slice %arg3[%add3A_17, %dma_wait3A_104, %dma_wait3A_105] : memref<160x25x80xi32, #tpu.memory_space<hbm>> -> memref<1x25x80xi32, #tpu.memory_space<hbm>>
        %dma_wait3A_107 = tpu.memref_squeeze %dma_wait3A_106 : memref<1x25x80xi32, #tpu.memory_space<hbm>> -> memref<25x80xi32, #tpu.memory_space<hbm>>
        %dma_wait3A_108 = arith.constant 0 : i32
        %dma_wait3A_109 = arith.constant 0 : i32
        %dma_wait3A_110 = tpu.memref_slice %arg3[%add3A_17, %dma_wait3A_108, %dma_wait3A_109] : memref<160x25x80xi32, #tpu.memory_space<hbm>> -> memref<1x25x80xi32, #tpu.memory_space<hbm>>
        %dma_wait3A_111 = tpu.memref_squeeze %dma_wait3A_110 : memref<1x25x80xi32, #tpu.memory_space<hbm>> -> memref<25x80xi32, #tpu.memory_space<hbm>>
        tpu.wait_dma2 semaphore(%run_scoped3A_95 : memref<!tpu.dma_semaphore, #tpu.memory_space<semaphore_mem>>) src(%dma_wait3A_111 : memref<25x80xi32, #tpu.memory_space<hbm>>) dst(%arg11 : memref<25x80xi32, #tpu.memory_space<vmem>>)
        tpu.yield
      }) : () -> ()
      %mul3A_18 = arith.constant 5 : i32
      %mul3A_19 = arith.muli %add3A, %mul3A_18 : i32
      %add3A_20 = arith.addi %mul3A_19, %scan3A_14 : i32
      "tpu.region"() ({
        %run_scoped3A_95 = tpu.sem_alloc : memref<!tpu.dma_semaphore, #tpu.memory_space<semaphore_mem>>
        %dma_start3A_96 = arith.constant 0 : i32
        %dma_start3A_97 = arith.constant 0 : i32
        %dma_start3A_98 = tpu.memref_slice %arg4[%add3A_20, %dma_start3A_96, %dma_start3A_97] : memref<160x25x80xi32, #tpu.memory_space<hbm>> -> memref<1x25x80xi32, #tpu.memory_space<hbm>>
        %dma_start3A_99 = tpu.memref_squeeze %dma_start3A_98 : memref<1x25x80xi32, #tpu.memory_space<hbm>> -> memref<25x80xi32, #tpu.memory_space<hbm>>
        %dma_start3A_100 = arith.constant 0 : i32
        %dma_start3A_101 = arith.constant 0 : i32
        %dma_start3A_102 = tpu.memref_slice %arg4[%add3A_20, %dma_start3A_100, %dma_start3A_101] : memref<160x25x80xi32, #tpu.memory_space<hbm>> -> memref<1x25x80xi32, #tpu.memory_space<hbm>>
        %dma_start3A_103 = tpu.memref_squeeze %dma_start3A_102 : memref<1x25x80xi32, #tpu.memory_space<hbm>> -> memref<25x80xi32, #tpu.memory_space<hbm>>
        tpu.enqueue_dma source(%dma_start3A_103 : memref<25x80xi32, #tpu.memory_space<hbm>>) target(%arg12 : memref<25x80xi32, #tpu.memory_space<vmem>>) target_semaphore(%run_scoped3A_95 : memref<!tpu.dma_semaphore, #tpu.memory_space<semaphore_mem>>)
        %dma_wait3A_104 = arith.constant 0 : i32
        %dma_wait3A_105 = arith.constant 0 : i32
        %dma_wait3A_106 = tpu.memref_slice %arg4[%add3A_20, %dma_wait3A_104, %dma_wait3A_105] : memref<160x25x80xi32, #tpu.memory_space<hbm>> -> memref<1x25x80xi32, #tpu.memory_space<hbm>>
        %dma_wait3A_107 = tpu.memref_squeeze %dma_wait3A_106 : memref<1x25x80xi32, #tpu.memory_space<hbm>> -> memref<25x80xi32, #tpu.memory_space<hbm>>
        %dma_wait3A_108 = arith.constant 0 : i32
        %dma_wait3A_109 = arith.constant 0 : i32
        %dma_wait3A_110 = tpu.memref_slice %arg4[%add3A_20, %dma_wait3A_108, %dma_wait3A_109] : memref<160x25x80xi32, #tpu.memory_space<hbm>> -> memref<1x25x80xi32, #tpu.memory_space<hbm>>
        %dma_wait3A_111 = tpu.memref_squeeze %dma_wait3A_110 : memref<1x25x80xi32, #tpu.memory_space<hbm>> -> memref<25x80xi32, #tpu.memory_space<hbm>>
        tpu.wait_dma2 semaphore(%run_scoped3A_95 : memref<!tpu.dma_semaphore, #tpu.memory_space<semaphore_mem>>) src(%dma_wait3A_111 : memref<25x80xi32, #tpu.memory_space<hbm>>) dst(%arg12 : memref<25x80xi32, #tpu.memory_space<vmem>>)
        tpu.yield
      }) : () -> ()
      %mul3A_21 = arith.constant 5 : i32
      %mul3A_22 = arith.muli %add3A, %mul3A_21 : i32
      %add3A_23 = arith.addi %mul3A_22, %scan3A_14 : i32
      "tpu.region"() ({
        %run_scoped3A_95 = tpu.sem_alloc : memref<!tpu.dma_semaphore, #tpu.memory_space<semaphore_mem>>
        %dma_start3A_96 = arith.constant 0 : i32
        %dma_start3A_97 = arith.constant 0 : i32
        %dma_start3A_98 = tpu.memref_slice %arg5[%add3A_23, %dma_start3A_96, %dma_start3A_97] : memref<160x25x80xf32, #tpu.memory_space<hbm>> -> memref<1x25x80xf32, #tpu.memory_space<hbm>>
        %dma_start3A_99 = tpu.memref_squeeze %dma_start3A_98 : memref<1x25x80xf32, #tpu.memory_space<hbm>> -> memref<25x80xf32, #tpu.memory_space<hbm>>
        %dma_start3A_100 = arith.constant 0 : i32
        %dma_start3A_101 = arith.constant 0 : i32
        %dma_start3A_102 = tpu.memref_slice %arg5[%add3A_23, %dma_start3A_100, %dma_start3A_101] : memref<160x25x80xf32, #tpu.memory_space<hbm>> -> memref<1x25x80xf32, #tpu.memory_space<hbm>>
        %dma_start3A_103 = tpu.memref_squeeze %dma_start3A_102 : memref<1x25x80xf32, #tpu.memory_space<hbm>> -> memref<25x80xf32, #tpu.memory_space<hbm>>
        tpu.enqueue_dma source(%dma_start3A_103 : memref<25x80xf32, #tpu.memory_space<hbm>>) target(%arg13 : memref<25x80xf32, #tpu.memory_space<vmem>>) target_semaphore(%run_scoped3A_95 : memref<!tpu.dma_semaphore, #tpu.memory_space<semaphore_mem>>)
        %dma_wait3A_104 = arith.constant 0 : i32
        %dma_wait3A_105 = arith.constant 0 : i32
        %dma_wait3A_106 = tpu.memref_slice %arg5[%add3A_23, %dma_wait3A_104, %dma_wait3A_105] : memref<160x25x80xf32, #tpu.memory_space<hbm>> -> memref<1x25x80xf32, #tpu.memory_space<hbm>>
        %dma_wait3A_107 = tpu.memref_squeeze %dma_wait3A_106 : memref<1x25x80xf32, #tpu.memory_space<hbm>> -> memref<25x80xf32, #tpu.memory_space<hbm>>
        %dma_wait3A_108 = arith.constant 0 : i32
        %dma_wait3A_109 = arith.constant 0 : i32
        %dma_wait3A_110 = tpu.memref_slice %arg5[%add3A_23, %dma_wait3A_108, %dma_wait3A_109] : memref<160x25x80xf32, #tpu.memory_space<hbm>> -> memref<1x25x80xf32, #tpu.memory_space<hbm>>
        %dma_wait3A_111 = tpu.memref_squeeze %dma_wait3A_110 : memref<1x25x80xf32, #tpu.memory_space<hbm>> -> memref<25x80xf32, #tpu.memory_space<hbm>>
        tpu.wait_dma2 semaphore(%run_scoped3A_95 : memref<!tpu.dma_semaphore, #tpu.memory_space<semaphore_mem>>) src(%dma_wait3A_111 : memref<25x80xf32, #tpu.memory_space<hbm>>) dst(%arg13 : memref<25x80xf32, #tpu.memory_space<vmem>>)
        tpu.yield
      }) : () -> ()
      %dma_start3A = arith.constant 0 : i32
      %dma_start3A_24 = arith.constant 0 : i32
      %dma_start3A_25 = tpu.memref_slice %arg11[%dma_start3A, %dma_start3A_24] : memref<25x80xi32, #tpu.memory_space<vmem>> -> memref<1x80xi32, #tpu.memory_space<vmem>>
      %dma_start3A_26 = tpu.memref_squeeze %dma_start3A_25 : memref<1x80xi32, #tpu.memory_space<vmem>> -> memref<80xi32, #tpu.memory_space<vmem>>
      %dma_start3A_27 = arith.constant 0 : i32
      %dma_start3A_28 = arith.constant 0 : i32
      %dma_start3A_29 = tpu.memref_slice %arg2[%dma_start3A_27, %dma_start3A_28] : memref<10000x128xf32, #tpu.memory_space<hbm>> -> memref<10000x128xf32, #tpu.memory_space<hbm>>
      tpu.enqueue_indirect_dma source(%dma_start3A_29 : memref<10000x128xf32, #tpu.memory_space<hbm>>) target(%arg14 : memref<80x128xf32, #tpu.memory_space<vmem>>) offsets(%dma_start3A_26 : memref<80xi32, #tpu.memory_space<vmem>>) semaphore(%arg20 : memref<!tpu.dma_semaphore, #tpu.memory_space<semaphore_mem>>)
      %dma_start3A_30 = arith.constant 1 : i32
      %dma_start3A_31 = arith.constant 0 : i32
      %dma_start3A_32 = tpu.memref_slice %arg11[%dma_start3A_30, %dma_start3A_31] : memref<25x80xi32, #tpu.memory_space<vmem>> -> memref<1x80xi32, #tpu.memory_space<vmem>>
      %dma_start3A_33 = tpu.memref_squeeze %dma_start3A_32 : memref<1x80xi32, #tpu.memory_space<vmem>> -> memref<80xi32, #tpu.memory_space<vmem>>
      %dma_start3A_34 = arith.constant 0 : i32
      %dma_start3A_35 = arith.constant 0 : i32
      %dma_start3A_36 = tpu.memref_slice %arg2[%dma_start3A_34, %dma_start3A_35] : memref<10000x128xf32, #tpu.memory_space<hbm>> -> memref<10000x128xf32, #tpu.memory_space<hbm>>
      tpu.enqueue_indirect_dma source(%dma_start3A_36 : memref<10000x128xf32, #tpu.memory_space<hbm>>) target(%arg15 : memref<80x128xf32, #tpu.memory_space<vmem>>) offsets(%dma_start3A_33 : memref<80xi32, #tpu.memory_space<vmem>>) semaphore(%arg21 : memref<!tpu.dma_semaphore, #tpu.memory_space<semaphore_mem>>)
      %scan3A_37 = arith.constant 0 : i32
      %scan3A_38 = arith.constant 0 : i32
      %scan3A_39 = arith.constant 7 : i32
      %scan3A_40 = arith.addi %scan3A_38, %scan3A_39 : i32
      %scan3A_41 = arith.constant 1 : i32
      scf.for %scan3A_95 = %scan3A_38 to %scan3A_40 step %scan3A_41  : i32 {
        %mul3A_96 = arith.constant 3 : i32
        %mul3A_97 = arith.muli %mul3A_96, %scan3A_95 : i32
        %add3A_98 = arith.constant 0 : i32
        %add3A_99 = arith.addi %mul3A_97, %add3A_98 : i32
        %add3A_100 = arith.constant 2 : i32
        %add3A_101 = arith.addi %add3A_99, %add3A_100 : i32
        %dma_start3A_102 = arith.constant 0 : i32
        %dma_start3A_103 = tpu.memref_slice %arg11[%add3A_101, %dma_start3A_102] : memref<25x80xi32, #tpu.memory_space<vmem>> -> memref<1x80xi32, #tpu.memory_space<vmem>>
        %dma_start3A_104 = tpu.memref_squeeze %dma_start3A_103 : memref<1x80xi32, #tpu.memory_space<vmem>> -> memref<80xi32, #tpu.memory_space<vmem>>
        %dma_start3A_105 = arith.constant 0 : i32
        %dma_start3A_106 = arith.constant 0 : i32
        %dma_start3A_107 = tpu.memref_slice %arg2[%dma_start3A_105, %dma_start3A_106] : memref<10000x128xf32, #tpu.memory_space<hbm>> -> memref<10000x128xf32, #tpu.memory_space<hbm>>
        tpu.enqueue_indirect_dma source(%dma_start3A_107 : memref<10000x128xf32, #tpu.memory_space<hbm>>) target(%arg16 : memref<80x128xf32, #tpu.memory_space<vmem>>) offsets(%dma_start3A_104 : memref<80xi32, #tpu.memory_space<vmem>>) semaphore(%arg22 : memref<!tpu.dma_semaphore, #tpu.memory_space<semaphore_mem>>)
        %add3A_108 = arith.constant 0 : i32
        %add3A_109 = arith.addi %mul3A_97, %add3A_108 : i32
        %dma_wait3A_110 = arith.constant 0 : i32
        %dma_wait3A_111 = tpu.memref_slice %arg11[%add3A_109, %dma_wait3A_110] : memref<25x80xi32, #tpu.memory_space<vmem>> -> memref<1x80xi32, #tpu.memory_space<vmem>>
        %dma_wait3A_112 = tpu.memref_squeeze %dma_wait3A_111 : memref<1x80xi32, #tpu.memory_space<vmem>> -> memref<80xi32, #tpu.memory_space<vmem>>
        %dma_wait3A_113 = arith.constant 0 : i32
        %dma_wait3A_114 = arith.constant 0 : i32
        %dma_wait3A_115 = tpu.memref_slice %arg2[%dma_wait3A_113, %dma_wait3A_114] : memref<10000x128xf32, #tpu.memory_space<hbm>> -> memref<10000x128xf32, #tpu.memory_space<hbm>>
        tpu.wait_indirect_dma semaphore(%arg20 : memref<!tpu.dma_semaphore, #tpu.memory_space<semaphore_mem>>) src(%dma_wait3A_115 : memref<10000x128xf32, #tpu.memory_space<hbm>>) dst(%arg14 : memref<80x128xf32, #tpu.memory_space<vmem>>)
        "tpu.region"() ({
          %run_scoped3A_152 = tpu.sem_alloc : memref<!tpu.dma_semaphore, #tpu.memory_space<semaphore_mem>>
          %dma_start3A_153 = arith.constant 0 : i32
          %dma_start3A_154 = tpu.memref_slice %arg12[%add3A_109, %dma_start3A_153] : memref<25x80xi32, #tpu.memory_space<vmem>> -> memref<1x80xi32, #tpu.memory_space<vmem>>
          %dma_start3A_155 = tpu.memref_squeeze %dma_start3A_154 : memref<1x80xi32, #tpu.memory_space<vmem>> -> memref<80xi32, #tpu.memory_space<vmem>>
          %dma_start3A_156 = arith.constant 0 : i32
          %dma_start3A_157 = arith.constant 0 : i32
          %dma_start3A_158 = tpu.memref_slice %arg18[%dma_start3A_156, %dma_start3A_157] : memref<10000x128xf32, #tpu.memory_space<vmem_shared>> -> memref<10000x128xf32, #tpu.memory_space<vmem_shared>>
          tpu.enqueue_indirect_dma source(%arg14 : memref<80x128xf32, #tpu.memory_space<vmem>>) target(%dma_start3A_158 : memref<10000x128xf32, #tpu.memory_space<vmem_shared>>) offsets(%dma_start3A_155 : memref<80xi32, #tpu.memory_space<vmem>>) semaphore(%run_scoped3A_152 : memref<!tpu.dma_semaphore, #tpu.memory_space<semaphore_mem>>) {add = true}
          %dma_wait3A_159 = arith.constant 0 : i32
          %dma_wait3A_160 = tpu.memref_slice %arg12[%add3A_109, %dma_wait3A_159] : memref<25x80xi32, #tpu.memory_space<vmem>> -> memref<1x80xi32, #tpu.memory_space<vmem>>
          %dma_wait3A_161 = tpu.memref_squeeze %dma_wait3A_160 : memref<1x80xi32, #tpu.memory_space<vmem>> -> memref<80xi32, #tpu.memory_space<vmem>>
          %dma_wait3A_162 = arith.constant 0 : i32
          %dma_wait3A_163 = arith.constant 0 : i32
          %dma_wait3A_164 = tpu.memref_slice %arg18[%dma_wait3A_162, %dma_wait3A_163] : memref<10000x128xf32, #tpu.memory_space<vmem_shared>> -> memref<10000x128xf32, #tpu.memory_space<vmem_shared>>
          tpu.wait_indirect_dma semaphore(%run_scoped3A_152 : memref<!tpu.dma_semaphore, #tpu.memory_space<semaphore_mem>>) src(%arg14 : memref<80x128xf32, #tpu.memory_space<vmem>>) dst(%dma_wait3A_164 : memref<10000x128xf32, #tpu.memory_space<vmem_shared>>)
          tpu.yield
        }) : () -> ()
        "tpu.region"() ({
          %run_scoped3A_152 = tpu.sem_alloc : memref<!tpu.dma_semaphore, #tpu.memory_space<semaphore_mem>>
          %dma_start3A_153 = arith.constant 0 : i32
          %dma_start3A_154 = tpu.memref_slice %arg13[%add3A_109, %dma_start3A_153] : memref<25x80xf32, #tpu.memory_space<vmem>> -> memref<1x80xf32, #tpu.memory_space<vmem>>
          %dma_start3A_155 = tpu.memref_squeeze %dma_start3A_154 : memref<1x80xf32, #tpu.memory_space<vmem>> -> memref<80xf32, #tpu.memory_space<vmem>>
          %dma_start3A_156 = arith.constant 0 : i32
          %dma_start3A_157 = tpu.memref_slice %arg12[%add3A_109, %dma_start3A_156] : memref<25x80xi32, #tpu.memory_space<vmem>> -> memref<1x80xi32, #tpu.memory_space<vmem>>
          %dma_start3A_158 = tpu.memref_squeeze %dma_start3A_157 : memref<1x80xi32, #tpu.memory_space<vmem>> -> memref<80xi32, #tpu.memory_space<vmem>>
          %dma_start3A_159 = arith.constant 0 : i32
          %dma_start3A_160 = tpu.memref_slice %arg19[%dma_start3A_159] : memref<10240xf32, #tpu.memory_space<vmem_shared>> -> memref<10240xf32, #tpu.memory_space<vmem_shared>>
          tpu.enqueue_indirect_dma source(%dma_start3A_155 : memref<80xf32, #tpu.memory_space<vmem>>) target(%dma_start3A_160 : memref<10240xf32, #tpu.memory_space<vmem_shared>>) offsets(%dma_start3A_158 : memref<80xi32, #tpu.memory_space<vmem>>) semaphore(%run_scoped3A_152 : memref<!tpu.dma_semaphore, #tpu.memory_space<semaphore_mem>>) {add = true}
          %dma_wait3A_161 = arith.constant 0 : i32
          %dma_wait3A_162 = tpu.memref_slice %arg13[%add3A_109, %dma_wait3A_161] : memref<25x80xf32, #tpu.memory_space<vmem>> -> memref<1x80xf32, #tpu.memory_space<vmem>>
          %dma_wait3A_163 = tpu.memref_squeeze %dma_wait3A_162 : memref<1x80xf32, #tpu.memory_space<vmem>> -> memref<80xf32, #tpu.memory_space<vmem>>
          %dma_wait3A_164 = arith.constant 0 : i32
          %dma_wait3A_165 = tpu.memref_slice %arg12[%add3A_109, %dma_wait3A_164] : memref<25x80xi32, #tpu.memory_space<vmem>> -> memref<1x80xi32, #tpu.memory_space<vmem>>
          %dma_wait3A_166 = tpu.memref_squeeze %dma_wait3A_165 : memref<1x80xi32, #tpu.memory_space<vmem>> -> memref<80xi32, #tpu.memory_space<vmem>>
          %dma_wait3A_167 = arith.constant 0 : i32
          %dma_wait3A_168 = tpu.memref_slice %arg19[%dma_wait3A_167] : memref<10240xf32, #tpu.memory_space<vmem_shared>> -> memref<10240xf32, #tpu.memory_space<vmem_shared>>
          tpu.wait_indirect_dma semaphore(%run_scoped3A_152 : memref<!tpu.dma_semaphore, #tpu.memory_space<semaphore_mem>>) src(%dma_wait3A_163 : memref<80xf32, #tpu.memory_space<vmem>>) dst(%dma_wait3A_168 : memref<10240xf32, #tpu.memory_space<vmem_shared>>)
          tpu.yield
        }) : () -> ()
        %add3A_116 = arith.constant 1 : i32
        %add3A_117 = arith.addi %mul3A_97, %add3A_116 : i32
        %add3A_118 = arith.constant 2 : i32
        %add3A_119 = arith.addi %add3A_117, %add3A_118 : i32
        %dma_start3A_120 = arith.constant 0 : i32
        %dma_start3A_121 = tpu.memref_slice %arg11[%add3A_119, %dma_start3A_120] : memref<25x80xi32, #tpu.memory_space<vmem>> -> memref<1x80xi32, #tpu.memory_space<vmem>>
        %dma_start3A_122 = tpu.memref_squeeze %dma_start3A_121 : memref<1x80xi32, #tpu.memory_space<vmem>> -> memref<80xi32, #tpu.memory_space<vmem>>
        %dma_start3A_123 = arith.constant 0 : i32
        %dma_start3A_124 = arith.constant 0 : i32
        %dma_start3A_125 = tpu.memref_slice %arg2[%dma_start3A_123, %dma_start3A_124] : memref<10000x128xf32, #tpu.memory_space<hbm>> -> memref<10000x128xf32, #tpu.memory_space<hbm>>
        tpu.enqueue_indirect_dma source(%dma_start3A_125 : memref<10000x128xf32, #tpu.memory_space<hbm>>) target(%arg14 : memref<80x128xf32, #tpu.memory_space<vmem>>) offsets(%dma_start3A_122 : memref<80xi32, #tpu.memory_space<vmem>>) semaphore(%arg20 : memref<!tpu.dma_semaphore, #tpu.memory_space<semaphore_mem>>)
        %add3A_126 = arith.constant 1 : i32
        %add3A_127 = arith.addi %mul3A_97, %add3A_126 : i32
        %dma_wait3A_128 = arith.constant 0 : i32
        %dma_wait3A_129 = tpu.memref_slice %arg11[%add3A_127, %dma_wait3A_128] : memref<25x80xi32, #tpu.memory_space<vmem>> -> memref<1x80xi32, #tpu.memory_space<vmem>>
        %dma_wait3A_130 = tpu.memref_squeeze %dma_wait3A_129 : memref<1x80xi32, #tpu.memory_space<vmem>> -> memref<80xi32, #tpu.memory_space<vmem>>
        %dma_wait3A_131 = arith.constant 0 : i32
        %dma_wait3A_132 = arith.constant 0 : i32
        %dma_wait3A_133 = tpu.memref_slice %arg2[%dma_wait3A_131, %dma_wait3A_132] : memref<10000x128xf32, #tpu.memory_space<hbm>> -> memref<10000x128xf32, #tpu.memory_space<hbm>>
        tpu.wait_indirect_dma semaphore(%arg21 : memref<!tpu.dma_semaphore, #tpu.memory_space<semaphore_mem>>) src(%dma_wait3A_133 : memref<10000x128xf32, #tpu.memory_space<hbm>>) dst(%arg15 : memref<80x128xf32, #tpu.memory_space<vmem>>)
        "tpu.region"() ({
          %run_scoped3A_152 = tpu.sem_alloc : memref<!tpu.dma_semaphore, #tpu.memory_space<semaphore_mem>>
          %dma_start3A_153 = arith.constant 0 : i32
          %dma_start3A_154 = tpu.memref_slice %arg12[%add3A_127, %dma_start3A_153] : memref<25x80xi32, #tpu.memory_space<vmem>> -> memref<1x80xi32, #tpu.memory_space<vmem>>
          %dma_start3A_155 = tpu.memref_squeeze %dma_start3A_154 : memref<1x80xi32, #tpu.memory_space<vmem>> -> memref<80xi32, #tpu.memory_space<vmem>>
          %dma_start3A_156 = arith.constant 0 : i32
          %dma_start3A_157 = arith.constant 0 : i32
          %dma_start3A_158 = tpu.memref_slice %arg18[%dma_start3A_156, %dma_start3A_157] : memref<10000x128xf32, #tpu.memory_space<vmem_shared>> -> memref<10000x128xf32, #tpu.memory_space<vmem_shared>>
          tpu.enqueue_indirect_dma source(%arg15 : memref<80x128xf32, #tpu.memory_space<vmem>>) target(%dma_start3A_158 : memref<10000x128xf32, #tpu.memory_space<vmem_shared>>) offsets(%dma_start3A_155 : memref<80xi32, #tpu.memory_space<vmem>>) semaphore(%run_scoped3A_152 : memref<!tpu.dma_semaphore, #tpu.memory_space<semaphore_mem>>) {add = true}
          %dma_wait3A_159 = arith.constant 0 : i32
          %dma_wait3A_160 = tpu.memref_slice %arg12[%add3A_127, %dma_wait3A_159] : memref<25x80xi32, #tpu.memory_space<vmem>> -> memref<1x80xi32, #tpu.memory_space<vmem>>
          %dma_wait3A_161 = tpu.memref_squeeze %dma_wait3A_160 : memref<1x80xi32, #tpu.memory_space<vmem>> -> memref<80xi32, #tpu.memory_space<vmem>>
          %dma_wait3A_162 = arith.constant 0 : i32
          %dma_wait3A_163 = arith.constant 0 : i32
          %dma_wait3A_164 = tpu.memref_slice %arg18[%dma_wait3A_162, %dma_wait3A_163] : memref<10000x128xf32, #tpu.memory_space<vmem_shared>> -> memref<10000x128xf32, #tpu.memory_space<vmem_shared>>
          tpu.wait_indirect_dma semaphore(%run_scoped3A_152 : memref<!tpu.dma_semaphore, #tpu.memory_space<semaphore_mem>>) src(%arg15 : memref<80x128xf32, #tpu.memory_space<vmem>>) dst(%dma_wait3A_164 : memref<10000x128xf32, #tpu.memory_space<vmem_shared>>)
          tpu.yield
        }) : () -> ()
        "tpu.region"() ({
          %run_scoped3A_152 = tpu.sem_alloc : memref<!tpu.dma_semaphore, #tpu.memory_space<semaphore_mem>>
          %dma_start3A_153 = arith.constant 0 : i32
          %dma_start3A_154 = tpu.memref_slice %arg13[%add3A_127, %dma_start3A_153] : memref<25x80xf32, #tpu.memory_space<vmem>> -> memref<1x80xf32, #tpu.memory_space<vmem>>
          %dma_start3A_155 = tpu.memref_squeeze %dma_start3A_154 : memref<1x80xf32, #tpu.memory_space<vmem>> -> memref<80xf32, #tpu.memory_space<vmem>>
          %dma_start3A_156 = arith.constant 0 : i32
          %dma_start3A_157 = tpu.memref_slice %arg12[%add3A_127, %dma_start3A_156] : memref<25x80xi32, #tpu.memory_space<vmem>> -> memref<1x80xi32, #tpu.memory_space<vmem>>
          %dma_start3A_158 = tpu.memref_squeeze %dma_start3A_157 : memref<1x80xi32, #tpu.memory_space<vmem>> -> memref<80xi32, #tpu.memory_space<vmem>>
          %dma_start3A_159 = arith.constant 0 : i32
          %dma_start3A_160 = tpu.memref_slice %arg19[%dma_start3A_159] : memref<10240xf32, #tpu.memory_space<vmem_shared>> -> memref<10240xf32, #tpu.memory_space<vmem_shared>>
          tpu.enqueue_indirect_dma source(%dma_start3A_155 : memref<80xf32, #tpu.memory_space<vmem>>) target(%dma_start3A_160 : memref<10240xf32, #tpu.memory_space<vmem_shared>>) offsets(%dma_start3A_158 : memref<80xi32, #tpu.memory_space<vmem>>) semaphore(%run_scoped3A_152 : memref<!tpu.dma_semaphore, #tpu.memory_space<semaphore_mem>>) {add = true}
          %dma_wait3A_161 = arith.constant 0 : i32
          %dma_wait3A_162 = tpu.memref_slice %arg13[%add3A_127, %dma_wait3A_161] : memref<25x80xf32, #tpu.memory_space<vmem>> -> memref<1x80xf32, #tpu.memory_space<vmem>>
          %dma_wait3A_163 = tpu.memref_squeeze %dma_wait3A_162 : memref<1x80xf32, #tpu.memory_space<vmem>> -> memref<80xf32, #tpu.memory_space<vmem>>
          %dma_wait3A_164 = arith.constant 0 : i32
          %dma_wait3A_165 = tpu.memref_slice %arg12[%add3A_127, %dma_wait3A_164] : memref<25x80xi32, #tpu.memory_space<vmem>> -> memref<1x80xi32, #tpu.memory_space<vmem>>
          %dma_wait3A_166 = tpu.memref_squeeze %dma_wait3A_165 : memref<1x80xi32, #tpu.memory_space<vmem>> -> memref<80xi32, #tpu.memory_space<vmem>>
          %dma_wait3A_167 = arith.constant 0 : i32
          %dma_wait3A_168 = tpu.memref_slice %arg19[%dma_wait3A_167] : memref<10240xf32, #tpu.memory_space<vmem_shared>> -> memref<10240xf32, #tpu.memory_space<vmem_shared>>
          tpu.wait_indirect_dma semaphore(%run_scoped3A_152 : memref<!tpu.dma_semaphore, #tpu.memory_space<semaphore_mem>>) src(%dma_wait3A_163 : memref<80xf32, #tpu.memory_space<vmem>>) dst(%dma_wait3A_168 : memref<10240xf32, #tpu.memory_space<vmem_shared>>)
          tpu.yield
        }) : () -> ()
        %add3A_134 = arith.constant 2 : i32
        %add3A_135 = arith.addi %mul3A_97, %add3A_134 : i32
        %add3A_136 = arith.constant 2 : i32
        %add3A_137 = arith.addi %add3A_135, %add3A_136 : i32
        %dma_start3A_138 = arith.constant 0 : i32
        %dma_start3A_139 = tpu.memref_slice %arg11[%add3A_137, %dma_start3A_138] : memref<25x80xi32, #tpu.memory_space<vmem>> -> memref<1x80xi32, #tpu.memory_space<vmem>>
        %dma_start3A_140 = tpu.memref_squeeze %dma_start3A_139 : memref<1x80xi32, #tpu.memory_space<vmem>> -> memref<80xi32, #tpu.memory_space<vmem>>
        %dma_start3A_141 = arith.constant 0 : i32
        %dma_start3A_142 = arith.constant 0 : i32
        %dma_start3A_143 = tpu.memref_slice %arg2[%dma_start3A_141, %dma_start3A_142] : memref<10000x128xf32, #tpu.memory_space<hbm>> -> memref<10000x128xf32, #tpu.memory_space<hbm>>
        tpu.enqueue_indirect_dma source(%dma_start3A_143 : memref<10000x128xf32, #tpu.memory_space<hbm>>) target(%arg15 : memref<80x128xf32, #tpu.memory_space<vmem>>) offsets(%dma_start3A_140 : memref<80xi32, #tpu.memory_space<vmem>>) semaphore(%arg21 : memref<!tpu.dma_semaphore, #tpu.memory_space<semaphore_mem>>)
        %add3A_144 = arith.constant 2 : i32
        %add3A_145 = arith.addi %mul3A_97, %add3A_144 : i32
        %dma_wait3A_146 = arith.constant 0 : i32
        %dma_wait3A_147 = tpu.memref_slice %arg11[%add3A_145, %dma_wait3A_146] : memref<25x80xi32, #tpu.memory_space<vmem>> -> memref<1x80xi32, #tpu.memory_space<vmem>>
        %dma_wait3A_148 = tpu.memref_squeeze %dma_wait3A_147 : memref<1x80xi32, #tpu.memory_space<vmem>> -> memref<80xi32, #tpu.memory_space<vmem>>
        %dma_wait3A_149 = arith.constant 0 : i32
        %dma_wait3A_150 = arith.constant 0 : i32
        %dma_wait3A_151 = tpu.memref_slice %arg2[%dma_wait3A_149, %dma_wait3A_150] : memref<10000x128xf32, #tpu.memory_space<hbm>> -> memref<10000x128xf32, #tpu.memory_space<hbm>>
        tpu.wait_indirect_dma semaphore(%arg22 : memref<!tpu.dma_semaphore, #tpu.memory_space<semaphore_mem>>) src(%dma_wait3A_151 : memref<10000x128xf32, #tpu.memory_space<hbm>>) dst(%arg16 : memref<80x128xf32, #tpu.memory_space<vmem>>)
        "tpu.region"() ({
          %run_scoped3A_152 = tpu.sem_alloc : memref<!tpu.dma_semaphore, #tpu.memory_space<semaphore_mem>>
          %dma_start3A_153 = arith.constant 0 : i32
          %dma_start3A_154 = tpu.memref_slice %arg12[%add3A_145, %dma_start3A_153] : memref<25x80xi32, #tpu.memory_space<vmem>> -> memref<1x80xi32, #tpu.memory_space<vmem>>
          %dma_start3A_155 = tpu.memref_squeeze %dma_start3A_154 : memref<1x80xi32, #tpu.memory_space<vmem>> -> memref<80xi32, #tpu.memory_space<vmem>>
          %dma_start3A_156 = arith.constant 0 : i32
          %dma_start3A_157 = arith.constant 0 : i32
          %dma_start3A_158 = tpu.memref_slice %arg18[%dma_start3A_156, %dma_start3A_157] : memref<10000x128xf32, #tpu.memory_space<vmem_shared>> -> memref<10000x128xf32, #tpu.memory_space<vmem_shared>>
          tpu.enqueue_indirect_dma source(%arg16 : memref<80x128xf32, #tpu.memory_space<vmem>>) target(%dma_start3A_158 : memref<10000x128xf32, #tpu.memory_space<vmem_shared>>) offsets(%dma_start3A_155 : memref<80xi32, #tpu.memory_space<vmem>>) semaphore(%run_scoped3A_152 : memref<!tpu.dma_semaphore, #tpu.memory_space<semaphore_mem>>) {add = true}
          %dma_wait3A_159 = arith.constant 0 : i32
          %dma_wait3A_160 = tpu.memref_slice %arg12[%add3A_145, %dma_wait3A_159] : memref<25x80xi32, #tpu.memory_space<vmem>> -> memref<1x80xi32, #tpu.memory_space<vmem>>
          %dma_wait3A_161 = tpu.memref_squeeze %dma_wait3A_160 : memref<1x80xi32, #tpu.memory_space<vmem>> -> memref<80xi32, #tpu.memory_space<vmem>>
          %dma_wait3A_162 = arith.constant 0 : i32
          %dma_wait3A_163 = arith.constant 0 : i32
          %dma_wait3A_164 = tpu.memref_slice %arg18[%dma_wait3A_162, %dma_wait3A_163] : memref<10000x128xf32, #tpu.memory_space<vmem_shared>> -> memref<10000x128xf32, #tpu.memory_space<vmem_shared>>
          tpu.wait_indirect_dma semaphore(%run_scoped3A_152 : memref<!tpu.dma_semaphore, #tpu.memory_space<semaphore_mem>>) src(%arg16 : memref<80x128xf32, #tpu.memory_space<vmem>>) dst(%dma_wait3A_164 : memref<10000x128xf32, #tpu.memory_space<vmem_shared>>)
          tpu.yield
        }) : () -> ()
        "tpu.region"() ({
          %run_scoped3A_152 = tpu.sem_alloc : memref<!tpu.dma_semaphore, #tpu.memory_space<semaphore_mem>>
          %dma_start3A_153 = arith.constant 0 : i32
          %dma_start3A_154 = tpu.memref_slice %arg13[%add3A_145, %dma_start3A_153] : memref<25x80xf32, #tpu.memory_space<vmem>> -> memref<1x80xf32, #tpu.memory_space<vmem>>
          %dma_start3A_155 = tpu.memref_squeeze %dma_start3A_154 : memref<1x80xf32, #tpu.memory_space<vmem>> -> memref<80xf32, #tpu.memory_space<vmem>>
          %dma_start3A_156 = arith.constant 0 : i32
          %dma_start3A_157 = tpu.memref_slice %arg12[%add3A_145, %dma_start3A_156] : memref<25x80xi32, #tpu.memory_space<vmem>> -> memref<1x80xi32, #tpu.memory_space<vmem>>
          %dma_start3A_158 = tpu.memref_squeeze %dma_start3A_157 : memref<1x80xi32, #tpu.memory_space<vmem>> -> memref<80xi32, #tpu.memory_space<vmem>>
          %dma_start3A_159 = arith.constant 0 : i32
          %dma_start3A_160 = tpu.memref_slice %arg19[%dma_start3A_159] : memref<10240xf32, #tpu.memory_space<vmem_shared>> -> memref<10240xf32, #tpu.memory_space<vmem_shared>>
          tpu.enqueue_indirect_dma source(%dma_start3A_155 : memref<80xf32, #tpu.memory_space<vmem>>) target(%dma_start3A_160 : memref<10240xf32, #tpu.memory_space<vmem_shared>>) offsets(%dma_start3A_158 : memref<80xi32, #tpu.memory_space<vmem>>) semaphore(%run_scoped3A_152 : memref<!tpu.dma_semaphore, #tpu.memory_space<semaphore_mem>>) {add = true}
          %dma_wait3A_161 = arith.constant 0 : i32
          %dma_wait3A_162 = tpu.memref_slice %arg13[%add3A_145, %dma_wait3A_161] : memref<25x80xf32, #tpu.memory_space<vmem>> -> memref<1x80xf32, #tpu.memory_space<vmem>>
          %dma_wait3A_163 = tpu.memref_squeeze %dma_wait3A_162 : memref<1x80xf32, #tpu.memory_space<vmem>> -> memref<80xf32, #tpu.memory_space<vmem>>
          %dma_wait3A_164 = arith.constant 0 : i32
          %dma_wait3A_165 = tpu.memref_slice %arg12[%add3A_145, %dma_wait3A_164] : memref<25x80xi32, #tpu.memory_space<vmem>> -> memref<1x80xi32, #tpu.memory_space<vmem>>
          %dma_wait3A_166 = tpu.memref_squeeze %dma_wait3A_165 : memref<1x80xi32, #tpu.memory_space<vmem>> -> memref<80xi32, #tpu.memory_space<vmem>>
          %dma_wait3A_167 = arith.constant 0 : i32
          %dma_wait3A_168 = tpu.memref_slice %arg19[%dma_wait3A_167] : memref<10240xf32, #tpu.memory_space<vmem_shared>> -> memref<10240xf32, #tpu.memory_space<vmem_shared>>
          tpu.wait_indirect_dma semaphore(%run_scoped3A_152 : memref<!tpu.dma_semaphore, #tpu.memory_space<semaphore_mem>>) src(%dma_wait3A_163 : memref<80xf32, #tpu.memory_space<vmem>>) dst(%dma_wait3A_168 : memref<10240xf32, #tpu.memory_space<vmem_shared>>)
          tpu.yield
        }) : () -> ()
      }
      %scan3A_42 = arith.constant 7 : i32
      %dma_start3A_43 = arith.constant 23 : i32
      %dma_start3A_44 = arith.constant 0 : i32
      %dma_start3A_45 = tpu.memref_slice %arg11[%dma_start3A_43, %dma_start3A_44] : memref<25x80xi32, #tpu.memory_space<vmem>> -> memref<1x80xi32, #tpu.memory_space<vmem>>
      %dma_start3A_46 = tpu.memref_squeeze %dma_start3A_45 : memref<1x80xi32, #tpu.memory_space<vmem>> -> memref<80xi32, #tpu.memory_space<vmem>>
      %dma_start3A_47 = arith.constant 0 : i32
      %dma_start3A_48 = arith.constant 0 : i32
      %dma_start3A_49 = tpu.memref_slice %arg2[%dma_start3A_47, %dma_start3A_48] : memref<10000x128xf32, #tpu.memory_space<hbm>> -> memref<10000x128xf32, #tpu.memory_space<hbm>>
      tpu.enqueue_indirect_dma source(%dma_start3A_49 : memref<10000x128xf32, #tpu.memory_space<hbm>>) target(%arg16 : memref<80x128xf32, #tpu.memory_space<vmem>>) offsets(%dma_start3A_46 : memref<80xi32, #tpu.memory_space<vmem>>) semaphore(%arg22 : memref<!tpu.dma_semaphore, #tpu.memory_space<semaphore_mem>>)
      %dma_wait3A = arith.constant 21 : i32
      %dma_wait3A_50 = arith.constant 0 : i32
      %dma_wait3A_51 = tpu.memref_slice %arg11[%dma_wait3A, %dma_wait3A_50] : memref<25x80xi32, #tpu.memory_space<vmem>> -> memref<1x80xi32, #tpu.memory_space<vmem>>
      %dma_wait3A_52 = tpu.memref_squeeze %dma_wait3A_51 : memref<1x80xi32, #tpu.memory_space<vmem>> -> memref<80xi32, #tpu.memory_space<vmem>>
      %dma_wait3A_53 = arith.constant 0 : i32
      %dma_wait3A_54 = arith.constant 0 : i32
      %dma_wait3A_55 = tpu.memref_slice %arg2[%dma_wait3A_53, %dma_wait3A_54] : memref<10000x128xf32, #tpu.memory_space<hbm>> -> memref<10000x128xf32, #tpu.memory_space<hbm>>
      tpu.wait_indirect_dma semaphore(%arg20 : memref<!tpu.dma_semaphore, #tpu.memory_space<semaphore_mem>>) src(%dma_wait3A_55 : memref<10000x128xf32, #tpu.memory_space<hbm>>) dst(%arg14 : memref<80x128xf32, #tpu.memory_space<vmem>>)
      %run_scoped3A = arith.constant 21 : i32
      "tpu.region"() ({
        %run_scoped3A_95 = tpu.sem_alloc : memref<!tpu.dma_semaphore, #tpu.memory_space<semaphore_mem>>
        %dma_start3A_96 = arith.constant 0 : i32
        %dma_start3A_97 = tpu.memref_slice %arg12[%run_scoped3A, %dma_start3A_96] : memref<25x80xi32, #tpu.memory_space<vmem>> -> memref<1x80xi32, #tpu.memory_space<vmem>>
        %dma_start3A_98 = tpu.memref_squeeze %dma_start3A_97 : memref<1x80xi32, #tpu.memory_space<vmem>> -> memref<80xi32, #tpu.memory_space<vmem>>
        %dma_start3A_99 = arith.constant 0 : i32
        %dma_start3A_100 = arith.constant 0 : i32
        %dma_start3A_101 = tpu.memref_slice %arg18[%dma_start3A_99, %dma_start3A_100] : memref<10000x128xf32, #tpu.memory_space<vmem_shared>> -> memref<10000x128xf32, #tpu.memory_space<vmem_shared>>
        tpu.enqueue_indirect_dma source(%arg14 : memref<80x128xf32, #tpu.memory_space<vmem>>) target(%dma_start3A_101 : memref<10000x128xf32, #tpu.memory_space<vmem_shared>>) offsets(%dma_start3A_98 : memref<80xi32, #tpu.memory_space<vmem>>) semaphore(%run_scoped3A_95 : memref<!tpu.dma_semaphore, #tpu.memory_space<semaphore_mem>>) {add = true}
        %dma_wait3A_102 = arith.constant 0 : i32
        %dma_wait3A_103 = tpu.memref_slice %arg12[%run_scoped3A, %dma_wait3A_102] : memref<25x80xi32, #tpu.memory_space<vmem>> -> memref<1x80xi32, #tpu.memory_space<vmem>>
        %dma_wait3A_104 = tpu.memref_squeeze %dma_wait3A_103 : memref<1x80xi32, #tpu.memory_space<vmem>> -> memref<80xi32, #tpu.memory_space<vmem>>
        %dma_wait3A_105 = arith.constant 0 : i32
        %dma_wait3A_106 = arith.constant 0 : i32
        %dma_wait3A_107 = tpu.memref_slice %arg18[%dma_wait3A_105, %dma_wait3A_106] : memref<10000x128xf32, #tpu.memory_space<vmem_shared>> -> memref<10000x128xf32, #tpu.memory_space<vmem_shared>>
        tpu.wait_indirect_dma semaphore(%run_scoped3A_95 : memref<!tpu.dma_semaphore, #tpu.memory_space<semaphore_mem>>) src(%arg14 : memref<80x128xf32, #tpu.memory_space<vmem>>) dst(%dma_wait3A_107 : memref<10000x128xf32, #tpu.memory_space<vmem_shared>>)
        tpu.yield
      }) : () -> ()
      %run_scoped3A_56 = arith.constant 21 : i32
      %run_scoped3A_57 = arith.constant 21 : i32
      "tpu.region"() ({
        %run_scoped3A_95 = tpu.sem_alloc : memref<!tpu.dma_semaphore, #tpu.memory_space<semaphore_mem>>
        %dma_start3A_96 = arith.constant 0 : i32
        %dma_start3A_97 = tpu.memref_slice %arg13[%run_scoped3A_56, %dma_start3A_96] : memref<25x80xf32, #tpu.memory_space<vmem>> -> memref<1x80xf32, #tpu.memory_space<vmem>>
        %dma_start3A_98 = tpu.memref_squeeze %dma_start3A_97 : memref<1x80xf32, #tpu.memory_space<vmem>> -> memref<80xf32, #tpu.memory_space<vmem>>
        %dma_start3A_99 = arith.constant 0 : i32
        %dma_start3A_100 = tpu.memref_slice %arg12[%run_scoped3A_57, %dma_start3A_99] : memref<25x80xi32, #tpu.memory_space<vmem>> -> memref<1x80xi32, #tpu.memory_space<vmem>>
        %dma_start3A_101 = tpu.memref_squeeze %dma_start3A_100 : memref<1x80xi32, #tpu.memory_space<vmem>> -> memref<80xi32, #tpu.memory_space<vmem>>
        %dma_start3A_102 = arith.constant 0 : i32
        %dma_start3A_103 = tpu.memref_slice %arg19[%dma_start3A_102] : memref<10240xf32, #tpu.memory_space<vmem_shared>> -> memref<10240xf32, #tpu.memory_space<vmem_shared>>
        tpu.enqueue_indirect_dma source(%dma_start3A_98 : memref<80xf32, #tpu.memory_space<vmem>>) target(%dma_start3A_103 : memref<10240xf32, #tpu.memory_space<vmem_shared>>) offsets(%dma_start3A_101 : memref<80xi32, #tpu.memory_space<vmem>>) semaphore(%run_scoped3A_95 : memref<!tpu.dma_semaphore, #tpu.memory_space<semaphore_mem>>) {add = true}
        %dma_wait3A_104 = arith.constant 0 : i32
        %dma_wait3A_105 = tpu.memref_slice %arg13[%run_scoped3A_56, %dma_wait3A_104] : memref<25x80xf32, #tpu.memory_space<vmem>> -> memref<1x80xf32, #tpu.memory_space<vmem>>
        %dma_wait3A_106 = tpu.memref_squeeze %dma_wait3A_105 : memref<1x80xf32, #tpu.memory_space<vmem>> -> memref<80xf32, #tpu.memory_space<vmem>>
        %dma_wait3A_107 = arith.constant 0 : i32
        %dma_wait3A_108 = tpu.memref_slice %arg12[%run_scoped3A_57, %dma_wait3A_107] : memref<25x80xi32, #tpu.memory_space<vmem>> -> memref<1x80xi32, #tpu.memory_space<vmem>>
        %dma_wait3A_109 = tpu.memref_squeeze %dma_wait3A_108 : memref<1x80xi32, #tpu.memory_space<vmem>> -> memref<80xi32, #tpu.memory_space<vmem>>
        %dma_wait3A_110 = arith.constant 0 : i32
        %dma_wait3A_111 = tpu.memref_slice %arg19[%dma_wait3A_110] : memref<10240xf32, #tpu.memory_space<vmem_shared>> -> memref<10240xf32, #tpu.memory_space<vmem_shared>>
        tpu.wait_indirect_dma semaphore(%run_scoped3A_95 : memref<!tpu.dma_semaphore, #tpu.memory_space<semaphore_mem>>) src(%dma_wait3A_106 : memref<80xf32, #tpu.memory_space<vmem>>) dst(%dma_wait3A_111 : memref<10240xf32, #tpu.memory_space<vmem_shared>>)
        tpu.yield
      }) : () -> ()
      %dma_start3A_58 = arith.constant 24 : i32
      %dma_start3A_59 = arith.constant 0 : i32
      %dma_start3A_60 = tpu.memref_slice %arg11[%dma_start3A_58, %dma_start3A_59] : memref<25x80xi32, #tpu.memory_space<vmem>> -> memref<1x80xi32, #tpu.memory_space<vmem>>
      %dma_start3A_61 = tpu.memref_squeeze %dma_start3A_60 : memref<1x80xi32, #tpu.memory_space<vmem>> -> memref<80xi32, #tpu.memory_space<vmem>>
      %dma_start3A_62 = arith.constant 0 : i32
      %dma_start3A_63 = arith.constant 0 : i32
      %dma_start3A_64 = tpu.memref_slice %arg2[%dma_start3A_62, %dma_start3A_63] : memref<10000x128xf32, #tpu.memory_space<hbm>> -> memref<10000x128xf32, #tpu.memory_space<hbm>>
      tpu.enqueue_indirect_dma source(%dma_start3A_64 : memref<10000x128xf32, #tpu.memory_space<hbm>>) target(%arg14 : memref<80x128xf32, #tpu.memory_space<vmem>>) offsets(%dma_start3A_61 : memref<80xi32, #tpu.memory_space<vmem>>) semaphore(%arg20 : memref<!tpu.dma_semaphore, #tpu.memory_space<semaphore_mem>>)
      %dma_wait3A_65 = arith.constant 22 : i32
      %dma_wait3A_66 = arith.constant 0 : i32
      %dma_wait3A_67 = tpu.memref_slice %arg11[%dma_wait3A_65, %dma_wait3A_66] : memref<25x80xi32, #tpu.memory_space<vmem>> -> memref<1x80xi32, #tpu.memory_space<vmem>>
      %dma_wait3A_68 = tpu.memref_squeeze %dma_wait3A_67 : memref<1x80xi32, #tpu.memory_space<vmem>> -> memref<80xi32, #tpu.memory_space<vmem>>
      %dma_wait3A_69 = arith.constant 0 : i32
      %dma_wait3A_70 = arith.constant 0 : i32
      %dma_wait3A_71 = tpu.memref_slice %arg2[%dma_wait3A_69, %dma_wait3A_70] : memref<10000x128xf32, #tpu.memory_space<hbm>> -> memref<10000x128xf32, #tpu.memory_space<hbm>>
      tpu.wait_indirect_dma semaphore(%arg21 : memref<!tpu.dma_semaphore, #tpu.memory_space<semaphore_mem>>) src(%dma_wait3A_71 : memref<10000x128xf32, #tpu.memory_space<hbm>>) dst(%arg15 : memref<80x128xf32, #tpu.memory_space<vmem>>)
      %run_scoped3A_72 = arith.constant 22 : i32
      "tpu.region"() ({
        %run_scoped3A_95 = tpu.sem_alloc : memref<!tpu.dma_semaphore, #tpu.memory_space<semaphore_mem>>
        %dma_start3A_96 = arith.constant 0 : i32
        %dma_start3A_97 = tpu.memref_slice %arg12[%run_scoped3A_72, %dma_start3A_96] : memref<25x80xi32, #tpu.memory_space<vmem>> -> memref<1x80xi32, #tpu.memory_space<vmem>>
        %dma_start3A_98 = tpu.memref_squeeze %dma_start3A_97 : memref<1x80xi32, #tpu.memory_space<vmem>> -> memref<80xi32, #tpu.memory_space<vmem>>
        %dma_start3A_99 = arith.constant 0 : i32
        %dma_start3A_100 = arith.constant 0 : i32
        %dma_start3A_101 = tpu.memref_slice %arg18[%dma_start3A_99, %dma_start3A_100] : memref<10000x128xf32, #tpu.memory_space<vmem_shared>> -> memref<10000x128xf32, #tpu.memory_space<vmem_shared>>
        tpu.enqueue_indirect_dma source(%arg15 : memref<80x128xf32, #tpu.memory_space<vmem>>) target(%dma_start3A_101 : memref<10000x128xf32, #tpu.memory_space<vmem_shared>>) offsets(%dma_start3A_98 : memref<80xi32, #tpu.memory_space<vmem>>) semaphore(%run_scoped3A_95 : memref<!tpu.dma_semaphore, #tpu.memory_space<semaphore_mem>>) {add = true}
        %dma_wait3A_102 = arith.constant 0 : i32
        %dma_wait3A_103 = tpu.memref_slice %arg12[%run_scoped3A_72, %dma_wait3A_102] : memref<25x80xi32, #tpu.memory_space<vmem>> -> memref<1x80xi32, #tpu.memory_space<vmem>>
        %dma_wait3A_104 = tpu.memref_squeeze %dma_wait3A_103 : memref<1x80xi32, #tpu.memory_space<vmem>> -> memref<80xi32, #tpu.memory_space<vmem>>
        %dma_wait3A_105 = arith.constant 0 : i32
        %dma_wait3A_106 = arith.constant 0 : i32
        %dma_wait3A_107 = tpu.memref_slice %arg18[%dma_wait3A_105, %dma_wait3A_106] : memref<10000x128xf32, #tpu.memory_space<vmem_shared>> -> memref<10000x128xf32, #tpu.memory_space<vmem_shared>>
        tpu.wait_indirect_dma semaphore(%run_scoped3A_95 : memref<!tpu.dma_semaphore, #tpu.memory_space<semaphore_mem>>) src(%arg15 : memref<80x128xf32, #tpu.memory_space<vmem>>) dst(%dma_wait3A_107 : memref<10000x128xf32, #tpu.memory_space<vmem_shared>>)
        tpu.yield
      }) : () -> ()
      %run_scoped3A_73 = arith.constant 22 : i32
      %run_scoped3A_74 = arith.constant 22 : i32
      "tpu.region"() ({
        %run_scoped3A_95 = tpu.sem_alloc : memref<!tpu.dma_semaphore, #tpu.memory_space<semaphore_mem>>
        %dma_start3A_96 = arith.constant 0 : i32
        %dma_start3A_97 = tpu.memref_slice %arg13[%run_scoped3A_73, %dma_start3A_96] : memref<25x80xf32, #tpu.memory_space<vmem>> -> memref<1x80xf32, #tpu.memory_space<vmem>>
        %dma_start3A_98 = tpu.memref_squeeze %dma_start3A_97 : memref<1x80xf32, #tpu.memory_space<vmem>> -> memref<80xf32, #tpu.memory_space<vmem>>
        %dma_start3A_99 = arith.constant 0 : i32
        %dma_start3A_100 = tpu.memref_slice %arg12[%run_scoped3A_74, %dma_start3A_99] : memref<25x80xi32, #tpu.memory_space<vmem>> -> memref<1x80xi32, #tpu.memory_space<vmem>>
        %dma_start3A_101 = tpu.memref_squeeze %dma_start3A_100 : memref<1x80xi32, #tpu.memory_space<vmem>> -> memref<80xi32, #tpu.memory_space<vmem>>
        %dma_start3A_102 = arith.constant 0 : i32
        %dma_start3A_103 = tpu.memref_slice %arg19[%dma_start3A_102] : memref<10240xf32, #tpu.memory_space<vmem_shared>> -> memref<10240xf32, #tpu.memory_space<vmem_shared>>
        tpu.enqueue_indirect_dma source(%dma_start3A_98 : memref<80xf32, #tpu.memory_space<vmem>>) target(%dma_start3A_103 : memref<10240xf32, #tpu.memory_space<vmem_shared>>) offsets(%dma_start3A_101 : memref<80xi32, #tpu.memory_space<vmem>>) semaphore(%run_scoped3A_95 : memref<!tpu.dma_semaphore, #tpu.memory_space<semaphore_mem>>) {add = true}
        %dma_wait3A_104 = arith.constant 0 : i32
        %dma_wait3A_105 = tpu.memref_slice %arg13[%run_scoped3A_73, %dma_wait3A_104] : memref<25x80xf32, #tpu.memory_space<vmem>> -> memref<1x80xf32, #tpu.memory_space<vmem>>
        %dma_wait3A_106 = tpu.memref_squeeze %dma_wait3A_105 : memref<1x80xf32, #tpu.memory_space<vmem>> -> memref<80xf32, #tpu.memory_space<vmem>>
        %dma_wait3A_107 = arith.constant 0 : i32
        %dma_wait3A_108 = tpu.memref_slice %arg12[%run_scoped3A_74, %dma_wait3A_107] : memref<25x80xi32, #tpu.memory_space<vmem>> -> memref<1x80xi32, #tpu.memory_space<vmem>>
        %dma_wait3A_109 = tpu.memref_squeeze %dma_wait3A_108 : memref<1x80xi32, #tpu.memory_space<vmem>> -> memref<80xi32, #tpu.memory_space<vmem>>
        %dma_wait3A_110 = arith.constant 0 : i32
        %dma_wait3A_111 = tpu.memref_slice %arg19[%dma_wait3A_110] : memref<10240xf32, #tpu.memory_space<vmem_shared>> -> memref<10240xf32, #tpu.memory_space<vmem_shared>>
        tpu.wait_indirect_dma semaphore(%run_scoped3A_95 : memref<!tpu.dma_semaphore, #tpu.memory_space<semaphore_mem>>) src(%dma_wait3A_106 : memref<80xf32, #tpu.memory_space<vmem>>) dst(%dma_wait3A_111 : memref<10240xf32, #tpu.memory_space<vmem_shared>>)
        tpu.yield
      }) : () -> ()
      %dma_wait3A_75 = arith.constant 23 : i32
      %dma_wait3A_76 = arith.constant 0 : i32
      %dma_wait3A_77 = tpu.memref_slice %arg11[%dma_wait3A_75, %dma_wait3A_76] : memref<25x80xi32, #tpu.memory_space<vmem>> -> memref<1x80xi32, #tpu.memory_space<vmem>>
      %dma_wait3A_78 = tpu.memref_squeeze %dma_wait3A_77 : memref<1x80xi32, #tpu.memory_space<vmem>> -> memref<80xi32, #tpu.memory_space<vmem>>
      %dma_wait3A_79 = arith.constant 0 : i32
      %dma_wait3A_80 = arith.constant 0 : i32
      %dma_wait3A_81 = tpu.memref_slice %arg2[%dma_wait3A_79, %dma_wait3A_80] : memref<10000x128xf32, #tpu.memory_space<hbm>> -> memref<10000x128xf32, #tpu.memory_space<hbm>>
      tpu.wait_indirect_dma semaphore(%arg22 : memref<!tpu.dma_semaphore, #tpu.memory_space<semaphore_mem>>) src(%dma_wait3A_81 : memref<10000x128xf32, #tpu.memory_space<hbm>>) dst(%arg16 : memref<80x128xf32, #tpu.memory_space<vmem>>)
      %run_scoped3A_82 = arith.constant 23 : i32
      "tpu.region"() ({
        %run_scoped3A_95 = tpu.sem_alloc : memref<!tpu.dma_semaphore, #tpu.memory_space<semaphore_mem>>
        %dma_start3A_96 = arith.constant 0 : i32
        %dma_start3A_97 = tpu.memref_slice %arg12[%run_scoped3A_82, %dma_start3A_96] : memref<25x80xi32, #tpu.memory_space<vmem>> -> memref<1x80xi32, #tpu.memory_space<vmem>>
        %dma_start3A_98 = tpu.memref_squeeze %dma_start3A_97 : memref<1x80xi32, #tpu.memory_space<vmem>> -> memref<80xi32, #tpu.memory_space<vmem>>
        %dma_start3A_99 = arith.constant 0 : i32
        %dma_start3A_100 = arith.constant 0 : i32
        %dma_start3A_101 = tpu.memref_slice %arg18[%dma_start3A_99, %dma_start3A_100] : memref<10000x128xf32, #tpu.memory_space<vmem_shared>> -> memref<10000x128xf32, #tpu.memory_space<vmem_shared>>
        tpu.enqueue_indirect_dma source(%arg16 : memref<80x128xf32, #tpu.memory_space<vmem>>) target(%dma_start3A_101 : memref<10000x128xf32, #tpu.memory_space<vmem_shared>>) offsets(%dma_start3A_98 : memref<80xi32, #tpu.memory_space<vmem>>) semaphore(%run_scoped3A_95 : memref<!tpu.dma_semaphore, #tpu.memory_space<semaphore_mem>>) {add = true}
        %dma_wait3A_102 = arith.constant 0 : i32
        %dma_wait3A_103 = tpu.memref_slice %arg12[%run_scoped3A_82, %dma_wait3A_102] : memref<25x80xi32, #tpu.memory_space<vmem>> -> memref<1x80xi32, #tpu.memory_space<vmem>>
        %dma_wait3A_104 = tpu.memref_squeeze %dma_wait3A_103 : memref<1x80xi32, #tpu.memory_space<vmem>> -> memref<80xi32, #tpu.memory_space<vmem>>
        %dma_wait3A_105 = arith.constant 0 : i32
        %dma_wait3A_106 = arith.constant 0 : i32
        %dma_wait3A_107 = tpu.memref_slice %arg18[%dma_wait3A_105, %dma_wait3A_106] : memref<10000x128xf32, #tpu.memory_space<vmem_shared>> -> memref<10000x128xf32, #tpu.memory_space<vmem_shared>>
        tpu.wait_indirect_dma semaphore(%run_scoped3A_95 : memref<!tpu.dma_semaphore, #tpu.memory_space<semaphore_mem>>) src(%arg16 : memref<80x128xf32, #tpu.memory_space<vmem>>) dst(%dma_wait3A_107 : memref<10000x128xf32, #tpu.memory_space<vmem_shared>>)
        tpu.yield
      }) : () -> ()
      %run_scoped3A_83 = arith.constant 23 : i32
      %run_scoped3A_84 = arith.constant 23 : i32
      "tpu.region"() ({
        %run_scoped3A_95 = tpu.sem_alloc : memref<!tpu.dma_semaphore, #tpu.memory_space<semaphore_mem>>
        %dma_start3A_96 = arith.constant 0 : i32
        %dma_start3A_97 = tpu.memref_slice %arg13[%run_scoped3A_83, %dma_start3A_96] : memref<25x80xf32, #tpu.memory_space<vmem>> -> memref<1x80xf32, #tpu.memory_space<vmem>>
        %dma_start3A_98 = tpu.memref_squeeze %dma_start3A_97 : memref<1x80xf32, #tpu.memory_space<vmem>> -> memref<80xf32, #tpu.memory_space<vmem>>
        %dma_start3A_99 = arith.constant 0 : i32
        %dma_start3A_100 = tpu.memref_slice %arg12[%run_scoped3A_84, %dma_start3A_99] : memref<25x80xi32, #tpu.memory_space<vmem>> -> memref<1x80xi32, #tpu.memory_space<vmem>>
        %dma_start3A_101 = tpu.memref_squeeze %dma_start3A_100 : memref<1x80xi32, #tpu.memory_space<vmem>> -> memref<80xi32, #tpu.memory_space<vmem>>
        %dma_start3A_102 = arith.constant 0 : i32
        %dma_start3A_103 = tpu.memref_slice %arg19[%dma_start3A_102] : memref<10240xf32, #tpu.memory_space<vmem_shared>> -> memref<10240xf32, #tpu.memory_space<vmem_shared>>
        tpu.enqueue_indirect_dma source(%dma_start3A_98 : memref<80xf32, #tpu.memory_space<vmem>>) target(%dma_start3A_103 : memref<10240xf32, #tpu.memory_space<vmem_shared>>) offsets(%dma_start3A_101 : memref<80xi32, #tpu.memory_space<vmem>>) semaphore(%run_scoped3A_95 : memref<!tpu.dma_semaphore, #tpu.memory_space<semaphore_mem>>) {add = true}
        %dma_wait3A_104 = arith.constant 0 : i32
        %dma_wait3A_105 = tpu.memref_slice %arg13[%run_scoped3A_83, %dma_wait3A_104] : memref<25x80xf32, #tpu.memory_space<vmem>> -> memref<1x80xf32, #tpu.memory_space<vmem>>
        %dma_wait3A_106 = tpu.memref_squeeze %dma_wait3A_105 : memref<1x80xf32, #tpu.memory_space<vmem>> -> memref<80xf32, #tpu.memory_space<vmem>>
        %dma_wait3A_107 = arith.constant 0 : i32
        %dma_wait3A_108 = tpu.memref_slice %arg12[%run_scoped3A_84, %dma_wait3A_107] : memref<25x80xi32, #tpu.memory_space<vmem>> -> memref<1x80xi32, #tpu.memory_space<vmem>>
        %dma_wait3A_109 = tpu.memref_squeeze %dma_wait3A_108 : memref<1x80xi32, #tpu.memory_space<vmem>> -> memref<80xi32, #tpu.memory_space<vmem>>
        %dma_wait3A_110 = arith.constant 0 : i32
        %dma_wait3A_111 = tpu.memref_slice %arg19[%dma_wait3A_110] : memref<10240xf32, #tpu.memory_space<vmem_shared>> -> memref<10240xf32, #tpu.memory_space<vmem_shared>>
        tpu.wait_indirect_dma semaphore(%run_scoped3A_95 : memref<!tpu.dma_semaphore, #tpu.memory_space<semaphore_mem>>) src(%dma_wait3A_106 : memref<80xf32, #tpu.memory_space<vmem>>) dst(%dma_wait3A_111 : memref<10240xf32, #tpu.memory_space<vmem_shared>>)
        tpu.yield
      }) : () -> ()
      %dma_wait3A_85 = arith.constant 24 : i32
      %dma_wait3A_86 = arith.constant 0 : i32
      %dma_wait3A_87 = tpu.memref_slice %arg11[%dma_wait3A_85, %dma_wait3A_86] : memref<25x80xi32, #tpu.memory_space<vmem>> -> memref<1x80xi32, #tpu.memory_space<vmem>>
      %dma_wait3A_88 = tpu.memref_squeeze %dma_wait3A_87 : memref<1x80xi32, #tpu.memory_space<vmem>> -> memref<80xi32, #tpu.memory_space<vmem>>
      %dma_wait3A_89 = arith.constant 0 : i32
      %dma_wait3A_90 = arith.constant 0 : i32
      %dma_wait3A_91 = tpu.memref_slice %arg2[%dma_wait3A_89, %dma_wait3A_90] : memref<10000x128xf32, #tpu.memory_space<hbm>> -> memref<10000x128xf32, #tpu.memory_space<hbm>>
      tpu.wait_indirect_dma semaphore(%arg20 : memref<!tpu.dma_semaphore, #tpu.memory_space<semaphore_mem>>) src(%dma_wait3A_91 : memref<10000x128xf32, #tpu.memory_space<hbm>>) dst(%arg14 : memref<80x128xf32, #tpu.memory_space<vmem>>)
      %run_scoped3A_92 = arith.constant 24 : i32
      "tpu.region"() ({
        %run_scoped3A_95 = tpu.sem_alloc : memref<!tpu.dma_semaphore, #tpu.memory_space<semaphore_mem>>
        %dma_start3A_96 = arith.constant 0 : i32
        %dma_start3A_97 = tpu.memref_slice %arg12[%run_scoped3A_92, %dma_start3A_96] : memref<25x80xi32, #tpu.memory_space<vmem>> -> memref<1x80xi32, #tpu.memory_space<vmem>>
        %dma_start3A_98 = tpu.memref_squeeze %dma_start3A_97 : memref<1x80xi32, #tpu.memory_space<vmem>> -> memref<80xi32, #tpu.memory_space<vmem>>
        %dma_start3A_99 = arith.constant 0 : i32
        %dma_start3A_100 = arith.constant 0 : i32
        %dma_start3A_101 = tpu.memref_slice %arg18[%dma_start3A_99, %dma_start3A_100] : memref<10000x128xf32, #tpu.memory_space<vmem_shared>> -> memref<10000x128xf32, #tpu.memory_space<vmem_shared>>
        tpu.enqueue_indirect_dma source(%arg14 : memref<80x128xf32, #tpu.memory_space<vmem>>) target(%dma_start3A_101 : memref<10000x128xf32, #tpu.memory_space<vmem_shared>>) offsets(%dma_start3A_98 : memref<80xi32, #tpu.memory_space<vmem>>) semaphore(%run_scoped3A_95 : memref<!tpu.dma_semaphore, #tpu.memory_space<semaphore_mem>>) {add = true}
        %dma_wait3A_102 = arith.constant 0 : i32
        %dma_wait3A_103 = tpu.memref_slice %arg12[%run_scoped3A_92, %dma_wait3A_102] : memref<25x80xi32, #tpu.memory_space<vmem>> -> memref<1x80xi32, #tpu.memory_space<vmem>>
        %dma_wait3A_104 = tpu.memref_squeeze %dma_wait3A_103 : memref<1x80xi32, #tpu.memory_space<vmem>> -> memref<80xi32, #tpu.memory_space<vmem>>
        %dma_wait3A_105 = arith.constant 0 : i32
        %dma_wait3A_106 = arith.constant 0 : i32
        %dma_wait3A_107 = tpu.memref_slice %arg18[%dma_wait3A_105, %dma_wait3A_106] : memref<10000x128xf32, #tpu.memory_space<vmem_shared>> -> memref<10000x128xf32, #tpu.memory_space<vmem_shared>>
        tpu.wait_indirect_dma semaphore(%run_scoped3A_95 : memref<!tpu.dma_semaphore, #tpu.memory_space<semaphore_mem>>) src(%arg14 : memref<80x128xf32, #tpu.memory_space<vmem>>) dst(%dma_wait3A_107 : memref<10000x128xf32, #tpu.memory_space<vmem_shared>>)
        tpu.yield
      }) : () -> ()
      %run_scoped3A_93 = arith.constant 24 : i32
      %run_scoped3A_94 = arith.constant 24 : i32
      "tpu.region"() ({
        %run_scoped3A_95 = tpu.sem_alloc : memref<!tpu.dma_semaphore, #tpu.memory_space<semaphore_mem>>
        %dma_start3A_96 = arith.constant 0 : i32
        %dma_start3A_97 = tpu.memref_slice %arg13[%run_scoped3A_93, %dma_start3A_96] : memref<25x80xf32, #tpu.memory_space<vmem>> -> memref<1x80xf32, #tpu.memory_space<vmem>>
        %dma_start3A_98 = tpu.memref_squeeze %dma_start3A_97 : memref<1x80xf32, #tpu.memory_space<vmem>> -> memref<80xf32, #tpu.memory_space<vmem>>
        %dma_start3A_99 = arith.constant 0 : i32
        %dma_start3A_100 = tpu.memref_slice %arg12[%run_scoped3A_94, %dma_start3A_99] : memref<25x80xi32, #tpu.memory_space<vmem>> -> memref<1x80xi32, #tpu.memory_space<vmem>>
        %dma_start3A_101 = tpu.memref_squeeze %dma_start3A_100 : memref<1x80xi32, #tpu.memory_space<vmem>> -> memref<80xi32, #tpu.memory_space<vmem>>
        %dma_start3A_102 = arith.constant 0 : i32
        %dma_start3A_103 = tpu.memref_slice %arg19[%dma_start3A_102] : memref<10240xf32, #tpu.memory_space<vmem_shared>> -> memref<10240xf32, #tpu.memory_space<vmem_shared>>
        tpu.enqueue_indirect_dma source(%dma_start3A_98 : memref<80xf32, #tpu.memory_space<vmem>>) target(%dma_start3A_103 : memref<10240xf32, #tpu.memory_space<vmem_shared>>) offsets(%dma_start3A_101 : memref<80xi32, #tpu.memory_space<vmem>>) semaphore(%run_scoped3A_95 : memref<!tpu.dma_semaphore, #tpu.memory_space<semaphore_mem>>) {add = true}
        %dma_wait3A_104 = arith.constant 0 : i32
        %dma_wait3A_105 = tpu.memref_slice %arg13[%run_scoped3A_93, %dma_wait3A_104] : memref<25x80xf32, #tpu.memory_space<vmem>> -> memref<1x80xf32, #tpu.memory_space<vmem>>
        %dma_wait3A_106 = tpu.memref_squeeze %dma_wait3A_105 : memref<1x80xf32, #tpu.memory_space<vmem>> -> memref<80xf32, #tpu.memory_space<vmem>>
        %dma_wait3A_107 = arith.constant 0 : i32
        %dma_wait3A_108 = tpu.memref_slice %arg12[%run_scoped3A_94, %dma_wait3A_107] : memref<25x80xi32, #tpu.memory_space<vmem>> -> memref<1x80xi32, #tpu.memory_space<vmem>>
        %dma_wait3A_109 = tpu.memref_squeeze %dma_wait3A_108 : memref<1x80xi32, #tpu.memory_space<vmem>> -> memref<80xi32, #tpu.memory_space<vmem>>
        %dma_wait3A_110 = arith.constant 0 : i32
        %dma_wait3A_111 = tpu.memref_slice %arg19[%dma_wait3A_110] : memref<10240xf32, #tpu.memory_space<vmem_shared>> -> memref<10240xf32, #tpu.memory_space<vmem_shared>>
        tpu.wait_indirect_dma semaphore(%run_scoped3A_95 : memref<!tpu.dma_semaphore, #tpu.memory_space<semaphore_mem>>) src(%dma_wait3A_106 : memref<80xf32, #tpu.memory_space<vmem>>) dst(%dma_wait3A_111 : memref<10240xf32, #tpu.memory_space<vmem_shared>>)
        tpu.yield
      }) : () -> ()
    }
    %scan3A_7 = arith.constant 5 : i32
    %barrier3A_8 = arith.constant 0 : index
    tpu.barrier barrier_id(%barrier3A_8)
    %lt3A_9 = arith.constant 10 : i32
    %lt3A_10 = arith.cmpi slt, %arg1, %lt3A_9 : i32
    %convert_element_type3A_11 = arith.extui %lt3A_10 : i1 to i32
    %cond3A_12 = arith.constant 0 : i32
    %cond3A_13 = arith.cmpi ne, %convert_element_type3A_11, %cond3A_12 : i32
    scf.if %cond3A_13 {
      %mul3A_14 = arith.constant 1000 : i32
      %mul3A_15 = arith.muli %arg1, %mul3A_14 : i32
      %mul3A_16 = arith.constant 1000 : i32
      %mul3A_17 = arith.muli %arg1, %mul3A_16 : i32
      "tpu.region"() ({
        %run_scoped3A = tpu.sem_alloc : memref<!tpu.dma_semaphore, #tpu.memory_space<semaphore_mem>>
        %dma_start3A = arith.constant 0 : i32
        %dma_start3A_29 = tpu.memref_slice %arg8[%arg0, %mul3A_17, %dma_start3A] : memref<2x10000x128xf32, #tpu.memory_space<hbm>> -> memref<1x1000x128xf32, #tpu.memory_space<hbm>>
        %dma_start3A_30 = tpu.memref_squeeze %dma_start3A_29 : memref<1x1000x128xf32, #tpu.memory_space<hbm>> -> memref<1000x128xf32, #tpu.memory_space<hbm>>
        %dma_start3A_31 = arith.constant 0 : i32
        %dma_start3A_32 = tpu.memref_slice %arg18[%mul3A_15, %dma_start3A_31] : memref<10000x128xf32, #tpu.memory_space<vmem_shared>> -> memref<1000x128xf32, #tpu.memory_space<vmem_shared>>
        tpu.enqueue_dma source(%dma_start3A_32 : memref<1000x128xf32, #tpu.memory_space<vmem_shared>>) target(%dma_start3A_30 : memref<1000x128xf32, #tpu.memory_space<hbm>>) target_semaphore(%run_scoped3A : memref<!tpu.dma_semaphore, #tpu.memory_space<semaphore_mem>>)
        %dma_wait3A = arith.constant 0 : i32
        %dma_wait3A_33 = tpu.memref_slice %arg8[%arg0, %mul3A_17, %dma_wait3A] : memref<2x10000x128xf32, #tpu.memory_space<hbm>> -> memref<1x1000x128xf32, #tpu.memory_space<hbm>>
        %dma_wait3A_34 = tpu.memref_squeeze %dma_wait3A_33 : memref<1x1000x128xf32, #tpu.memory_space<hbm>> -> memref<1000x128xf32, #tpu.memory_space<hbm>>
        %dma_wait3A_35 = arith.constant 0 : i32
        %dma_wait3A_36 = tpu.memref_slice %arg18[%mul3A_15, %dma_wait3A_35] : memref<10000x128xf32, #tpu.memory_space<vmem_shared>> -> memref<1000x128xf32, #tpu.memory_space<vmem_shared>>
        tpu.wait_dma2 semaphore(%run_scoped3A : memref<!tpu.dma_semaphore, #tpu.memory_space<semaphore_mem>>) src(%dma_wait3A_36 : memref<1000x128xf32, #tpu.memory_space<vmem_shared>>) dst(%dma_wait3A_34 : memref<1000x128xf32, #tpu.memory_space<hbm>>)
        tpu.yield
      }) : () -> ()
      %mul3A_18 = arith.constant 1024 : i32
      %mul3A_19 = arith.muli %arg1, %mul3A_18 : i32
      "tpu.region"() ({
        %run_scoped3A = tpu.sem_alloc : memref<!tpu.dma_semaphore, #tpu.memory_space<semaphore_mem>>
        %dma_start3A = tpu.memref_slice %arg19[%mul3A_19] : memref<10240xf32, #tpu.memory_space<vmem_shared>> -> memref<1024xf32, #tpu.memory_space<vmem_shared>>
        %dma_start3A_29 = tpu.memref_slice %arg19[%mul3A_19] : memref<10240xf32, #tpu.memory_space<vmem_shared>> -> memref<1024xf32, #tpu.memory_space<vmem_shared>>
        tpu.enqueue_dma source(%dma_start3A_29 : memref<1024xf32, #tpu.memory_space<vmem_shared>>) target(%arg17 : memref<1024xf32, #tpu.memory_space<vmem>>) target_semaphore(%run_scoped3A : memref<!tpu.dma_semaphore, #tpu.memory_space<semaphore_mem>>)
        %dma_wait3A = tpu.memref_slice %arg19[%mul3A_19] : memref<10240xf32, #tpu.memory_space<vmem_shared>> -> memref<1024xf32, #tpu.memory_space<vmem_shared>>
        %dma_wait3A_30 = tpu.memref_slice %arg19[%mul3A_19] : memref<10240xf32, #tpu.memory_space<vmem_shared>> -> memref<1024xf32, #tpu.memory_space<vmem_shared>>
        tpu.wait_dma2 semaphore(%run_scoped3A : memref<!tpu.dma_semaphore, #tpu.memory_space<semaphore_mem>>) src(%dma_wait3A_30 : memref<1024xf32, #tpu.memory_space<vmem_shared>>) dst(%arg17 : memref<1024xf32, #tpu.memory_space<vmem>>)
        tpu.yield
      }) : () -> ()
      %eq3A = arith.constant 0 : i32
      %eq3A_20 = arith.cmpi eq, %arg0, %eq3A : i32
      %convert_element_type3A_21 = arith.extui %eq3A_20 : i1 to i32
      %cond3A_22 = arith.constant 0 : i32
      %cond3A_23 = arith.cmpi ne, %convert_element_type3A_21, %cond3A_22 : i32
      scf.if %cond3A_23 {
        %mul3A_29 = arith.constant 1024 : i32
        %mul3A_30 = arith.muli %arg1, %mul3A_29 : i32
        "tpu.region"() ({
          %run_scoped3A = tpu.sem_alloc : memref<!tpu.dma_semaphore, #tpu.memory_space<semaphore_mem>>
          %dma_start3A = tpu.memref_slice %arg9[%mul3A_30] : memref<10240xf32, #tpu.memory_space<hbm>> -> memref<1024xf32, #tpu.memory_space<hbm>>
          %dma_start3A_31 = tpu.memref_slice %arg9[%mul3A_30] : memref<10240xf32, #tpu.memory_space<hbm>> -> memref<1024xf32, #tpu.memory_space<hbm>>
          tpu.enqueue_dma source(%arg17 : memref<1024xf32, #tpu.memory_space<vmem>>) target(%dma_start3A_31 : memref<1024xf32, #tpu.memory_space<hbm>>) target_semaphore(%run_scoped3A : memref<!tpu.dma_semaphore, #tpu.memory_space<semaphore_mem>>)
          %dma_wait3A = tpu.memref_slice %arg9[%mul3A_30] : memref<10240xf32, #tpu.memory_space<hbm>> -> memref<1024xf32, #tpu.memory_space<hbm>>
          %dma_wait3A_32 = tpu.memref_slice %arg9[%mul3A_30] : memref<10240xf32, #tpu.memory_space<hbm>> -> memref<1024xf32, #tpu.memory_space<hbm>>
          tpu.wait_dma2 semaphore(%run_scoped3A : memref<!tpu.dma_semaphore, #tpu.memory_space<semaphore_mem>>) src(%arg17 : memref<1024xf32, #tpu.memory_space<vmem>>) dst(%dma_wait3A_32 : memref<1024xf32, #tpu.memory_space<hbm>>)
          tpu.yield
        }) : () -> ()
      } else {
      }
      %eq3A_24 = arith.constant 1 : i32
      %eq3A_25 = arith.cmpi eq, %arg0, %eq3A_24 : i32
      %convert_element_type3A_26 = arith.extui %eq3A_25 : i1 to i32
      %cond3A_27 = arith.constant 0 : i32
      %cond3A_28 = arith.cmpi ne, %convert_element_type3A_26, %cond3A_27 : i32
      scf.if %cond3A_28 {
        %mul3A_29 = arith.constant 1024 : i32
        %mul3A_30 = arith.muli %arg1, %mul3A_29 : i32
        "tpu.region"() ({
          %run_scoped3A = tpu.sem_alloc : memref<!tpu.dma_semaphore, #tpu.memory_space<semaphore_mem>>
          %dma_start3A = tpu.memref_slice %arg10[%mul3A_30] : memref<10240xf32, #tpu.memory_space<hbm>> -> memref<1024xf32, #tpu.memory_space<hbm>>
          %dma_start3A_31 = tpu.memref_slice %arg10[%mul3A_30] : memref<10240xf32, #tpu.memory_space<hbm>> -> memref<1024xf32, #tpu.memory_space<hbm>>
          tpu.enqueue_dma source(%arg17 : memref<1024xf32, #tpu.memory_space<vmem>>) target(%dma_start3A_31 : memref<1024xf32, #tpu.memory_space<hbm>>) target_semaphore(%run_scoped3A : memref<!tpu.dma_semaphore, #tpu.memory_space<semaphore_mem>>)
          %dma_wait3A = tpu.memref_slice %arg10[%mul3A_30] : memref<10240xf32, #tpu.memory_space<hbm>> -> memref<1024xf32, #tpu.memory_space<hbm>>
          %dma_wait3A_32 = tpu.memref_slice %arg10[%mul3A_30] : memref<10240xf32, #tpu.memory_space<hbm>> -> memref<1024xf32, #tpu.memory_space<hbm>>
          tpu.wait_dma2 semaphore(%run_scoped3A : memref<!tpu.dma_semaphore, #tpu.memory_space<semaphore_mem>>) src(%arg17 : memref<1024xf32, #tpu.memory_space<vmem>>) dst(%dma_wait3A_32 : memref<1024xf32, #tpu.memory_space<hbm>>)
          tpu.yield
        }) : () -> ()
      } else {
      }
    } else {
    }
    return
  }
}

module attributes {stable_mosaic.version = 14 : i64} {
  func.func @_layer1_body(%arg0: i32, %arg1: memref<2000x128xf32, #tpu.memory_space<vmem>>, %arg2: memref<2000x128xf32, #tpu.memory_space<vmem>>, %arg3: memref<2000x128xf32, #tpu.memory_space<vmem>>, %arg4: memref<2000x1xf32, #tpu.memory_space<vmem>>, %arg5: memref<2000x1xf32, #tpu.memory_space<vmem>>, %arg6: memref<128x128xbf16, #tpu.memory_space<vmem>>, %arg7: memref<128x128xbf16, #tpu.memory_space<vmem>>, %arg8: memref<1x128xf32, #tpu.memory_space<vmem>>, %arg9: memref<1x128xf32, #tpu.memory_space<vmem>>, %arg10: memref<2000x128xf32, #tpu.memory_space<vmem>>) attributes {dimension_semantics = [#tpu.dimension_semantics<arbitrary>], iteration_bounds = array<i64: 5>, scalar_prefetch = 0 : i64, scratch_operands = 0 : i64, tpu.core_type = #tpu.core_type<tc>, window_params = [{transform_indices = @transform_0, window_bounds = array<i64: 2000, 128>}, {transform_indices = @transform_1, window_bounds = array<i64: 2000, 128>}, {transform_indices = @transform_2, window_bounds = array<i64: 2000, 128>}, {transform_indices = @transform_3, window_bounds = array<i64: 2000, 1>}, {transform_indices = @transform_4, window_bounds = array<i64: 2000, 1>}, {pipeline_mode = #tpu.pipeline_mode<synchronous>, transform_indices = @transform_5, window_bounds = array<i64: 128, 128>}, {pipeline_mode = #tpu.pipeline_mode<synchronous>, transform_indices = @transform_6, window_bounds = array<i64: 128, 128>}, {pipeline_mode = #tpu.pipeline_mode<synchronous>, transform_indices = @transform_7, window_bounds = array<i64: 1, 128>}, {pipeline_mode = #tpu.pipeline_mode<synchronous>, transform_indices = @transform_8, window_bounds = array<i64: 1, 128>}, {transform_indices = @transform_9, window_bounds = array<i64: 2000, 128>}]} {
    %get3A = arith.constant 0 : index
    %get3A_0 = arith.constant 0 : index
    %get3A_1 = vector.load %arg2[%get3A, %get3A_0] : memref<2000x128xf32, #tpu.memory_space<vmem>>, vector<2000x128xf32>
    %get3A_2 = arith.constant 0 : index
    %get3A_3 = arith.constant 0 : index
    %get3A_4 = vector.load %arg3[%get3A_2, %get3A_3] : memref<2000x128xf32, #tpu.memory_space<vmem>>, vector<2000x128xf32>
    %add3A = arith.addf %get3A_1, %get3A_4 : vector<2000x128xf32>
    %get3A_5 = arith.constant 0 : index
    %get3A_6 = arith.constant 0 : index
    %get3A_7 = vector.load %arg4[%get3A_5, %get3A_6] : memref<2000x1xf32, #tpu.memory_space<vmem>>, vector<2000x1xf32>
    %get3A_8 = arith.constant 0 : index
    %get3A_9 = arith.constant 0 : index
    %get3A_10 = vector.load %arg5[%get3A_8, %get3A_9] : memref<2000x1xf32, #tpu.memory_space<vmem>>, vector<2000x1xf32>
    %add3A_11 = arith.addf %get3A_7, %get3A_10 : vector<2000x1xf32>
    %get3A_12 = arith.constant 0 : index
    %get3A_13 = arith.constant 0 : index
    %get3A_14 = vector.load %arg1[%get3A_12, %get3A_13] : memref<2000x128xf32, #tpu.memory_space<vmem>>, vector<2000x128xf32>
    %get3A_15 = arith.constant 0 : index
    %get3A_16 = arith.constant 0 : index
    %get3A_17 = vector.load %arg6[%get3A_15, %get3A_16] : memref<128x128xbf16, #tpu.memory_space<vmem>>, vector<128x128xbf16>
    %convert_element_type3A = arith.truncf %get3A_14 : vector<2000x128xf32> to vector<2000x128xbf16>
    %dot_general3A = arith.constant dense<0.000000e+00> : vector<2000x128xf32>
    %dot_general3A_18 = tpu.matmul %convert_element_type3A, %get3A_17, %dot_general3A {dimension_numbers = #tpu.dot_dimension_numbers<[1], [0], [0], [1], [0, 0, 1, 1], [], []>, transpose_lhs_hint = false} : vector<2000x128xbf16>, vector<128x128xbf16>, vector<2000x128xf32> -> vector<2000x128xf32>
    %get3A_19 = arith.constant 0 : index
    %get3A_20 = arith.constant 0 : index
    %get3A_21 = vector.load %arg7[%get3A_19, %get3A_20] : memref<128x128xbf16, #tpu.memory_space<vmem>>, vector<128x128xbf16>
    %convert_element_type3A_22 = arith.truncf %add3A : vector<2000x128xf32> to vector<2000x128xbf16>
    %dot_general3A_23 = arith.constant dense<0.000000e+00> : vector<2000x128xf32>
    %dot_general3A_24 = tpu.matmul %convert_element_type3A_22, %get3A_21, %dot_general3A_23 {dimension_numbers = #tpu.dot_dimension_numbers<[1], [0], [0], [1], [0, 0, 1, 1], [], []>, transpose_lhs_hint = false} : vector<2000x128xbf16>, vector<128x128xbf16>, vector<2000x128xf32> -> vector<2000x128xf32>
    %add3A_25 = arith.addf %dot_general3A_18, %dot_general3A_24 : vector<2000x128xf32>
    %convert_element_type3A_26 = arith.truncf %add3A_11 : vector<2000x1xf32> to vector<2000x1xbf16>
    %convert_element_type3A_27 = arith.extf %convert_element_type3A_26 : vector<2000x1xbf16> to vector<2000x1xf32>
    %get3A_28 = arith.constant 0 : index
    %get3A_29 = arith.constant 0 : index
    %get3A_30 = vector.load %arg8[%get3A_28, %get3A_29] : memref<1x128xf32, #tpu.memory_space<vmem>>, vector<1x128xf32>
    %mul3A = vector.broadcast %convert_element_type3A_27 : vector<2000x1xf32> to vector<2000x128xf32>
    %mul3A_31 = vector.broadcast %get3A_30 : vector<1x128xf32> to vector<2000x128xf32>
    %mul3A_32 = arith.mulf %mul3A, %mul3A_31 : vector<2000x128xf32>
    %add3A_33 = arith.addf %add3A_25, %mul3A_32 : vector<2000x128xf32>
    %get3A_34 = arith.constant 0 : index
    %get3A_35 = arith.constant 0 : index
    %get3A_36 = vector.load %arg9[%get3A_34, %get3A_35] : memref<1x128xf32, #tpu.memory_space<vmem>>, vector<1x128xf32>
    %add3A_37 = vector.broadcast %get3A_36 : vector<1x128xf32> to vector<2000x128xf32>
    %add3A_38 = arith.addf %add3A_33, %add3A_37 : vector<2000x128xf32>
    %max3A = arith.constant 0.000000e+00 : f32
    %max3A_39 = vector.broadcast %max3A : f32 to vector<2000x128xf32>
    %max3A_40 = arith.maximumf %add3A_38, %max3A_39 : vector<2000x128xf32>
    %swap3A = arith.constant 0 : index
    %swap3A_41 = arith.constant 0 : index
    %swap3A_42 = vector.load %arg10[%swap3A, %swap3A_41] : memref<2000x128xf32, #tpu.memory_space<vmem>>, vector<2000x128xf32>
    tpu.vector_store %arg10[%swap3A, %swap3A_41], %max3A_40 {strides = array<i32>} : memref<2000x128xf32, #tpu.memory_space<vmem>>, vector<2000x128xf32>,
    return
  }
  func.func @transform_0(%arg0: i32) -> (i32, i32) {
    %c0_i32 = arith.constant 0 : i32
    %c0_i32_0 = arith.constant 0 : i32
    return %arg0, %c0_i32 : i32, i32
  }
  func.func @transform_1(%arg0: i32) -> (i32, i32) {
    %c0_i32 = arith.constant 0 : i32
    %c0_i32_0 = arith.constant 0 : i32
    return %arg0, %c0_i32 : i32, i32
  }
  func.func @transform_2(%arg0: i32) -> (i32, i32) {
    %c0_i32 = arith.constant 0 : i32
    %c0_i32_0 = arith.constant 0 : i32
    return %arg0, %c0_i32 : i32, i32
  }
  func.func @transform_3(%arg0: i32) -> (i32, i32) {
    %c0_i32 = arith.constant 0 : i32
    %c0_i32_0 = arith.constant 0 : i32
    return %arg0, %c0_i32 : i32, i32
  }
  func.func @transform_4(%arg0: i32) -> (i32, i32) {
    %c0_i32 = arith.constant 0 : i32
    %c0_i32_0 = arith.constant 0 : i32
    return %arg0, %c0_i32 : i32, i32
  }
  func.func @transform_5(%arg0: i32) -> (i32, i32) {
    %c0_i32 = arith.constant 0 : i32
    %c0_i32_0 = arith.constant 0 : i32
    %c0_i32_1 = arith.constant 0 : i32
    return %c0_i32, %c0_i32_0 : i32, i32
  }
  func.func @transform_6(%arg0: i32) -> (i32, i32) {
    %c0_i32 = arith.constant 0 : i32
    %c0_i32_0 = arith.constant 0 : i32
    %c0_i32_1 = arith.constant 0 : i32
    return %c0_i32, %c0_i32_0 : i32, i32
  }
  func.func @transform_7(%arg0: i32) -> (i32, i32) {
    %c0_i32 = arith.constant 0 : i32
    %c0_i32_0 = arith.constant 0 : i32
    %c0_i32_1 = arith.constant 0 : i32
    return %c0_i32, %c0_i32_0 : i32, i32
  }
  func.func @transform_8(%arg0: i32) -> (i32, i32) {
    %c0_i32 = arith.constant 0 : i32
    %c0_i32_0 = arith.constant 0 : i32
    %c0_i32_1 = arith.constant 0 : i32
    return %c0_i32, %c0_i32_0 : i32, i32
  }
  func.func @transform_9(%arg0: i32) -> (i32, i32) {
    %c0_i32 = arith.constant 0 : i32
    %c0_i32_0 = arith.constant 0 : i32
    return %arg0, %c0_i32 : i32, i32
  }
}

module attributes {stable_mosaic.version = 14 : i64} {
  func.func @_head_body(%arg0: i32, %arg1: memref<2000x128xf32, #tpu.memory_space<vmem>>, %arg2: memref<2000x128xf32, #tpu.memory_space<vmem>>, %arg3: memref<2000x128xf32, #tpu.memory_space<vmem>>, %arg4: memref<2000x1xf32, #tpu.memory_space<vmem>>, %arg5: memref<2000x1xf32, #tpu.memory_space<vmem>>, %arg6: memref<128x128xbf16, #tpu.memory_space<vmem>>, %arg7: memref<128x128xbf16, #tpu.memory_space<vmem>>, %arg8: memref<1x128xf32, #tpu.memory_space<vmem>>, %arg9: memref<1x128xf32, #tpu.memory_space<vmem>>, %arg10: memref<128x128xbf16, #tpu.memory_space<vmem>>, %arg11: memref<1x128xf32, #tpu.memory_space<vmem>>, %arg12: memref<1x128xf32, #tpu.memory_space<vmem>>, %arg13: memref<1x1xf32, #tpu.memory_space<vmem>>, %arg14: memref<2000x1xf32, #tpu.memory_space<vmem>>) attributes {dimension_semantics = [#tpu.dimension_semantics<arbitrary>], iteration_bounds = array<i64: 5>, scalar_prefetch = 0 : i64, scratch_operands = 0 : i64, tpu.core_type = #tpu.core_type<tc>, window_params = [{transform_indices = @transform_0, window_bounds = array<i64: 2000, 128>}, {transform_indices = @transform_1, window_bounds = array<i64: 2000, 128>}, {transform_indices = @transform_2, window_bounds = array<i64: 2000, 128>}, {transform_indices = @transform_3, window_bounds = array<i64: 2000, 1>}, {transform_indices = @transform_4, window_bounds = array<i64: 2000, 1>}, {pipeline_mode = #tpu.pipeline_mode<synchronous>, transform_indices = @transform_5, window_bounds = array<i64: 128, 128>}, {pipeline_mode = #tpu.pipeline_mode<synchronous>, transform_indices = @transform_6, window_bounds = array<i64: 128, 128>}, {pipeline_mode = #tpu.pipeline_mode<synchronous>, transform_indices = @transform_7, window_bounds = array<i64: 1, 128>}, {pipeline_mode = #tpu.pipeline_mode<synchronous>, transform_indices = @transform_8, window_bounds = array<i64: 1, 128>}, {pipeline_mode = #tpu.pipeline_mode<synchronous>, transform_indices = @transform_9, window_bounds = array<i64: 128, 128>}, {pipeline_mode = #tpu.pipeline_mode<synchronous>, transform_indices = @transform_10, window_bounds = array<i64: 1, 128>}, {pipeline_mode = #tpu.pipeline_mode<synchronous>, transform_indices = @transform_11, window_bounds = array<i64: 1, 128>}, {pipeline_mode = #tpu.pipeline_mode<synchronous>, transform_indices = @transform_12, window_bounds = array<i64: 1, 1>}, {transform_indices = @transform_13, window_bounds = array<i64: 2000, 1>}]} {
    %get3A = arith.constant 0 : index
    %get3A_0 = arith.constant 0 : index
    %get3A_1 = vector.load %arg2[%get3A, %get3A_0] : memref<2000x128xf32, #tpu.memory_space<vmem>>, vector<2000x128xf32>
    %get3A_2 = arith.constant 0 : index
    %get3A_3 = arith.constant 0 : index
    %get3A_4 = vector.load %arg3[%get3A_2, %get3A_3] : memref<2000x128xf32, #tpu.memory_space<vmem>>, vector<2000x128xf32>
    %add3A = arith.addf %get3A_1, %get3A_4 : vector<2000x128xf32>
    %get3A_5 = arith.constant 0 : index
    %get3A_6 = arith.constant 0 : index
    %get3A_7 = vector.load %arg4[%get3A_5, %get3A_6] : memref<2000x1xf32, #tpu.memory_space<vmem>>, vector<2000x1xf32>
    %get3A_8 = arith.constant 0 : index
    %get3A_9 = arith.constant 0 : index
    %get3A_10 = vector.load %arg5[%get3A_8, %get3A_9] : memref<2000x1xf32, #tpu.memory_space<vmem>>, vector<2000x1xf32>
    %add3A_11 = arith.addf %get3A_7, %get3A_10 : vector<2000x1xf32>
    %get3A_12 = arith.constant 0 : index
    %get3A_13 = arith.constant 0 : index
    %get3A_14 = vector.load %arg1[%get3A_12, %get3A_13] : memref<2000x128xf32, #tpu.memory_space<vmem>>, vector<2000x128xf32>
    %get3A_15 = arith.constant 0 : index
    %get3A_16 = arith.constant 0 : index
    %get3A_17 = vector.load %arg6[%get3A_15, %get3A_16] : memref<128x128xbf16, #tpu.memory_space<vmem>>, vector<128x128xbf16>
    %convert_element_type3A = arith.truncf %get3A_14 : vector<2000x128xf32> to vector<2000x128xbf16>
    %dot_general3A = arith.constant dense<0.000000e+00> : vector<2000x128xf32>
    %dot_general3A_18 = tpu.matmul %convert_element_type3A, %get3A_17, %dot_general3A {dimension_numbers = #tpu.dot_dimension_numbers<[1], [0], [0], [1], [0, 0, 1, 1], [], []>, transpose_lhs_hint = false} : vector<2000x128xbf16>, vector<128x128xbf16>, vector<2000x128xf32> -> vector<2000x128xf32>
    %get3A_19 = arith.constant 0 : index
    %get3A_20 = arith.constant 0 : index
    %get3A_21 = vector.load %arg7[%get3A_19, %get3A_20] : memref<128x128xbf16, #tpu.memory_space<vmem>>, vector<128x128xbf16>
    %convert_element_type3A_22 = arith.truncf %add3A : vector<2000x128xf32> to vector<2000x128xbf16>
    %dot_general3A_23 = arith.constant dense<0.000000e+00> : vector<2000x128xf32>
    %dot_general3A_24 = tpu.matmul %convert_element_type3A_22, %get3A_21, %dot_general3A_23 {dimension_numbers = #tpu.dot_dimension_numbers<[1], [0], [0], [1], [0, 0, 1, 1], [], []>, transpose_lhs_hint = false} : vector<2000x128xbf16>, vector<128x128xbf16>, vector<2000x128xf32> -> vector<2000x128xf32>
    %add3A_25 = arith.addf %dot_general3A_18, %dot_general3A_24 : vector<2000x128xf32>
    %convert_element_type3A_26 = arith.truncf %add3A_11 : vector<2000x1xf32> to vector<2000x1xbf16>
    %convert_element_type3A_27 = arith.extf %convert_element_type3A_26 : vector<2000x1xbf16> to vector<2000x1xf32>
    %get3A_28 = arith.constant 0 : index
    %get3A_29 = arith.constant 0 : index
    %get3A_30 = vector.load %arg8[%get3A_28, %get3A_29] : memref<1x128xf32, #tpu.memory_space<vmem>>, vector<1x128xf32>
    %mul3A = vector.broadcast %convert_element_type3A_27 : vector<2000x1xf32> to vector<2000x128xf32>
    %mul3A_31 = vector.broadcast %get3A_30 : vector<1x128xf32> to vector<2000x128xf32>
    %mul3A_32 = arith.mulf %mul3A, %mul3A_31 : vector<2000x128xf32>
    %add3A_33 = arith.addf %add3A_25, %mul3A_32 : vector<2000x128xf32>
    %get3A_34 = arith.constant 0 : index
    %get3A_35 = arith.constant 0 : index
    %get3A_36 = vector.load %arg9[%get3A_34, %get3A_35] : memref<1x128xf32, #tpu.memory_space<vmem>>, vector<1x128xf32>
    %add3A_37 = vector.broadcast %get3A_36 : vector<1x128xf32> to vector<2000x128xf32>
    %add3A_38 = arith.addf %add3A_33, %add3A_37 : vector<2000x128xf32>
    %max3A = arith.constant 0.000000e+00 : f32
    %max3A_39 = vector.broadcast %max3A : f32 to vector<2000x128xf32>
    %max3A_40 = arith.maximumf %add3A_38, %max3A_39 : vector<2000x128xf32>
    %get3A_41 = arith.constant 0 : index
    %get3A_42 = arith.constant 0 : index
    %get3A_43 = vector.load %arg10[%get3A_41, %get3A_42] : memref<128x128xbf16, #tpu.memory_space<vmem>>, vector<128x128xbf16>
    %convert_element_type3A_44 = arith.truncf %max3A_40 : vector<2000x128xf32> to vector<2000x128xbf16>
    %dot_general3A_45 = arith.constant dense<0.000000e+00> : vector<2000x128xf32>
    %dot_general3A_46 = tpu.matmul %convert_element_type3A_44, %get3A_43, %dot_general3A_45 {dimension_numbers = #tpu.dot_dimension_numbers<[1], [0], [0], [1], [0, 0, 1, 1], [], []>, transpose_lhs_hint = false} : vector<2000x128xbf16>, vector<128x128xbf16>, vector<2000x128xf32> -> vector<2000x128xf32>
    %get3A_47 = arith.constant 0 : index
    %get3A_48 = arith.constant 0 : index
    %get3A_49 = vector.load %arg11[%get3A_47, %get3A_48] : memref<1x128xf32, #tpu.memory_space<vmem>>, vector<1x128xf32>
    %add3A_50 = vector.broadcast %get3A_49 : vector<1x128xf32> to vector<2000x128xf32>
    %add3A_51 = arith.addf %dot_general3A_46, %add3A_50 : vector<2000x128xf32>
    %max3A_52 = arith.constant 0.000000e+00 : f32
    %max3A_53 = vector.broadcast %max3A_52 : f32 to vector<2000x128xf32>
    %max3A_54 = arith.maximumf %add3A_51, %max3A_53 : vector<2000x128xf32>
    %convert_element_type3A_55 = arith.truncf %max3A_54 : vector<2000x128xf32> to vector<2000x128xbf16>
    %convert_element_type3A_56 = arith.extf %convert_element_type3A_55 : vector<2000x128xbf16> to vector<2000x128xf32>
    %get3A_57 = arith.constant 0 : index
    %get3A_58 = arith.constant 0 : index
    %get3A_59 = vector.load %arg12[%get3A_57, %get3A_58] : memref<1x128xf32, #tpu.memory_space<vmem>>, vector<1x128xf32>
    %mul3A_60 = vector.broadcast %get3A_59 : vector<1x128xf32> to vector<2000x128xf32>
    %mul3A_61 = arith.mulf %convert_element_type3A_56, %mul3A_60 : vector<2000x128xf32>
    %reduce_sum3A = arith.constant dense<0.000000e+00> : vector<2000xf32>
    %reduce_sum3A_62 = vector.multi_reduction <add>, %mul3A_61, %reduce_sum3A [1] : vector<2000x128xf32> to vector<2000xf32>
    %broadcast_in_dim3A = vector.shape_cast %reduce_sum3A_62 : vector<2000xf32> to vector<2000x1xf32>
    %get3A_63 = arith.constant 0 : index
    %get3A_64 = arith.constant 0 : index
    %get3A_65 = vector.load %arg13[%get3A_63, %get3A_64] : memref<1x1xf32, #tpu.memory_space<vmem>>, vector<1x1xf32>
    %add3A_66 = vector.broadcast %get3A_65 : vector<1x1xf32> to vector<2000x1xf32>
    %add3A_67 = arith.addf %broadcast_in_dim3A, %add3A_66 : vector<2000x1xf32>
    %swap3A = arith.constant 0 : index
    %swap3A_68 = arith.constant 0 : index
    %swap3A_69 = vector.load %arg14[%swap3A, %swap3A_68] : memref<2000x1xf32, #tpu.memory_space<vmem>>, vector<2000x1xf32>
    tpu.vector_store %arg14[%swap3A, %swap3A_68], %add3A_67 {strides = array<i32>} : memref<2000x1xf32, #tpu.memory_space<vmem>>, vector<2000x1xf32>,
    return
  }
  func.func @transform_0(%arg0: i32) -> (i32, i32) {
    %c0_i32 = arith.constant 0 : i32
    %c0_i32_0 = arith.constant 0 : i32
    return %arg0, %c0_i32 : i32, i32
  }
  func.func @transform_1(%arg0: i32) -> (i32, i32) {
    %c0_i32 = arith.constant 0 : i32
    %c0_i32_0 = arith.constant 0 : i32
    return %arg0, %c0_i32 : i32, i32
  }
  func.func @transform_2(%arg0: i32) -> (i32, i32) {
    %c0_i32 = arith.constant 0 : i32
    %c0_i32_0 = arith.constant 0 : i32
    return %arg0, %c0_i32 : i32, i32
  }
  func.func @transform_3(%arg0: i32) -> (i32, i32) {
    %c0_i32 = arith.constant 0 : i32
    %c0_i32_0 = arith.constant 0 : i32
    return %arg0, %c0_i32 : i32, i32
  }
  func.func @transform_4(%arg0: i32) -> (i32, i32) {
    %c0_i32 = arith.constant 0 : i32
    %c0_i32_0 = arith.constant 0 : i32
    return %arg0, %c0_i32 : i32, i32
  }
  func.func @transform_5(%arg0: i32) -> (i32, i32) {
    %c0_i32 = arith.constant 0 : i32
    %c0_i32_0 = arith.constant 0 : i32
    %c0_i32_1 = arith.constant 0 : i32
    return %c0_i32, %c0_i32_0 : i32, i32
  }
  func.func @transform_6(%arg0: i32) -> (i32, i32) {
    %c0_i32 = arith.constant 0 : i32
    %c0_i32_0 = arith.constant 0 : i32
    %c0_i32_1 = arith.constant 0 : i32
    return %c0_i32, %c0_i32_0 : i32, i32
  }
  func.func @transform_7(%arg0: i32) -> (i32, i32) {
    %c0_i32 = arith.constant 0 : i32
    %c0_i32_0 = arith.constant 0 : i32
    %c0_i32_1 = arith.constant 0 : i32
    return %c0_i32, %c0_i32_0 : i32, i32
  }
  func.func @transform_8(%arg0: i32) -> (i32, i32) {
    %c0_i32 = arith.constant 0 : i32
    %c0_i32_0 = arith.constant 0 : i32
    %c0_i32_1 = arith.constant 0 : i32
    return %c0_i32, %c0_i32_0 : i32, i32
  }
  func.func @transform_9(%arg0: i32) -> (i32, i32) {
    %c0_i32 = arith.constant 0 : i32
    %c0_i32_0 = arith.constant 0 : i32
    %c0_i32_1 = arith.constant 0 : i32
    return %c0_i32, %c0_i32_0 : i32, i32
  }
  func.func @transform_10(%arg0: i32) -> (i32, i32) {
    %c0_i32 = arith.constant 0 : i32
    %c0_i32_0 = arith.constant 0 : i32
    %c0_i32_1 = arith.constant 0 : i32
    return %c0_i32, %c0_i32_0 : i32, i32
  }
  func.func @transform_11(%arg0: i32) -> (i32, i32) {
    %c0_i32 = arith.constant 0 : i32
    %c0_i32_0 = arith.constant 0 : i32
    %c0_i32_1 = arith.constant 0 : i32
    return %c0_i32, %c0_i32_0 : i32, i32
  }
  func.func @transform_12(%arg0: i32) -> (i32, i32) {
    %c0_i32 = arith.constant 0 : i32
    %c0_i32_0 = arith.constant 0 : i32
    %c0_i32_1 = arith.constant 0 : i32
    return %c0_i32, %c0_i32_0 : i32, i32
  }
  func.func @transform_13(%arg0: i32) -> (i32, i32) {
    %c0_i32 = arith.constant 0 : i32
    %c0_i32_0 = arith.constant 0 : i32
    return %arg0, %c0_i32 : i32, i32
  }
}

</mosaic_0001>

<sc_bundles>
// kernel: sc_edge_aggr.4.cloned.1.call-start
scs
__scs_entry_jumppad:
0x0: {  	(pc) =	sbr.rel $0x88, $3  }
0x1: {  	(tag) =	ssettag $0x0;
	lr =	simm.s32 $0x1  }
0x2: {  	[smem:$0x3F96] =	sst lr;
	_ =	strace $0xD0000000  }
0x3: {  	_ = 	snop  }
0x4: {  	_ = 	snop  }
0x5: {  	_ = 	snop  }
0x6: {  	_ = 	snop  }
0x7: {  	_ = 	snop  }
__scs_overlays_trampoline_lowered:
0x8: {  	[smem:$0x3FA5] =	sst s0  }
0x9: {  	[smem:$0x3FA6] =	sst s1  }
0xa: {  	[smem:$0x3FA7] =	sst s2  }
0xb: {  	[smem:$0x3FA8] =	sst s3  }
0xc: {  	[smem:$0x3FA9] =	sst s4  }
0xd: {  	[smem:$0x3FAA] =	sst s5  }
0xe: {  	[smem:$0x3FAB] =	sst s6  }
0xf: {  	[smem:$0x3FAC] =	sst s7  }
0x10: {  	[smem:$0x3FAD] =	sst s8  }
0x11: {  	[smem:$0x3FAE] =	sst s9;
	s0 =	simm.s32 @!p0 $0x0  }
0x12: {  	s1 =	sld [smem:$0x3F94];
	s0 =	simm.s32 @p0 $0x1  }
0x13: {  	[smem:$0x3FAF] =	sst s0;
	s0 =	simm.s32 @!p1 $0x0  }
0x14: {  	s2 =	sld [smem:$0x3F93];
	s0 =	simm.s32 @p1 $0x1  }
0x15: {  	[smem:$0x3FB0] =	sst s0;
	s0 =	simm.s32 @!p2 $0x0  }
0x16: {  	s3 =	sld [smem:$0x3FDB];
	s0 =	simm.s32 @p2 $0x1  }
0x17: {  	s4 =	simm.s32 $0x1BF5;
	[smem:$0x3FB2] =	sst s0  }
0x18: {  	s0 =	sld [smem:$0x3F95];
	_ =	swait.ge [sflag:s4], $0x0  }
0x19: {  	s7 =	sld [smem:$0x3F96]  }
0x1a: {  	s8 =	sadd.s32 $0xFFFFE003, lr  }
0x1b: {  	s9 =	sadd.s32 $0xFFFFFEF7, lr;
	s5 =	simm.s32 $0xFFFFFFFF;
	p2 =	slt.u32 s8, $0xFFFFF086  }
0x1c: {  	p1 =	slt.u32 s9, $0xF7A;
	s5 =	simm.s32 @!p2 $0x0  }
0x1d: {  	s5 =	simm.s32 @p1 $0x1;
	p0 =	seq.s32 s7, s2  }
0x1e: {  	s7 =	smul.u32 @!p0 $0xF7A, s2;
	p2 =	seq.s32 @!p0 s5, $0x0  }
0x1f: {  	s9 =	smul.u32 $0xF7A, s1;
	s8 =	simm.s32 @!p0 $0x1BF5;
	p2 =	por !p2, p0  }
0x20: {  	[sflag:s8] =	ssyncset.s32 @!p0 $0xFFFFF086;
	s6 =	sadd.s32 @!p0 s3, s7;
	s7 =	simm.s32 @!p0 $0x108  }
0x21: {  	s3 =	sadd.s32 s3, s9;
	s6 =	sadd.s32 @!p0 $0x88, s6;
	s7 =	simm.s32 @p2 $0x1082  }
0x22: {  	[simem:s7], [sflag:s8] =	dma.local @!p0 [hbm:s6], $0xF7A  }
0x23: {  	s9 =	sor.u32 $0xD0000000, s2;
	s6 =	simm.s32 $0x108;
	_ =	swait.ge @!p0 [sflag:s8], $0x0  }
0x24: {  	s3 =	sadd.s32 $0x88, s3;
	s6 =	simm.s32 @!p1 $0x1082;
	[sflag:s4] =	ssyncset.s32 $0xFFFFF086  }
0x25: {  	[simem:s6], [sflag:s4] =	dma.local [hbm:s3], $0xF7A  }
0x26: {  	[smem:$0x3F96] =	sst s1;
	(tag) =	ssettag s2;
	_ =	strace s9  }
0x27: {  	s1 =	sld [smem:$0x3FA6]  }
0x28: {  	s2 =	sld [smem:$0x3FA7]  }
0x29: {  	s4 =	sld [smem:$0x3FA9]  }
0x2a: {  	p0 =	seq.s32 s5, $0x0;
	s5 =	sld [smem:$0x3FAA]  }
0x2b: {  	s6 =	sld [smem:$0x3FAB]  }
0x2c: {  	s7 =	sld [smem:$0x3FAC]  }
0x2d: {  	s3 =	simm.s32 $0x108;
	s8 =	sld [smem:$0x3FAD]  }
0x2e: {  	s3 =	simm.s32 @!p0 $0x1082;
	s9 =	sld [smem:$0x3FAE]  }
0x2f: {  	lr =	sadd.s32 s0, s3;
	s0 =	sld [smem:$0x3FA5]  }
0x30: {  	s3 =	sld [smem:$0x3FA8]  }
0x31: {  	[smem:$0x3FB1] =	sst s10  }
0x32: {  	s10 =	sld [smem:$0x3FAF];
	_ =	sdelay $0x3  }
0x33: {  	p0 =	seq.s32 s10, $0x1;
	s10 =	sld [smem:$0x3FB1];
	_ =	sdelay $0x3  }
0x34: {  	[smem:$0x3FB1] =	sst s10  }
0x35: {  	s10 =	sld [smem:$0x3FB0];
	_ =	sdelay $0x3  }
0x36: {  	p1 =	seq.s32 s10, $0x1;
	s10 =	sld [smem:$0x3FB1];
	_ =	sdelay $0x3  }
0x37: {  	[smem:$0x3FB1] =	sst s10  }
0x38: {  	s10 =	sld [smem:$0x3FB2]  }
0x39: {  	_ = 	snop;
	(pc) =	sbr.ind lr, $3  }
0x3a: {  	_ = 	snop  }
0x3b: {  	_ = 	snop  }
0x3c: {  	p2 =	seq.s32 s10, $0x1;
	s10 =	sld [smem:$0x3FB1]  }
0x3d: {  	_ =	shalt  }
0x3e: {  	_ =	shalt  }
0x3f: {  	_ =	shalt  }
0x40: {  	_ =	shalt  }
0x41: {  	_ =	shalt  }
0x42: {  	_ =	shalt  }
0x43: {  	_ =	shalt  }
0x44: {  	_ =	shalt  }
0x45: {  	_ =	shalt  }
0x46: {  	_ =	shalt  }
0x47: {  	_ =	shalt  }
0x48: {  	_ =	shalt  }
0x49: {  	_ =	shalt  }
0x4a: {  	_ =	shalt  }
0x4b: {  	_ =	shalt  }
0x4c: {  	_ =	shalt  }
0x4d: {  	_ =	shalt  }
0x4e: {  	_ =	shalt  }
0x4f: {  	_ =	shalt  }
0x50: {  	_ =	shalt  }
0x51: {  	_ =	shalt  }
0x52: {  	_ =	shalt  }
0x53: {  	_ =	shalt  }
0x54: {  	_ =	shalt  }
0x55: {  	_ =	shalt  }
0x56: {  	_ =	shalt  }
0x57: {  	_ =	shalt  }
0x58: {  	_ =	shalt  }
0x59: {  	_ =	shalt  }
0x5a: {  	_ =	shalt  }
0x5b: {  	_ =	shalt  }
0x5c: {  	_ =	shalt  }
0x5d: {  	_ =	shalt  }
0x5e: {  	_ =	shalt  }
0x5f: {  	_ =	shalt  }
0x60: {  	_ =	shalt  }
0x61: {  	_ =	shalt  }
0x62: {  	_ =	shalt  }
0x63: {  	_ =	shalt  }
0x64: {  	_ =	shalt  }
0x65: {  	_ =	shalt  }
0x66: {  	_ =	shalt  }
0x67: {  	_ =	shalt  }
0x68: {  	_ =	shalt  }
0x69: {  	_ =	shalt  }
0x6a: {  	_ =	shalt  }
0x6b: {  	_ =	shalt  }
0x6c: {  	_ =	shalt  }
0x6d: {  	_ =	shalt  }
0x6e: {  	_ =	shalt  }
0x6f: {  	_ =	shalt  }
0x70: {  	_ =	shalt  }
0x71: {  	_ =	shalt  }
0x72: {  	_ =	shalt  }
0x73: {  	_ =	shalt  }
0x74: {  	_ =	shalt  }
0x75: {  	_ =	shalt  }
0x76: {  	_ =	shalt  }
0x77: {  	_ =	shalt  }
0x78: {  	_ =	shalt  }
0x79: {  	_ =	shalt  }
0x7a: {  	_ =	shalt  }
0x7b: {  	_ =	shalt  }
0x7c: {  	_ =	shalt  }
0x7d: {  	_ =	shalt  }
0x7e: {  	_ =	shalt  }
0x7f: {  	_ =	shalt  }
0x80: {  	_ =	shalt  }
0x81: {  	_ =	shalt  }
0x82: {  	_ =	shalt  }
0x83: {  	_ =	shalt  }
0x84: {  	_ =	shalt  }
0x85: {  	_ =	shalt  }
0x86: {  	_ =	shalt  }
0x87: {  	_ =	shalt  }
.Lfunc_end0:
.L_simem_size_0:
called_computation_lowered:
.L_overlay_start_0:
0x88: {  	s2 =	sld [smem:$0x3FD9]  }
0x89: {  	s3 =	sld [smem:$0x3FFE];
	_ =	sdelay $0x1  }
0x8a: {  	s1 =	srdreg.scid  }
0x8b: {  	s0 =	sand.u32 $0x1, s1  }
0x8c: {  	s17 =	sshll.u32 s0, $0xA;
	s2 =	sadd.s32 s3, s2  }
0x8d: {  	s2 =	sadd.s32 s2, s17  }
0x8e: {  	[smem:$0x3FBD] =	sst s2  }
0x8f: {  	_ = 	snop  }
0x90: {  	s2 =	sld [smem:$0x3FC9];
	(tm) =	ssettm $0x1  }
0x91: {  	s18 =	sld [smem:$0x3FFB];
	_ =	sdelay $0x3  }
0x92: {  	_ =	strace s18  }
0x93: {  	s3 =	sld [smem:$0x3FFC];
	_ =	sdelay $0x3  }
0x94: {  	_ =	strace s3  }
0x95: {  	s3 =	sld [smem:$0x3FFD];
	_ =	sdelay $0x3  }
0x96: {  	_ =	strace s3  }
0x97: {  	_ =	strace $0x8FFFFFFF  }
0x98: {  	s19 =	sld [smem:$0x3FDB];
	_ =	sdelay $0x1  }
0x99: {  	s4 =	simm.s32 $_scs_section_size  }
0x9a: {  	s5 =	simm.s32 $_size__tile_overlayer_lowered;
	s6 =	simm.s32 $_tile_overlayer_lowered  }
0x9b: {  	s22 =	simm.s32 $0x1BFF;
	s21 =	sshll.u32 s6, $0x1;
	s3 =	sadd.s32 s4, s19  }
0x9c: {  	s7 =	simm.s32 $0x0;
	s20 =	sshll.u32 s5, $0x1;
	s5 =	sadd.s32 s21, s3  }
0x9d: {  	[timem:s7], [sflag:s22] =	dma.local [hbm:s5], s20  }
0x9e: {  	_ =	swait.ge [sflag:s22], s20  }
0x9f: {  	s4 =	ssub.s32 $0x0, s20;
	[sflag:s22] =	ssyncset.done $0x0  }
0xa0: {  	[sflag:s22] =	ssyncadd.s32 s4;
	_ =	sdelay $0x1  }
0xa1: {  	s23 =	simm.s32 $0x1B8B  }
0xa2: {  	_ =	swait.ge [sflag:s23], $0x1  }
0xa3: {  	[sflag:s23] =	ssyncset.done $0x0  }
0xa4: {  	s25 =	simm.s32 $0x1B8E;
	s24 =	sld [smem:$0x3FFE];
	[sflag:s23] =	ssyncadd.s32 $0xFFFFFFFF  }
0xa5: {  	s26 =	simm.s32 $execute0_lowered;
	[smem:$0x3FD2] =	sst s25  }
0xa6: {  	s5 =	sshll.u32 s26, $0x1;
	_ =	strace $0x80000046;
	[dreg:$0x1] =	wrdreg $0xFFFFFFFF  }
0xa7: {  	s28 =	simm.s32 $_size_execute0_lowered;
	s3 =	sadd.s32 s3, s5;
	[dreg:$0x0] =	wrdreg $0x0  }
0xa8: {  	s5 =	sshll.u32 s28, $0x1;
	[dreg:$0x2] =	wrdreg s3  }
0xa9: {  	[dreg:$0x3] =	wrdreg s5  }
0xaa: {  	[dreg:$0x4] =	wrdreg $0xC0  }
0xab: {  	_ =	task [dreg:s7], $0x5FFFF  }
0xac: {  	[dreg:$0x1] =	wrdreg $0xFFFFFFFF  }
0xad: {  	[dreg:$0x0] =	wrdreg $0x60  }
0xae: {  	[dreg:$0x2] =	wrdreg s2  }
0xaf: {  	[dreg:$0x3] =	wrdreg s24  }
0xb0: {  	[dreg:$0x4] =	wrdreg $0xAC000  }
0xb1: {  	[dreg:$0x5] =	wrdreg $0x1E4800  }
0xb2: {  	[dreg:$0x6] =	wrdreg $0x9  }
0xb3: {  	_ =	task.clear_ibuf [dreg:s7], $0x7FFFF;
	_ =	strace $0x90000046  }
0xb4: {  	s29 =	simm.s32 $0x9;
	_ =	strace $0x80000048  }
0xb5: {  	_ =	swait.ge [sflag:s29], $0x1  }
0xb6: {  	[sflag:s29] =	ssyncadd.s32 $0xFFFFFFFF  }
0xb7: {  	_ =	strace $0x90000048  }
0xb8: {  	_ =	sfence  }
0xb9: {  	s30 =	sld [smem:$0x0];
	_ =	sdelay $0x2  }
0xba: {  	s31 =	sshll.u32 s1, $0xD;
	s1 =	sshrl.u32 s1, $0x2  }
0xbb: {  	s3 =	sand.u32 $0x4000, s31;
	s1 =	sadd.s32 s1, s30  }
0xbc: {  	s0 =	sor.u32 s3, s0;
	s1 =	sshll.u32 s1, $0x11  }
0xbd: {  	s0 =	sor.u32 s1, s0  }
0xbe: {  	s0 =	sadd.s32 $0x8F2B, s0  }
0xbf: {  	[sflag:s0] =	ssyncadd.remote.s32 $0x1  }
0xc0: {  	_ =	sfence.sel $0xFFFF  }
0xc1: {  	[dreg:$0x0] =	wrdreg $0xFFFFFFFF;
	(pc) =	sbr.abs _section_cstart, $3  }
0xc2: {  	[dreg:$0x1] =	wrdreg $0xFFFFFFFF  }
0xc3: {  	_ =	task.clear_ibuf [dreg:s7], $0x2FFFF;
	_ =	strace $0x9FFFFFFF  }
0xc4: {  	(tm) =	ssettm $0x7FFFFFFF  }
0xc5: {  	_ =	shalt  }
tec
execute0_lowered:
.L_overlay_start_1:
0x0: {  	(tag) =	ssettag $0x1  }
0x1: {  	s1 =	rddreg [dreg:$0x0]  }
0x2: {  	s0 =	rddreg [dreg:$0x1]  }
0x3: {  	s2 =	rddreg [dreg:$0x2]  }
0x4: {  	s3 =	rddreg [dreg:$0x3];
	s16 =	simm.s32 $0x0;
	s4 =	srdreg.scid  }
0x5: {  	s13 =	stileid.u32;
	s18 =	simm.s32 $0x4;
	s30 =	simm.s32 $0x1000  }
0x6: {  	s28 =	simm.s32 $0x2;
	s29 =	simm.s32 $0x3;
	s31 =	simm.s32 $0x1A80  }
0x7: {  	s14 =	simm.s32 $0x2B80;
	s15 =	simm.s32 $0x1C00;
	[smem:$0x7FF] =	sst s16  }
0x8: {  	s4 =	sand.u32 $0x1, s4;
	s6 =	sadd.s32 $0x2A00, s0;
	s9 =	smul.u32 $0x1F400, s13  }
0x9: {  	s7 =	sadd.s32 $0x16A00, s0;
	s8 =	sadd.s32 $0x2AA00, s0;
	s10 =	sshll.u32 s13, $0x7  }
0xa: {  	s11 =	sadd.s32 $0x3EA00, s0;
	s21 =	smul.u32 $0x7D000, s13;
	s25 =	sshll.u32 s13, $0xA  }
0xb: {  	s12 =	sshll.u32 s13, $0x1;
	s5 =	smul.u32 $0x138800, s4;
	_ =	strace $0x80000047  }
0xc: {  	[dreg:$0x6] =	wrdreg s11;
	s10 =	sadd.s32 s10, s0;
	s20 =	ssub.s32 $0x2, s4  }
0xd: {  	s23 =	sor.u32 s4, s12;
	p0 =	seq.s32 s4, $0x1;
	s4 =	simm.s32 $0x91800  }
0xe: {  	s22 =	sshrl.u32 s20, $0x1;
	s11 =	sshrl.u32 s21, $0x2;
	s24 =	sadd.s32 $0x42A00, s10  }
0xf: {  	s12 =	smul.u32 $0x5, s23;
	s4 =	simm.s32 @!p0 $0x91200;
	p0 =	sgt.u32 s13, $0x9  }
0x10: {  	s21 =	simm.s32 $0x50;
	s5 =	sadd.s32 s9, s5;
	s11 =	sadd.s32 s11, s2  }
0x11: {  	[dreg:$0x7] =	wrdreg s24;
	s4 =	sadd.s32 s4, s10;
	s24 =	simm.s32 $0x5800  }
0x12: {  	s9 =	simm.s32 $0x1B00;
	s10 =	simm.s32 $0x2B00;
	s5 =	sshrl.u32 s5, $0x3  }
0x13: {  	[dreg:$0xb] =	wrdreg s4;
	s17 =	sshrl.u32 @!p0 s11, $0x3;
	s4 =	simm.s32 $0xC00  }
0x14: {  	s11 =	simm.s32 $0x2C00;
	s0 =	sadd.s32 s5, s0;
	s5 =	ssub.s32 s20, s22  }
0x15: {  	s20 =	sadd.s32 s25, s3;
	s22 =	simm.s32 $0x3000;
	[dreg:$0xd] =	wrdreg s17  }
0x16: {  	s25 =	simm.s32 $0x8000;
	s0 =	sadd.s32 $0x43000, s0;
	[dreg:$0x8] =	wrdreg s20  }
0x17: {  	s26 =	smax.u32 s5, $0x1;
	[dreg:$0x9] =	wrdreg s0;
	s0 =	sshll.u32 @!p0 s13, $0x6  }
0x18: {  	[dreg:$0xa] =	wrdreg s26;
	s26 =	simm.s32 $0x1;
	s23 =	sor.u32 @!p0 $0x1C04, s0  }
0x19: {  	s13 =	simm.s32 $0x1B80;
	s0 =	simm.s32 $0x2A80;
	[dreg:$0xc] =	wrdreg s23  }
.LBB2_1:
0x1a: {  	[dreg:$0x5] =	wrdreg s16  }
0x1b: {  	s5 =	rddreg [dreg:$0x6]  }
0x1c: {  	[spmem:s17], [sflag:s23] =	dma.local @!p0 [hbm:s5], $0x3E80  }
0x1d: {  	s5 =	simm.s32 @!p0 $0x4  }
0x1e: {  	_ =	swait.ge @!p0 [sflag:s5], $0x3E80  }
0x1f: {  	s16 =	simm.s32 @!p0 $0x0;
	[sflag:s5] =	ssyncset.done @!p0 $0x0  }
0x20: {  	s17 =	simm.s32 @!p0 $0xA800;
	s19 =	rddreg [dreg:$0x7];
	[sflag:s5] =	ssyncadd.s32 @!p0 $0xFFFFC180  }
0x21: {  	[tilespmem:s17], [sflag:$0x4] =	stream.linear.gather @!p0 [hbm4b:s19+s16], $0x400, $0x38;
	[tilespmem:$0x1E700] =	vst v63  }
0x22: {  	_ =	swait.ge @!p0 [sflag:s5], $0x400  }
0x23: {  	[sflag:s5] =	ssyncset.done @!p0 $0x0  }
0x24: {  	[sflag:s5] =	ssyncadd.s32 @!p0 $0xFFFFFC00  }
0x25: {  	[spmem:s20] =	stream.linear.scatter @!p0 [tilespmem:s17], [sflag:$0x4], $0x400, $0x38;
	[tilespmem:$0x1E700] =	vst v63  }
0x26: {  	_ =	swait.ge @!p0 [sflag:s5], $0x400  }
0x27: {  	[sflag:s5] =	ssyncset.done @!p0 $0x0  }
0x28: {  	[sflag:s5] =	ssyncadd.s32 @!p0 $0xFFFFFC00  }
0x29: {  	s16 =	simm.s32 $0x0;
	[bflag:$0x0] =	sbarrier.arrive $0xFFFF  }
.LBB2_2:
0x2a: {  	s5 =	sadd.s32 s12, s16  }
0x2b: {  	s5 =	sshll.u32 s5, $0x9  }
0x2c: {  	s19 =	simm.s32 $0x0;
	s17 =	sadd.s32 s6, s5  }
0x2d: {  	[tilespmem:s19], [sflag:$0x4] =	stream.linear.gather [hbm4b:s17+s19], $0xC80, $0x38;
	[tilespmem:$0x1E700] =	vst v63  }
0x2e: {  	_ =	swait.ge [sflag:s18], $0xC80  }
0x2f: {  	[sflag:s18] =	ssyncset.done $0x0  }
0x30: {  	s20 =	sadd.s32 s7, s5;
	[sflag:s18] =	ssyncadd.s32 $0xFFFFF380  }
0x31: {  	[tilespmem:s30], [sflag:$0x4] =	stream.linear.gather [hbm4b:s20+s19], $0xC80, $0x38;
	[tilespmem:$0x1E700] =	vst v63  }
0x32: {  	_ =	swait.ge [sflag:s18], $0xC80  }
0x33: {  	[sflag:s18] =	ssyncset.done $0x0  }
0x34: {  	s23 =	simm.s32 $0x2000;
	s5 =	sadd.s32 s8, s5;
	[sflag:s18] =	ssyncadd.s32 $0xFFFFF380  }
0x35: {  	[tilespmem:s23], [sflag:$0x4] =	stream.linear.gather [hbm4b:s5+s19], $0xC80, $0x38;
	[tilespmem:$0x1E700] =	vst v63  }
0x36: {  	_ =	swait.ge [sflag:s18], $0xC80  }
0x37: {  	[sflag:s18] =	ssyncset.done $0x0  }
0x38: {  	[sflag:s18] =	ssyncadd.s32 $0xFFFFF380  }
0x39: {  	[tilespmem:s22], [sflag:$0x1] =	stream.indirect.gather [hbm4b:s1+s21], $0x80, s19, s21, $0xb8;
	[tilespmem:$0x1E700] =	vst v63  }
0x3a: {  	s17 =	simm.s32 $0x80  }
0x3b: {  	[tilespmem:s24], [sflag:$0x2] =	stream.indirect.gather [hbm4b:s1+s21], $0x80, s17, s21, $0xb8;
	[tilespmem:$0x1E700] =	vst v63  }
0x3c: {  	s19 =	simm.s32 $0x100  }
0x3d: {  	[tilespmem:s25], [sflag:$0x3] =	stream.indirect.gather [hbm4b:s1+s21], $0x80, s19, s21, $0xb8;
	[tilespmem:$0x1E700] =	vst v63  }
0x3e: {  	_ =	swait.ge [sflag:s26], $0x2800  }
0x3f: {  	[sflag:s26] =	ssyncset.done $0x0  }
0x40: {  	s20 =	simm.s32 $0x1000;
	[sflag:s26] =	ssyncadd.s32 $0xFFFFD800  }
0x41: {  	[spmem:s2] =	stream.indirect.scatter.add.f32 [tilespmem:s22], [sflag:$0x4], $0x80, s20, s21, $0xb8;
	[tilespmem:$0x1E700] =	vst v63  }
0x42: {  	_ =	swait.ge [sflag:s18], $0x2800  }
0x43: {  	[sflag:s18] =	ssyncset.done $0x0  }
0x44: {  	s23 =	simm.s32 $0x2000;
	[sflag:s18] =	ssyncadd.s32 $0xFFFFD800  }
0x45: {  	[spmem:s3] =	stream.indirect.scatter.add.f32 [tilespmem:s23], [sflag:$0x4], $0x1, s20, s21, $0xb8;
	[tilespmem:$0x1E700] =	vst v63  }
0x46: {  	_ =	swait.ge [sflag:s18], $0x50  }
0x47: {  	[sflag:s18] =	ssyncset.done $0x0  }
0x48: {  	s19 =	simm.s32 $0x180;
	[sflag:s18] =	ssyncadd.s32 $0xFFFFFFB0  }
0x49: {  	[tilespmem:s22], [sflag:$0x1] =	stream.indirect.gather [hbm4b:s1+s21], $0x80, s19, s21, $0xb8;
	[tilespmem:$0x1E700] =	vst v63  }
0x4a: {  	_ =	swait.ge [sflag:s28], $0x2800  }
0x4b: {  	[sflag:s28] =	ssyncset.done $0x0  }
0x4c: {  	s20 =	simm.s32 $0x1080;
	[sflag:s28] =	ssyncadd.s32 $0xFFFFD800  }
0x4d: {  	[spmem:s2] =	stream.indirect.scatter.add.f32 [tilespmem:s24], [sflag:$0x4], $0x80, s20, s21, $0xb8;
	[tilespmem:$0x1E700] =	vst v63  }
0x4e: {  	_ =	swait.ge [sflag:s18], $0x2800  }
0x4f: {  	[sflag:s18] =	ssyncset.done $0x0  }
0x50: {  	s23 =	simm.s32 $0x2080;
	[sflag:s18] =	ssyncadd.s32 $0xFFFFD800  }
0x51: {  	[spmem:s3] =	stream.indirect.scatter.add.f32 [tilespmem:s23], [sflag:$0x4], $0x1, s20, s21, $0xb8;
	[tilespmem:$0x1E700] =	vst v63  }
0x52: {  	_ =	swait.ge [sflag:s18], $0x50  }
0x53: {  	[sflag:s18] =	ssyncset.done $0x0  }
0x54: {  	s19 =	simm.s32 $0x200;
	[sflag:s18] =	ssyncadd.s32 $0xFFFFFFB0  }
0x55: {  	[tilespmem:s24], [sflag:$0x2] =	stream.indirect.gather [hbm4b:s1+s21], $0x80, s19, s21, $0xb8;
	[tilespmem:$0x1E700] =	vst v63  }
0x56: {  	_ =	swait.ge [sflag:s29], $0x2800  }
0x57: {  	[sflag:s29] =	ssyncset.done $0x0  }
0x58: {  	s20 =	simm.s32 $0x1100;
	[sflag:s29] =	ssyncadd.s32 $0xFFFFD800  }
0x59: {  	[spmem:s2] =	stream.indirect.scatter.add.f32 [tilespmem:s25], [sflag:$0x4], $0x80, s20, s21, $0xb8;
	[tilespmem:$0x1E700] =	vst v63  }
0x5a: {  	_ =	swait.ge [sflag:s18], $0x2800  }
0x5b: {  	[sflag:s18] =	ssyncset.done $0x0  }
0x5c: {  	s23 =	simm.s32 $0x2100;
	[sflag:s18] =	ssyncadd.s32 $0xFFFFD800  }
0x5d: {  	[spmem:s3] =	stream.indirect.scatter.add.f32 [tilespmem:s23], [sflag:$0x4], $0x1, s20, s21, $0xb8;
	[tilespmem:$0x1E700] =	vst v63  }
0x5e: {  	_ =	swait.ge [sflag:s18], $0x50  }
0x5f: {  	s5 =	simm.s32 $0xC00;
	s17 =	simm.s32 $0x180;
	[sflag:s18] =	ssyncset.done $0x0  }
.LBB2_3:
0x60: {  	s23 =	sadd.s32 $0x100, s17  }
0x61: {  	[sflag:s18] =	ssyncadd.s32 $0xFFFFFFB0;
	s19 =	smov.u32 s5;
	s20 =	sadd.s32 $0x600, s5  }
0x62: {  	[tilespmem:s25], [sflag:$0x3] =	stream.indirect.gather [hbm4b:s1+s21], $0x80, s23, s21, $0xb8;
	[tilespmem:$0x1E700] =	vst v63  }
0x63: {  	p1 =	sne.s32 s5, $0x2400;
	_ =	swait.ge [sflag:s26], $0x2800  }
0x64: {  	[sflag:s26] =	ssyncset.done $0x0  }
0x65: {  	s5 =	sadd.s32 $0x1000, s17;
	[sflag:s26] =	ssyncadd.s32 $0xFFFFD800  }
0x66: {  	[spmem:s2] =	stream.indirect.scatter.add.f32 [tilespmem:s22], [sflag:$0x4], $0x80, s5, s21, $0xb8;
	[tilespmem:$0x1E700] =	vst v63  }
0x67: {  	_ =	swait.ge [sflag:s18], $0x2800  }
0x68: {  	[sflag:s18] =	ssyncset.done $0x0  }
0x69: {  	s23 =	sadd.s32 $0x2000, s17;
	[sflag:s18] =	ssyncadd.s32 $0xFFFFD800  }
0x6a: {  	[spmem:s3] =	stream.indirect.scatter.add.f32 [tilespmem:s23], [sflag:$0x4], $0x1, s5, s21, $0xb8;
	[tilespmem:$0x1E700] =	vst v63  }
0x6b: {  	_ =	swait.ge [sflag:s18], $0x50  }
0x6c: {  	[sflag:s18] =	ssyncset.done $0x0  }
0x6d: {  	s5 =	sadd.s32 $0x180, s17;
	[sflag:s18] =	ssyncadd.s32 $0xFFFFFFB0  }
0x6e: {  	[tilespmem:s22], [sflag:$0x1] =	stream.indirect.gather [hbm4b:s1+s21], $0x80, s5, s21, $0xb8;
	[tilespmem:$0x1E700] =	vst v63  }
0x6f: {  	_ =	swait.ge [sflag:s28], $0x2800  }
0x70: {  	[sflag:s28] =	ssyncset.done $0x0  }
0x71: {  	s5 =	sadd.s32 $0x1080, s17;
	[sflag:s28] =	ssyncadd.s32 $0xFFFFD800  }
0x72: {  	[spmem:s2] =	stream.indirect.scatter.add.f32 [tilespmem:s24], [sflag:$0x4], $0x80, s5, s21, $0xb8;
	[tilespmem:$0x1E700] =	vst v63  }
0x73: {  	_ =	swait.ge [sflag:s18], $0x2800  }
0x74: {  	[sflag:s18] =	ssyncset.done $0x0  }
0x75: {  	s23 =	sadd.s32 $0x2080, s17;
	[sflag:s18] =	ssyncadd.s32 $0xFFFFD800  }
0x76: {  	[spmem:s3] =	stream.indirect.scatter.add.f32 [tilespmem:s23], [sflag:$0x4], $0x1, s5, s21, $0xb8;
	[tilespmem:$0x1E700] =	vst v63  }
0x77: {  	_ =	swait.ge [sflag:s18], $0x50  }
0x78: {  	[sflag:s18] =	ssyncset.done $0x0  }
0x79: {  	s5 =	sadd.s32 $0x200, s17;
	[sflag:s18] =	ssyncadd.s32 $0xFFFFFFB0  }
0x7a: {  	[tilespmem:s24], [sflag:$0x2] =	stream.indirect.gather [hbm4b:s1+s21], $0x80, s5, s21, $0xb8;
	[tilespmem:$0x1E700] =	vst v63  }
0x7b: {  	_ =	swait.ge [sflag:s29], $0x2800  }
0x7c: {  	[sflag:s29] =	ssyncset.done $0x0  }
0x7d: {  	s5 =	sadd.s32 $0x1100, s17;
	[sflag:s29] =	ssyncadd.s32 $0xFFFFD800  }
0x7e: {  	[spmem:s2] =	stream.indirect.scatter.add.f32 [tilespmem:s25], [sflag:$0x4], $0x80, s5, s21, $0xb8;
	[tilespmem:$0x1E700] =	vst v63  }
0x7f: {  	_ =	swait.ge [sflag:s18], $0x2800  }
.Ltmp0:
0x80: {  	[sflag:s18] =	ssyncset.done $0x0;
	(pc) =	sbr.rel @p1 .LBB2_3-.Ltmp0, $4  }
0x81: {  	s17 =	sadd.s32 $0x2100, s17;
	[sflag:s18] =	ssyncadd.s32 $0xFFFFD800  }
0x82: {  	[spmem:s3] =	stream.indirect.scatter.add.f32 [tilespmem:s17], [sflag:$0x4], $0x1, s5, s21, $0xb8;
	[tilespmem:$0x1E700] =	vst v63  }
0x83: {  	_ =	swait.ge [sflag:s18], $0x50  }
0x84: {  	s17 =	sshra.s32 s19, $0x2;
	s5 =	smov.u32 s20;
	[sflag:s18] =	ssyncset.done $0x0  }
0x85: {  	s5 =	sadd.s32 $0x100, s17;
	[sflag:s18] =	ssyncadd.s32 $0xFFFFFFB0  }
0x86: {  	[tilespmem:s25], [sflag:$0x3] =	stream.indirect.gather [hbm4b:s1+s21], $0x80, s5, s21, $0xb8;
	[tilespmem:$0x1E700] =	vst v63  }
0x87: {  	_ =	swait.ge [sflag:s26], $0x2800  }
0x88: {  	[sflag:s26] =	ssyncset.done $0x0  }
0x89: {  	s20 =	sadd.s32 $0x1000, s17;
	[sflag:s26] =	ssyncadd.s32 $0xFFFFD800  }
0x8a: {  	[spmem:s2] =	stream.indirect.scatter.add.f32 [tilespmem:s22], [sflag:$0x4], $0x80, s20, s21, $0xb8;
	[tilespmem:$0x1E700] =	vst v63  }
0x8b: {  	_ =	swait.ge [sflag:s18], $0x2800  }
0x8c: {  	[sflag:s18] =	ssyncset.done $0x0  }
0x8d: {  	s19 =	sadd.s32 $0x2000, s17;
	[sflag:s18] =	ssyncadd.s32 $0xFFFFD800  }
0x8e: {  	[spmem:s3] =	stream.indirect.scatter.add.f32 [tilespmem:s19], [sflag:$0x4], $0x1, s20, s21, $0xb8;
	[tilespmem:$0x1E700] =	vst v63  }
0x8f: {  	_ =	swait.ge [sflag:s18], $0x50  }
0x90: {  	[sflag:s18] =	ssyncset.done $0x0  }
0x91: {  	s23 =	sadd.s32 $0x180, s17;
	[sflag:s18] =	ssyncadd.s32 $0xFFFFFFB0  }
0x92: {  	[tilespmem:s22], [sflag:$0x1] =	stream.indirect.gather [hbm4b:s1+s21], $0x80, s23, s21, $0xb8;
	[tilespmem:$0x1E700] =	vst v63  }
0x93: {  	_ =	swait.ge [sflag:s28], $0x2800  }
0x94: {  	[sflag:s28] =	ssyncset.done $0x0  }
0x95: {  	s19 =	sadd.s32 $0x1080, s17;
	[sflag:s28] =	ssyncadd.s32 $0xFFFFD800  }
0x96: {  	[spmem:s2] =	stream.indirect.scatter.add.f32 [tilespmem:s24], [sflag:$0x4], $0x80, s19, s21, $0xb8;
	[tilespmem:$0x1E700] =	vst v63  }
0x97: {  	_ =	swait.ge [sflag:s18], $0x2800  }
0x98: {  	[sflag:s18] =	ssyncset.done $0x0  }
0x99: {  	s20 =	sadd.s32 $0x2080, s17;
	[sflag:s18] =	ssyncadd.s32 $0xFFFFD800  }
0x9a: {  	[spmem:s3] =	stream.indirect.scatter.add.f32 [tilespmem:s20], [sflag:$0x4], $0x1, s19, s21, $0xb8;
	[tilespmem:$0x1E700] =	vst v63  }
0x9b: {  	_ =	swait.ge [sflag:s18], $0x50  }
0x9c: {  	[sflag:s18] =	ssyncset.done $0x0  }
0x9d: {  	s23 =	sadd.s32 $0x200, s17;
	[sflag:s18] =	ssyncadd.s32 $0xFFFFFFB0  }
0x9e: {  	[tilespmem:s24], [sflag:$0x2] =	stream.indirect.gather [hbm4b:s1+s21], $0x80, s23, s21, $0xb8;
	[tilespmem:$0x1E700] =	vst v63  }
0x9f: {  	_ =	swait.ge [sflag:s29], $0x2800  }
0xa0: {  	[sflag:s29] =	ssyncset.done $0x0  }
0xa1: {  	s19 =	sadd.s32 $0x1100, s17;
	[sflag:s29] =	ssyncadd.s32 $0xFFFFD800  }
0xa2: {  	[spmem:s2] =	stream.indirect.scatter.add.f32 [tilespmem:s25], [sflag:$0x4], $0x80, s19, s21, $0xb8;
	[tilespmem:$0x1E700] =	vst v63  }
0xa3: {  	_ =	swait.ge [sflag:s18], $0x2800  }
0xa4: {  	[sflag:s18] =	ssyncset.done $0x0  }
0xa5: {  	s20 =	sadd.s32 $0x2100, s17;
	[sflag:s18] =	ssyncadd.s32 $0xFFFFD800  }
0xa6: {  	[spmem:s3] =	stream.indirect.scatter.add.f32 [tilespmem:s20], [sflag:$0x4], $0x1, s19, s21, $0xb8;
	[tilespmem:$0x1E700] =	vst v63  }
0xa7: {  	_ =	swait.ge [sflag:s18], $0x50  }
0xa8: {  	[sflag:s18] =	ssyncset.done $0x0  }
0xa9: {  	s23 =	simm.s32 $0xB80;
	[sflag:s18] =	ssyncadd.s32 $0xFFFFFFB0  }
0xaa: {  	[tilespmem:s25], [sflag:$0x3] =	stream.indirect.gather [hbm4b:s1+s21], $0x80, s23, s21, $0xb8;
	[tilespmem:$0x1E700] =	vst v63  }
0xab: {  	_ =	swait.ge [sflag:s26], $0x2800  }
0xac: {  	[sflag:s26] =	ssyncset.done $0x0  }
0xad: {  	[sflag:s26] =	ssyncadd.s32 $0xFFFFD800  }
0xae: {  	[spmem:s2] =	stream.indirect.scatter.add.f32 [tilespmem:s22], [sflag:$0x4], $0x80, s31, s21, $0xb8;
	[tilespmem:$0x1E700] =	vst v63  }
0xaf: {  	_ =	swait.ge [sflag:s18], $0x2800  }
0xb0: {  	[sflag:s18] =	ssyncset.done $0x0  }
0xb1: {  	[sflag:s18] =	ssyncadd.s32 $0xFFFFD800  }
0xb2: {  	[spmem:s3] =	stream.indirect.scatter.add.f32 [tilespmem:s0], [sflag:$0x4], $0x1, s31, s21, $0xb8;
	[tilespmem:$0x1E700] =	vst v63  }
0xb3: {  	_ =	swait.ge [sflag:s18], $0x50  }
0xb4: {  	[sflag:s18] =	ssyncset.done $0x0  }
0xb5: {  	[sflag:s18] =	ssyncadd.s32 $0xFFFFFFB0  }
0xb6: {  	[tilespmem:s22], [sflag:$0x1] =	stream.indirect.gather [hbm4b:s1+s21], $0x80, s4, s21, $0xb8;
	[tilespmem:$0x1E700] =	vst v63  }
0xb7: {  	_ =	swait.ge [sflag:s28], $0x2800  }
0xb8: {  	[sflag:s28] =	ssyncset.done $0x0  }
0xb9: {  	[sflag:s28] =	ssyncadd.s32 $0xFFFFD800  }
0xba: {  	[spmem:s2] =	stream.indirect.scatter.add.f32 [tilespmem:s24], [sflag:$0x4], $0x80, s9, s21, $0xb8;
	[tilespmem:$0x1E700] =	vst v63  }
0xbb: {  	_ =	swait.ge [sflag:s18], $0x2800  }
0xbc: {  	[sflag:s18] =	ssyncset.done $0x0  }
0xbd: {  	[sflag:s18] =	ssyncadd.s32 $0xFFFFD800  }
0xbe: {  	[spmem:s3] =	stream.indirect.scatter.add.f32 [tilespmem:s10], [sflag:$0x4], $0x1, s9, s21, $0xb8;
	[tilespmem:$0x1E700] =	vst v63  }
0xbf: {  	_ =	swait.ge [sflag:s18], $0x50  }
0xc0: {  	[sflag:s18] =	ssyncset.done $0x0  }
0xc1: {  	[sflag:s18] =	ssyncadd.s32 $0xFFFFFFB0  }
0xc2: {  	_ =	swait.ge [sflag:s29], $0x2800  }
0xc3: {  	[sflag:s29] =	ssyncset.done $0x0  }
0xc4: {  	[sflag:s29] =	ssyncadd.s32 $0xFFFFD800  }
0xc5: {  	[spmem:s2] =	stream.indirect.scatter.add.f32 [tilespmem:s25], [sflag:$0x4], $0x80, s13, s21, $0xb8;
	[tilespmem:$0x1E700] =	vst v63  }
0xc6: {  	_ =	swait.ge [sflag:s18], $0x2800  }
0xc7: {  	[sflag:s18] =	ssyncset.done $0x0  }
0xc8: {  	[sflag:s18] =	ssyncadd.s32 $0xFFFFD800  }
0xc9: {  	[spmem:s3] =	stream.indirect.scatter.add.f32 [tilespmem:s14], [sflag:$0x4], $0x1, s13, s21, $0xb8;
	[tilespmem:$0x1E700] =	vst v63  }
0xca: {  	_ =	swait.ge [sflag:s18], $0x50  }
0xcb: {  	[sflag:s18] =	ssyncset.done $0x0  }
0xcc: {  	[sflag:s18] =	ssyncadd.s32 $0xFFFFFFB0  }
0xcd: {  	_ =	swait.ge [sflag:s26], $0x2800  }
0xce: {  	[sflag:s26] =	ssyncset.done $0x0  }
0xcf: {  	[sflag:s26] =	ssyncadd.s32 $0xFFFFD800  }
0xd0: {  	[spmem:s2] =	stream.indirect.scatter.add.f32 [tilespmem:s22], [sflag:$0x4], $0x80, s15, s21, $0xb8;
	[tilespmem:$0x1E700] =	vst v63  }
0xd1: {  	s16 =	sadd.s32 $0x1, s16;
	_ =	swait.ge [sflag:s18], $0x2800  }
0xd2: {  	p1 =	sne.s32 s16, $0x5;
	[sflag:s18] =	ssyncset.done $0x0  }
.Ltmp1:
0xd3: {  	[sflag:s18] =	ssyncadd.s32 $0xFFFFD800;
	(pc) =	sbr.rel @p1 .LBB2_2-.Ltmp1, $4  }
0xd4: {  	[spmem:s3] =	stream.indirect.scatter.add.f32 [tilespmem:s11], [sflag:$0x4], $0x1, s15, s21, $0xb8;
	[tilespmem:$0x1E700] =	vst v63  }
0xd5: {  	_ =	swait.ge [sflag:s18], $0x50  }
0xd6: {  	[sflag:s18] =	ssyncset.done $0x0  }
0xd7: {  	[sflag:s18] =	ssyncadd.s32 $0xFFFFFFB0  }
0xd8: {  	[bflag:$0x0] =	sbarrier.arrive $0xFFFF  }
0xd9: {  	s5 =	rddreg [dreg:$0x9]  }
0xda: {  	s23 =	rddreg [dreg:$0xc]  }
0xdb: {  	s30 =	rddreg [dreg:$0xd]  }
0xdc: {  	[hbm:s5], [sflag:s23] =	dma.local @!p0 [spmem:s30], $0x3E80  }
0xdd: {  	s5 =	simm.s32 @!p0 $0x4  }
0xde: {  	_ =	swait.ge @!p0 [sflag:s5], $0x3E80  }
0xdf: {  	[sflag:s5] =	ssyncset.done @!p0 $0x0  }
0xe0: {  	s16 =	simm.s32 @!p0 $0xA800;
	s20 =	rddreg [dreg:$0x8];
	[sflag:s5] =	ssyncadd.s32 @!p0 $0xFFFFC180  }
0xe1: {  	[tilespmem:s16], [sflag:$0x4] =	stream.linear.gather @!p0 [spmem:s20], $0x400, $0x38;
	[tilespmem:$0x1E700] =	vst v63  }
0xe2: {  	_ =	swait.ge @!p0 [sflag:s5], $0x400  }
0xe3: {  	[sflag:s5] =	ssyncset.done @!p0 $0x0  }
0xe4: {  	s17 =	simm.s32 @!p0 $0x0;
	s19 =	rddreg [dreg:$0xb];
	[sflag:s5] =	ssyncadd.s32 @!p0 $0xFFFFFC00  }
0xe5: {  	[hbm4b:s19+s17] =	stream.linear.scatter @!p0 [tilespmem:s16], [sflag:$0x4], $0x400, $0x38;
	[tilespmem:$0x1E700] =	vst v63  }
0xe6: {  	_ =	swait.ge @!p0 [sflag:s5], $0x400  }
0xe7: {  	s17 =	rddreg [dreg:$0x5]  }
0xe8: {  	s19 =	rddreg [dreg:$0xa];
	s16 =	sadd.s32 $0x1, s17  }
0xe9: {  	p1 =	sne.s32 s16, s19  }
.Ltmp2:
0xea: {  	_ = 	snop;
	(pc) =	sbr.rel @p1 .LBB2_1-.Ltmp2, $3  }
0xeb: {  	_ =	sdelay $0x1  }
0xec: {  	[sflag:s5] =	ssyncset.done @!p0 $0x0  }
0xed: {  	s17 =	smov.u32 s30;
	s30 =	simm.s32 $0x1000;
	[sflag:s5] =	ssyncadd.s32 @!p0 $0xFFFFFC00  }
0xee: {  	_ =	sfence.sel $0x180000  }
0xef: {  	[bflag:$0x0] =	sbarrier.arrive $0xFFFF  }
0xf0: {  	_ =	strace $0x90000047  }
0xf1: {  	s0 =	stileid.u32;
	[bflag:$0x2] =	sbarrier.arrive $0xFFFF  }
0xf2: {  	p0 =	sne.s32 s0, $0x0;
	s0 =	rddreg [dreg:$0x4]  }
0xf3: {  	s0 =	sadd.s32 @!p0 $0x100000, s0  }
0xf4: {  	[sflag:s0] =	ssyncadd.tile.s32 @!p0 $0x1;
	_ =	shalt  }
.Lfunc_end2:
_tile_overlayer_lowered:
.L_overlay_start_2:
0xf5: {  	(tag) =	ssettag $0x2  }
0xf6: {  	s0 =	rddreg [dreg:$0x0];
	s2 =	stileid.u32  }
0xf7: {  	s1 =	rddreg [dreg:$0x1];
	p0 =	sne.s32 s2, $0x0  }
0xf8: {  	s3 =	rddreg [dreg:$0x2];
	[bflag:$0x3] =	sbarrier.arrive $0xFFFF;
	s2 =	simm.s32 @!p0 $0x1C04  }
0xf9: {  	[timem:s3], [sflag:s2] =	dma.local @!p0 [hbm:s0], s1  }
0xfa: {  	s0 =	simm.s32 @!p0 $0x4  }
0xfb: {  	_ =	swait.ge @!p0 [sflag:s0], s1  }
0xfc: {  	s1 =	ssub.s32 @!p0 $0x0, s1;
	[sflag:s0] =	ssyncset.done @!p0 $0x0  }
0xfd: {  	[sflag:s0] =	ssyncadd.s32 @!p0 s1  }
0xfe: {  	[bflag:$0x3] =	sbarrier.arrive $0xFFFF  }
0xff: {  	_ =	shalt  }

// kernel: sc_edge_aggr.7.cloned.1.call-start
scs
__scs_entry_jumppad:
0x0: {  	(pc) =	sbr.rel $0x88, $3  }
0x1: {  	(tag) =	ssettag $0x0;
	lr =	simm.s32 $0x1  }
0x2: {  	[smem:$0x3F96] =	sst lr;
	_ =	strace $0xD0000000  }
0x3: {  	_ = 	snop  }
0x4: {  	_ = 	snop  }
0x5: {  	_ = 	snop  }
0x6: {  	_ = 	snop  }
0x7: {  	_ = 	snop  }
__scs_overlays_trampoline_lowered:
0x8: {  	[smem:$0x3FA5] =	sst s0  }
0x9: {  	[smem:$0x3FA6] =	sst s1  }
0xa: {  	[smem:$0x3FA7] =	sst s2  }
0xb: {  	[smem:$0x3FA8] =	sst s3  }
0xc: {  	[smem:$0x3FA9] =	sst s4  }
0xd: {  	[smem:$0x3FAA] =	sst s5  }
0xe: {  	[smem:$0x3FAB] =	sst s6  }
0xf: {  	[smem:$0x3FAC] =	sst s7  }
0x10: {  	[smem:$0x3FAD] =	sst s8  }
0x11: {  	[smem:$0x3FAE] =	sst s9;
	s0 =	simm.s32 @!p0 $0x0  }
0x12: {  	s1 =	sld [smem:$0x3F94];
	s0 =	simm.s32 @p0 $0x1  }
0x13: {  	[smem:$0x3FAF] =	sst s0;
	s0 =	simm.s32 @!p1 $0x0  }
0x14: {  	s2 =	sld [smem:$0x3F93];
	s0 =	simm.s32 @p1 $0x1  }
0x15: {  	[smem:$0x3FB0] =	sst s0;
	s0 =	simm.s32 @!p2 $0x0  }
0x16: {  	s3 =	sld [smem:$0x3FDB];
	s0 =	simm.s32 @p2 $0x1  }
0x17: {  	s4 =	simm.s32 $0x1BF5;
	[smem:$0x3FB2] =	sst s0  }
0x18: {  	s0 =	sld [smem:$0x3F95];
	_ =	swait.ge [sflag:s4], $0x0  }
0x19: {  	s7 =	sld [smem:$0x3F96]  }
0x1a: {  	s8 =	sadd.s32 $0xFFFFE003, lr  }
0x1b: {  	s9 =	sadd.s32 $0xFFFFFEF7, lr;
	s5 =	simm.s32 $0xFFFFFFFF;
	p2 =	slt.u32 s8, $0xFFFFF086  }
0x1c: {  	p1 =	slt.u32 s9, $0xF7A;
	s5 =	simm.s32 @!p2 $0x0  }
0x1d: {  	s5 =	simm.s32 @p1 $0x1;
	p0 =	seq.s32 s7, s2  }
0x1e: {  	s7 =	smul.u32 @!p0 $0xF7A, s2;
	p2 =	seq.s32 @!p0 s5, $0x0  }
0x1f: {  	s9 =	smul.u32 $0xF7A, s1;
	s8 =	simm.s32 @!p0 $0x1BF5;
	p2 =	por !p2, p0  }
0x20: {  	[sflag:s8] =	ssyncset.s32 @!p0 $0xFFFFF086;
	s6 =	sadd.s32 @!p0 s3, s7;
	s7 =	simm.s32 @!p0 $0x108  }
0x21: {  	s3 =	sadd.s32 s3, s9;
	s6 =	sadd.s32 @!p0 $0x88, s6;
	s7 =	simm.s32 @p2 $0x1082  }
0x22: {  	[simem:s7], [sflag:s8] =	dma.local @!p0 [hbm:s6], $0xF7A  }
0x23: {  	s9 =	sor.u32 $0xD0000000, s2;
	s6 =	simm.s32 $0x108;
	_ =	swait.ge @!p0 [sflag:s8], $0x0  }
0x24: {  	s3 =	sadd.s32 $0x88, s3;
	s6 =	simm.s32 @!p1 $0x1082;
	[sflag:s4] =	ssyncset.s32 $0xFFFFF086  }
0x25: {  	[simem:s6], [sflag:s4] =	dma.local [hbm:s3], $0xF7A  }
0x26: {  	[smem:$0x3F96] =	sst s1;
	(tag) =	ssettag s2;
	_ =	strace s9  }
0x27: {  	s1 =	sld [smem:$0x3FA6]  }
0x28: {  	s2 =	sld [smem:$0x3FA7]  }
0x29: {  	s4 =	sld [smem:$0x3FA9]  }
0x2a: {  	p0 =	seq.s32 s5, $0x0;
	s5 =	sld [smem:$0x3FAA]  }
0x2b: {  	s6 =	sld [smem:$0x3FAB]  }
0x2c: {  	s7 =	sld [smem:$0x3FAC]  }
0x2d: {  	s3 =	simm.s32 $0x108;
	s8 =	sld [smem:$0x3FAD]  }
0x2e: {  	s3 =	simm.s32 @!p0 $0x1082;
	s9 =	sld [smem:$0x3FAE]  }
0x2f: {  	lr =	sadd.s32 s0, s3;
	s0 =	sld [smem:$0x3FA5]  }
0x30: {  	s3 =	sld [smem:$0x3FA8]  }
0x31: {  	[smem:$0x3FB1] =	sst s10  }
0x32: {  	s10 =	sld [smem:$0x3FAF];
	_ =	sdelay $0x3  }
0x33: {  	p0 =	seq.s32 s10, $0x1;
	s10 =	sld [smem:$0x3FB1];
	_ =	sdelay $0x3  }
0x34: {  	[smem:$0x3FB1] =	sst s10  }
0x35: {  	s10 =	sld [smem:$0x3FB0];
	_ =	sdelay $0x3  }
0x36: {  	p1 =	seq.s32 s10, $0x1;
	s10 =	sld [smem:$0x3FB1];
	_ =	sdelay $0x3  }
0x37: {  	[smem:$0x3FB1] =	sst s10  }
0x38: {  	s10 =	sld [smem:$0x3FB2]  }
0x39: {  	_ = 	snop;
	(pc) =	sbr.ind lr, $3  }
0x3a: {  	_ = 	snop  }
0x3b: {  	_ = 	snop  }
0x3c: {  	p2 =	seq.s32 s10, $0x1;
	s10 =	sld [smem:$0x3FB1]  }
0x3d: {  	_ =	shalt  }
0x3e: {  	_ =	shalt  }
0x3f: {  	_ =	shalt  }
0x40: {  	_ =	shalt  }
0x41: {  	_ =	shalt  }
0x42: {  	_ =	shalt  }
0x43: {  	_ =	shalt  }
0x44: {  	_ =	shalt  }
0x45: {  	_ =	shalt  }
0x46: {  	_ =	shalt  }
0x47: {  	_ =	shalt  }
0x48: {  	_ =	shalt  }
0x49: {  	_ =	shalt  }
0x4a: {  	_ =	shalt  }
0x4b: {  	_ =	shalt  }
0x4c: {  	_ =	shalt  }
0x4d: {  	_ =	shalt  }
0x4e: {  	_ =	shalt  }
0x4f: {  	_ =	shalt  }
0x50: {  	_ =	shalt  }
0x51: {  	_ =	shalt  }
0x52: {  	_ =	shalt  }
0x53: {  	_ =	shalt  }
0x54: {  	_ =	shalt  }
0x55: {  	_ =	shalt  }
0x56: {  	_ =	shalt  }
0x57: {  	_ =	shalt  }
0x58: {  	_ =	shalt  }
0x59: {  	_ =	shalt  }
0x5a: {  	_ =	shalt  }
0x5b: {  	_ =	shalt  }
0x5c: {  	_ =	shalt  }
0x5d: {  	_ =	shalt  }
0x5e: {  	_ =	shalt  }
0x5f: {  	_ =	shalt  }
0x60: {  	_ =	shalt  }
0x61: {  	_ =	shalt  }
0x62: {  	_ =	shalt  }
0x63: {  	_ =	shalt  }
0x64: {  	_ =	shalt  }
0x65: {  	_ =	shalt  }
0x66: {  	_ =	shalt  }
0x67: {  	_ =	shalt  }
0x68: {  	_ =	shalt  }
0x69: {  	_ =	shalt  }
0x6a: {  	_ =	shalt  }
0x6b: {  	_ =	shalt  }
0x6c: {  	_ =	shalt  }
0x6d: {  	_ =	shalt  }
0x6e: {  	_ =	shalt  }
0x6f: {  	_ =	shalt  }
0x70: {  	_ =	shalt  }
0x71: {  	_ =	shalt  }
0x72: {  	_ =	shalt  }
0x73: {  	_ =	shalt  }
0x74: {  	_ =	shalt  }
0x75: {  	_ =	shalt  }
0x76: {  	_ =	shalt  }
0x77: {  	_ =	shalt  }
0x78: {  	_ =	shalt  }
0x79: {  	_ =	shalt  }
0x7a: {  	_ =	shalt  }
0x7b: {  	_ =	shalt  }
0x7c: {  	_ =	shalt  }
0x7d: {  	_ =	shalt  }
0x7e: {  	_ =	shalt  }
0x7f: {  	_ =	shalt  }
0x80: {  	_ =	shalt  }
0x81: {  	_ =	shalt  }
0x82: {  	_ =	shalt  }
0x83: {  	_ =	shalt  }
0x84: {  	_ =	shalt  }
0x85: {  	_ =	shalt  }
0x86: {  	_ =	shalt  }
0x87: {  	_ =	shalt  }
.Lfunc_end0:
.L_simem_size_0:
called_computation.1_lowered:
.L_overlay_start_0:
0x88: {  	s2 =	sld [smem:$0x3FD9]  }
0x89: {  	s3 =	sld [smem:$0x3FFE];
	_ =	sdelay $0x1  }
0x8a: {  	s1 =	srdreg.scid  }
0x8b: {  	s0 =	sand.u32 $0x1, s1  }
0x8c: {  	s16 =	sshll.u32 s0, $0xA;
	s2 =	sadd.s32 s3, s2  }
0x8d: {  	s2 =	sadd.s32 s2, s16  }
0x8e: {  	[smem:$0x3FBD] =	sst s2  }
0x8f: {  	_ = 	snop  }
0x90: {  	(tm) =	ssettm $0x1  }
0x91: {  	s17 =	sld [smem:$0x3FFB];
	_ =	sdelay $0x3  }
0x92: {  	_ =	strace s17  }
0x93: {  	s2 =	sld [smem:$0x3FFC];
	_ =	sdelay $0x3  }
0x94: {  	_ =	strace s2  }
0x95: {  	s2 =	sld [smem:$0x3FFD];
	_ =	sdelay $0x3  }
0x96: {  	_ =	strace s2  }
0x97: {  	_ =	strace $0x8FFFFFFF  }
0x98: {  	s18 =	sld [smem:$0x3FDB];
	_ =	sdelay $0x1  }
0x99: {  	s19 =	simm.s32 $_scs_section_size  }
0x9a: {  	s4 =	simm.s32 $_size__tile_overlayer_lowered;
	s5 =	simm.s32 $_tile_overlayer_lowered  }
0x9b: {  	s22 =	simm.s32 $0x1BFF;
	s21 =	sshll.u32 s5, $0x1;
	s2 =	sadd.s32 s19, s18  }
0x9c: {  	s6 =	simm.s32 $0x0;
	s20 =	sshll.u32 s4, $0x1;
	s4 =	sadd.s32 s21, s2  }
0x9d: {  	[timem:s6], [sflag:s22] =	dma.local [hbm:s4], s20  }
0x9e: {  	_ =	swait.ge [sflag:s22], s20  }
0x9f: {  	s3 =	ssub.s32 $0x0, s20;
	[sflag:s22] =	ssyncset.done $0x0  }
0xa0: {  	[sflag:s22] =	ssyncadd.s32 s3;
	_ =	sdelay $0x1  }
0xa1: {  	s23 =	simm.s32 $0x1B8B  }
0xa2: {  	_ =	swait.ge [sflag:s23], $0x1  }
0xa3: {  	[sflag:s23] =	ssyncset.done $0x0  }
0xa4: {  	s25 =	simm.s32 $0x1B8E;
	s24 =	sld [smem:$0x3FFE];
	[sflag:s23] =	ssyncadd.s32 $0xFFFFFFFF  }
0xa5: {  	s26 =	simm.s32 $execute0_lowered;
	[smem:$0x3FD2] =	sst s25  }
0xa6: {  	s4 =	sshll.u32 s26, $0x1;
	_ =	strace $0x80000049;
	[dreg:$0x1] =	wrdreg $0xFFFFFFFF  }
0xa7: {  	s28 =	simm.s32 $_size_execute0_lowered;
	s2 =	sadd.s32 s2, s4;
	[dreg:$0x0] =	wrdreg $0x0  }
0xa8: {  	s4 =	sshll.u32 s28, $0x1;
	[dreg:$0x2] =	wrdreg s2  }
0xa9: {  	[dreg:$0x3] =	wrdreg s4  }
0xaa: {  	[dreg:$0x4] =	wrdreg $0xC0  }
0xab: {  	_ =	task [dreg:s6], $0x5FFFF  }
0xac: {  	[dreg:$0x1] =	wrdreg $0xFFFFFFFF  }
0xad: {  	[dreg:$0x0] =	wrdreg $0x60  }
0xae: {  	[dreg:$0x2] =	wrdreg s24  }
0xaf: {  	[dreg:$0x3] =	wrdreg $0x98000  }
0xb0: {  	[dreg:$0x4] =	wrdreg $0x9  }
0xb1: {  	_ =	task.clear_ibuf [dreg:s6], $0x5FFFF;
	_ =	strace $0x90000049  }
0xb2: {  	s29 =	simm.s32 $0x9;
	_ =	strace $0x8000004B  }
0xb3: {  	_ =	swait.ge [sflag:s29], $0x1  }
0xb4: {  	[sflag:s29] =	ssyncadd.s32 $0xFFFFFFFF  }
0xb5: {  	_ =	strace $0x9000004B  }
0xb6: {  	_ =	sfence  }
0xb7: {  	s30 =	sld [smem:$0x0];
	_ =	sdelay $0x2  }
0xb8: {  	s31 =	sshll.u32 s1, $0xD;
	s1 =	sshrl.u32 s1, $0x2  }
0xb9: {  	s3 =	sand.u32 $0x4000, s31;
	s1 =	sadd.s32 s1, s30  }
0xba: {  	s0 =	sor.u32 s3, s0;
	s1 =	sshll.u32 s1, $0x11  }
0xbb: {  	s0 =	sor.u32 s1, s0  }
0xbc: {  	s0 =	sadd.s32 $0x8F2B, s0  }
0xbd: {  	[sflag:s0] =	ssyncadd.remote.s32 $0x1  }
0xbe: {  	_ =	sfence.sel $0xFFFF  }
0xbf: {  	[dreg:$0x0] =	wrdreg $0xFFFFFFFF;
	(pc) =	sbr.abs _section_cstart, $3  }
0xc0: {  	[dreg:$0x1] =	wrdreg $0xFFFFFFFF  }
0xc1: {  	_ =	task.clear_ibuf [dreg:s6], $0x2FFFF;
	_ =	strace $0x9FFFFFFF  }
0xc2: {  	(tm) =	ssettm $0x7FFFFFFF  }
0xc3: {  	_ =	shalt  }
tec
execute0_lowered:
.L_overlay_start_1:
0x0: {  	(tag) =	ssettag $0x1  }
0x1: {  	s1 =	rddreg [dreg:$0x0]  }
0x2: {  	s2 =	rddreg [dreg:$0x1];
	s3 =	simm.s32 $0x0  }
0x3: {  	s14 =	simm.s32 $0x80;
	[smem:$0x7FF] =	sst s3  }
0x4: {  	s15 =	simm.s32 $0x100;
	_ =	strace $0x8000004A;
	[dreg:$0x5] =	wrdreg s14  }
0x5: {  	s16 =	simm.s32 $0x180;
	[dreg:$0x6] =	wrdreg s15  }
0x6: {  	s17 =	simm.s32 $0x1080;
	[dreg:$0x7] =	wrdreg s16  }
0x7: {  	s18 =	simm.s32 $0x200;
	[dreg:$0x8] =	wrdreg s17  }
0x8: {  	s19 =	simm.s32 $0x1100;
	[dreg:$0x9] =	wrdreg s18  }
0x9: {  	s20 =	simm.s32 $0x280;
	[dreg:$0xa] =	wrdreg s19  }
0xa: {  	s21 =	simm.s32 $0x1180;
	[dreg:$0xb] =	wrdreg s20  }
0xb: {  	s9 =	sadd.s32 $0x3EA00, s1;
	[dreg:$0xc] =	wrdreg s21  }
0xc: {  	s22 =	simm.s32 $0x300;
	[smem:$0x7F2] =	sst s9  }
0xd: {  	s8 =	stileid.u32;
	s23 =	simm.s32 $0x1200;
	[dreg:$0xd] =	wrdreg s22  }
0xe: {  	s0 =	srdreg.scid;
	s24 =	simm.s32 $0x380;
	[dreg:$0xe] =	wrdreg s23  }
0xf: {  	s25 =	simm.s32 $0x1280;
	s26 =	simm.s32 $0x400;
	[dreg:$0xf] =	wrdreg s24  }
0x10: {  	s11 =	simm.s32 $0x1380;
	s12 =	simm.s32 $0x500;
	[dreg:$0x10] =	wrdreg s25  }
0x11: {  	s28 =	simm.s32 $0x1A00;
	s29 =	simm.s32 $0xB80;
	[dreg:$0x11] =	wrdreg s26  }
0x12: {  	s30 =	simm.s32 $0x1A80;
	s31 =	simm.s32 $0xC00;
	[dreg:$0x14] =	wrdreg s11  }
0x13: {  	s4 =	smul.u32 $0x1400, s8;
	s9 =	simm.s32 $0x480;
	[dreg:$0x15] =	wrdreg s12  }
0x14: {  	s0 =	sand.u32 $0x1, s0;
	s14 =	simm.s32 $0x1400;
	[dreg:$0x13] =	wrdreg s9  }
0x15: {  	s7 =	smul.u32 $0x1F400, s8;
	s15 =	simm.s32 $0x580;
	[dreg:$0x16] =	wrdreg s14  }
0x16: {  	s10 =	smul.u32 $0x7D000, s8;
	s16 =	simm.s32 $0x1480;
	[dreg:$0x17] =	wrdreg s15  }
0x17: {  	p0 =	sgt.u32 s8, $0x9;
	s17 =	simm.s32 $0x600;
	[dreg:$0x18] =	wrdreg s16  }
0x18: {  	s5 =	smul.u32 $0xA00, s0;
	s18 =	simm.s32 $0x1500;
	[dreg:$0x19] =	wrdreg s17  }
0x19: {  	s6 =	smul.u32 $0x138800, s0;
	s19 =	simm.s32 $0x680;
	[dreg:$0x1a] =	wrdreg s18  }
0x1a: {  	s0 =	ssub.s32 $0x2, s0;
	s20 =	simm.s32 $0x1580;
	[dreg:$0x1b] =	wrdreg s19  }
0x1b: {  	s21 =	simm.s32 $0x700;
	s22 =	simm.s32 $0x1600;
	[dreg:$0x1c] =	wrdreg s20  }
0x1c: {  	s11 =	simm.s32 $0x1000;
	s23 =	simm.s32 $0x780;
	[dreg:$0x1d] =	wrdreg s21  }
0x1d: {  	s12 =	simm.s32 $0x50;
	s24 =	simm.s32 $0x1680;
	[dreg:$0x1e] =	wrdreg s22  }
0x1e: {  	s25 =	simm.s32 $0x800;
	s26 =	simm.s32 $0x1700;
	[dreg:$0x1f] =	wrdreg s23  }
0x1f: {  	s4 =	sadd.s32 s4, s1;
	s13 =	sshrl.u32 s10, $0x2;
	[smem:$0x7F5] =	sst s24  }
0x20: {  	s10 =	simm.s32 $0x4;
	s14 =	simm.s32 $0x4800;
	[smem:$0x7F6] =	sst s25  }
0x21: {  	s15 =	simm.s32 $0x7000;
	[smem:$0x7F7] =	sst s26;
	s16 =	simm.s32 $0x1  }
0x22: {  	s17 =	simm.s32 $0x2;
	s18 =	simm.s32 $0x3;
	s19 =	simm.s32 $0x1800  }
0x23: {  	s20 =	simm.s32 $0x980;
	s21 =	simm.s32 $0x1880;
	s22 =	simm.s32 $0xA00  }
0x24: {  	s23 =	simm.s32 $0x1900;
	s4 =	sadd.s32 s5, s4;
	s6 =	sadd.s32 s7, s6  }
0x25: {  	s7 =	sshrl.u32 s0, $0x1;
	s5 =	sadd.s32 $0x16A00, s4;
	s4 =	sadd.s32 $0x2A00, s4  }
0x26: {  	s6 =	sshrl.u32 s6, $0x3;
	s0 =	ssub.s32 s0, s7;
	[dreg:$0x3] =	wrdreg s5  }
0x27: {  	s7 =	simm.s32 $0x0;
	[dreg:$0x4] =	wrdreg s4;
	s4 =	sadd.s32 $0x91400, s1  }
0x28: {  	s1 =	sadd.s32 s6, s1;
	s6 =	simm.s32 $0x1300;
	[smem:$0x7FB] =	sst s7  }
0x29: {  	s24 =	simm.s32 $0xA80;
	s0 =	smax.u32 s0, $0x1;
	[dreg:$0x12] =	wrdreg s6  }
0x2a: {  	s25 =	simm.s32 $0x1980;
	s5 =	simm.s32 $0x1780;
	[smem:$0x7F4] =	sst s0  }
0x2b: {  	s6 =	sadd.s32 s13, s2;
	s1 =	sadd.s32 $0xB9200, s1;
	[smem:$0x7F9] =	sst s5  }
0x2c: {  	[smem:$0x7F3] =	sst s1;
	s9 =	sshrl.u32 @!p0 s6, $0x3;
	s6 =	simm.s32 $0x900  }
0x2d: {  	s26 =	simm.s32 $0xB00;
	s1 =	sshll.u32 @!p0 s8, $0x6;
	[smem:$0x7FA] =	sst s6  }
0x2e: {  	s8 =	sor.u32 @!p0 $0x1C04, s1;
	s1 =	simm.s32 $0x880;
	[smem:$0x7FD] =	sst s9  }
0x2f: {  	s13 =	simm.s32 $0x2000;
	s0 =	simm.s32 $0x1B80;
	[smem:$0x7F8] =	sst s1  }
0x30: {  	s5 =	simm.s32 $0x1C00;
	s1 =	simm.s32 $0x1B00;
	[smem:$0x7FC] =	sst s8  }
.LBB2_1:
0x31: {  	s6 =	sld [smem:$0x7F2];
	_ =	sdelay $0x1  }
0x32: {  	s7 =	simm.s32 @!p0 $0x4  }
0x33: {  	[spmem:s9], [sflag:s8] =	dma.local @!p0 [hbm:s6], $0x3E80  }
0x34: {  	_ =	swait.ge @!p0 [sflag:s7], $0x3E80  }
0x35: {  	[sflag:s7] =	ssyncset.done @!p0 $0x0  }
0x36: {  	[sflag:s7] =	ssyncadd.s32 @!p0 $0xFFFFC180  }
0x37: {  	[bflag:$0x0] =	sbarrier.arrive $0xFFFF  }
0x38: {  	s6 =	rddreg [dreg:$0x4]  }
0x39: {  	s7 =	sadd.s32 $0x0, s6  }
0x3a: {  	[tilespmem:s3], [sflag:$0x4] =	stream.linear.gather [hbm4b:s7+s3], $0xC80, $0x38;
	[tilespmem:$0x1D080] =	vst v63  }
0x3b: {  	_ =	swait.ge [sflag:s10], $0xC80  }
0x3c: {  	s8 =	rddreg [dreg:$0x3];
	[sflag:s10] =	ssyncset.done $0x0  }
0x3d: {  	[sflag:s10] =	ssyncadd.s32 $0xFFFFF380;
	s7 =	sadd.s32 $0x0, s8  }
0x3e: {  	[tilespmem:s11], [sflag:$0x4] =	stream.linear.gather [hbm4b:s7+s3], $0xC80, $0x38;
	[tilespmem:$0x1D080] =	vst v63  }
0x3f: {  	_ =	swait.ge [sflag:s10], $0xC80  }
0x40: {  	[sflag:s10] =	ssyncset.done $0x0  }
0x41: {  	[sflag:s10] =	ssyncadd.s32 $0xFFFFF380  }
0x42: {  	[tilespmem:s13], [sflag:$0x1] =	stream.indirect.gather [hbm4b:s4+s12], $0x80, s3, s12, $0xb8;
	[tilespmem:$0x1D080] =	vst v63  }
0x43: {  	s9 =	rddreg [dreg:$0x5]  }
0x44: {  	[tilespmem:s14], [sflag:$0x2] =	stream.indirect.gather [hbm4b:s4+s12], $0x80, s9, s12, $0xb8;
	[tilespmem:$0x1D080] =	vst v63  }
0x45: {  	s6 =	rddreg [dreg:$0x6]  }
0x46: {  	[tilespmem:s15], [sflag:$0x3] =	stream.indirect.gather [hbm4b:s4+s12], $0x80, s6, s12, $0xb8;
	[tilespmem:$0x1D080] =	vst v63  }
0x47: {  	_ =	swait.ge [sflag:s16], $0x2800  }
0x48: {  	[sflag:s16] =	ssyncset.done $0x0  }
0x49: {  	[sflag:s16] =	ssyncadd.s32 $0xFFFFD800  }
0x4a: {  	[spmem:s2] =	stream.indirect.scatter.add.f32 [tilespmem:s13], [sflag:$0x4], $0x80, s11, s12, $0xb8;
	[tilespmem:$0x1D080] =	vst v63  }
0x4b: {  	_ =	swait.ge [sflag:s10], $0x2800  }
0x4c: {  	[sflag:s10] =	ssyncset.done $0x0  }
0x4d: {  	s9 =	rddreg [dreg:$0x7];
	[sflag:s10] =	ssyncadd.s32 $0xFFFFD800  }
0x4e: {  	[tilespmem:s13], [sflag:$0x1] =	stream.indirect.gather [hbm4b:s4+s12], $0x80, s9, s12, $0xb8;
	[tilespmem:$0x1D080] =	vst v63  }
0x4f: {  	_ =	swait.ge [sflag:s17], $0x2800  }
0x50: {  	[sflag:s17] =	ssyncset.done $0x0  }
0x51: {  	s6 =	rddreg [dreg:$0x8];
	[sflag:s17] =	ssyncadd.s32 $0xFFFFD800  }
0x52: {  	[spmem:s2] =	stream.indirect.scatter.add.f32 [tilespmem:s14], [sflag:$0x4], $0x80, s6, s12, $0xb8;
	[tilespmem:$0x1D080] =	vst v63  }
0x53: {  	_ =	swait.ge [sflag:s10], $0x2800  }
0x54: {  	[sflag:s10] =	ssyncset.done $0x0  }
0x55: {  	s8 =	rddreg [dreg:$0x9];
	[sflag:s10] =	ssyncadd.s32 $0xFFFFD800  }
0x56: {  	[tilespmem:s14], [sflag:$0x2] =	stream.indirect.gather [hbm4b:s4+s12], $0x80, s8, s12, $0xb8;
	[tilespmem:$0x1D080] =	vst v63  }
0x57: {  	_ =	swait.ge [sflag:s18], $0x2800  }
0x58: {  	[sflag:s18] =	ssyncset.done $0x0  }
0x59: {  	s9 =	rddreg [dreg:$0xa];
	[sflag:s18] =	ssyncadd.s32 $0xFFFFD800  }
0x5a: {  	[spmem:s2] =	stream.indirect.scatter.add.f32 [tilespmem:s15], [sflag:$0x4], $0x80, s9, s12, $0xb8;
	[tilespmem:$0x1D080] =	vst v63  }
0x5b: {  	_ =	swait.ge [sflag:s10], $0x2800  }
0x5c: {  	[sflag:s10] =	ssyncset.done $0x0  }
0x5d: {  	s6 =	rddreg [dreg:$0xb];
	[sflag:s10] =	ssyncadd.s32 $0xFFFFD800  }
0x5e: {  	[tilespmem:s15], [sflag:$0x3] =	stream.indirect.gather [hbm4b:s4+s12], $0x80, s6, s12, $0xb8;
	[tilespmem:$0x1D080] =	vst v63  }
0x5f: {  	_ =	swait.ge [sflag:s16], $0x2800  }
0x60: {  	[sflag:s16] =	ssyncset.done $0x0  }
0x61: {  	s8 =	rddreg [dreg:$0xc];
	[sflag:s16] =	ssyncadd.s32 $0xFFFFD800  }
0x62: {  	[spmem:s2] =	stream.indirect.scatter.add.f32 [tilespmem:s13], [sflag:$0x4], $0x80, s8, s12, $0xb8;
	[tilespmem:$0x1D080] =	vst v63  }
0x63: {  	_ =	swait.ge [sflag:s10], $0x2800  }
0x64: {  	[sflag:s10] =	ssyncset.done $0x0  }
0x65: {  	s9 =	rddreg [dreg:$0xd];
	[sflag:s10] =	ssyncadd.s32 $0xFFFFD800  }
0x66: {  	[tilespmem:s13], [sflag:$0x1] =	stream.indirect.gather [hbm4b:s4+s12], $0x80, s9, s12, $0xb8;
	[tilespmem:$0x1D080] =	vst v63  }
0x67: {  	_ =	swait.ge [sflag:s17], $0x2800  }
0x68: {  	[sflag:s17] =	ssyncset.done $0x0  }
0x69: {  	s6 =	rddreg [dreg:$0xe];
	[sflag:s17] =	ssyncadd.s32 $0xFFFFD800  }
0x6a: {  	[spmem:s2] =	stream.indirect.scatter.add.f32 [tilespmem:s14], [sflag:$0x4], $0x80, s6, s12, $0xb8;
	[tilespmem:$0x1D080] =	vst v63  }
0x6b: {  	_ =	swait.ge [sflag:s10], $0x2800  }
0x6c: {  	[sflag:s10] =	ssyncset.done $0x0  }
0x6d: {  	s8 =	rddreg [dreg:$0xf];
	[sflag:s10] =	ssyncadd.s32 $0xFFFFD800  }
0x6e: {  	[tilespmem:s14], [sflag:$0x2] =	stream.indirect.gather [hbm4b:s4+s12], $0x80, s8, s12, $0xb8;
	[tilespmem:$0x1D080] =	vst v63  }
0x6f: {  	_ =	swait.ge [sflag:s18], $0x2800  }
0x70: {  	[sflag:s18] =	ssyncset.done $0x0  }
0x71: {  	s9 =	rddreg [dreg:$0x10];
	[sflag:s18] =	ssyncadd.s32 $0xFFFFD800  }
0x72: {  	[spmem:s2] =	stream.indirect.scatter.add.f32 [tilespmem:s15], [sflag:$0x4], $0x80, s9, s12, $0xb8;
	[tilespmem:$0x1D080] =	vst v63  }
0x73: {  	_ =	swait.ge [sflag:s10], $0x2800  }
0x74: {  	[sflag:s10] =	ssyncset.done $0x0  }
0x75: {  	s6 =	rddreg [dreg:$0x11];
	[sflag:s10] =	ssyncadd.s32 $0xFFFFD800  }
0x76: {  	[tilespmem:s15], [sflag:$0x3] =	stream.indirect.gather [hbm4b:s4+s12], $0x80, s6, s12, $0xb8;
	[tilespmem:$0x1D080] =	vst v63  }
0x77: {  	_ =	swait.ge [sflag:s16], $0x2800  }
0x78: {  	[sflag:s16] =	ssyncset.done $0x0  }
0x79: {  	s8 =	rddreg [dreg:$0x12];
	[sflag:s16] =	ssyncadd.s32 $0xFFFFD800  }
0x7a: {  	[spmem:s2] =	stream.indirect.scatter.add.f32 [tilespmem:s13], [sflag:$0x4], $0x80, s8, s12, $0xb8;
	[tilespmem:$0x1D080] =	vst v63  }
0x7b: {  	_ =	swait.ge [sflag:s10], $0x2800  }
0x7c: {  	[sflag:s10] =	ssyncset.done $0x0  }
0x7d: {  	s9 =	rddreg [dreg:$0x13];
	[sflag:s10] =	ssyncadd.s32 $0xFFFFD800  }
0x7e: {  	[tilespmem:s13], [sflag:$0x1] =	stream.indirect.gather [hbm4b:s4+s12], $0x80, s9, s12, $0xb8;
	[tilespmem:$0x1D080] =	vst v63  }
0x7f: {  	_ =	swait.ge [sflag:s17], $0x2800  }
0x80: {  	[sflag:s17] =	ssyncset.done $0x0  }
0x81: {  	s6 =	rddreg [dreg:$0x14];
	[sflag:s17] =	ssyncadd.s32 $0xFFFFD800  }
0x82: {  	[spmem:s2] =	stream.indirect.scatter.add.f32 [tilespmem:s14], [sflag:$0x4], $0x80, s6, s12, $0xb8;
	[tilespmem:$0x1D080] =	vst v63  }
0x83: {  	_ =	swait.ge [sflag:s10], $0x2800  }
0x84: {  	[sflag:s10] =	ssyncset.done $0x0  }
0x85: {  	s8 =	rddreg [dreg:$0x15];
	[sflag:s10] =	ssyncadd.s32 $0xFFFFD800  }
0x86: {  	[tilespmem:s14], [sflag:$0x2] =	stream.indirect.gather [hbm4b:s4+s12], $0x80, s8, s12, $0xb8;
	[tilespmem:$0x1D080] =	vst v63  }
0x87: {  	_ =	swait.ge [sflag:s18], $0x2800  }
0x88: {  	[sflag:s18] =	ssyncset.done $0x0  }
0x89: {  	s9 =	rddreg [dreg:$0x16];
	[sflag:s18] =	ssyncadd.s32 $0xFFFFD800  }
0x8a: {  	[spmem:s2] =	stream.indirect.scatter.add.f32 [tilespmem:s15], [sflag:$0x4], $0x80, s9, s12, $0xb8;
	[tilespmem:$0x1D080] =	vst v63  }
0x8b: {  	_ =	swait.ge [sflag:s10], $0x2800  }
0x8c: {  	[sflag:s10] =	ssyncset.done $0x0  }
0x8d: {  	s6 =	rddreg [dreg:$0x17];
	[sflag:s10] =	ssyncadd.s32 $0xFFFFD800  }
0x8e: {  	[tilespmem:s15], [sflag:$0x3] =	stream.indirect.gather [hbm4b:s4+s12], $0x80, s6, s12, $0xb8;
	[tilespmem:$0x1D080] =	vst v63  }
0x8f: {  	_ =	swait.ge [sflag:s16], $0x2800  }
0x90: {  	[sflag:s16] =	ssyncset.done $0x0  }
0x91: {  	s8 =	rddreg [dreg:$0x18];
	[sflag:s16] =	ssyncadd.s32 $0xFFFFD800  }
0x92: {  	[spmem:s2] =	stream.indirect.scatter.add.f32 [tilespmem:s13], [sflag:$0x4], $0x80, s8, s12, $0xb8;
	[tilespmem:$0x1D080] =	vst v63  }
0x93: {  	_ =	swait.ge [sflag:s10], $0x2800  }
0x94: {  	[sflag:s10] =	ssyncset.done $0x0  }
0x95: {  	s9 =	rddreg [dreg:$0x19];
	[sflag:s10] =	ssyncadd.s32 $0xFFFFD800  }
0x96: {  	[tilespmem:s13], [sflag:$0x1] =	stream.indirect.gather [hbm4b:s4+s12], $0x80, s9, s12, $0xb8;
	[tilespmem:$0x1D080] =	vst v63  }
0x97: {  	_ =	swait.ge [sflag:s17], $0x2800  }
0x98: {  	[sflag:s17] =	ssyncset.done $0x0  }
0x99: {  	s6 =	rddreg [dreg:$0x1a];
	[sflag:s17] =	ssyncadd.s32 $0xFFFFD800  }
0x9a: {  	[spmem:s2] =	stream.indirect.scatter.add.f32 [tilespmem:s14], [sflag:$0x4], $0x80, s6, s12, $0xb8;
	[tilespmem:$0x1D080] =	vst v63  }
0x9b: {  	_ =	swait.ge [sflag:s10], $0x2800  }
0x9c: {  	[sflag:s10] =	ssyncset.done $0x0  }
0x9d: {  	s8 =	rddreg [dreg:$0x1b];
	[sflag:s10] =	ssyncadd.s32 $0xFFFFD800  }
0x9e: {  	[tilespmem:s14], [sflag:$0x2] =	stream.indirect.gather [hbm4b:s4+s12], $0x80, s8, s12, $0xb8;
	[tilespmem:$0x1D080] =	vst v63  }
0x9f: {  	_ =	swait.ge [sflag:s18], $0x2800  }
0xa0: {  	[sflag:s18] =	ssyncset.done $0x0  }
0xa1: {  	s9 =	rddreg [dreg:$0x1c];
	[sflag:s18] =	ssyncadd.s32 $0xFFFFD800  }
0xa2: {  	[spmem:s2] =	stream.indirect.scatter.add.f32 [tilespmem:s15], [sflag:$0x4], $0x80, s9, s12, $0xb8;
	[tilespmem:$0x1D080] =	vst v63  }
0xa3: {  	_ =	swait.ge [sflag:s10], $0x2800  }
0xa4: {  	[sflag:s10] =	ssyncset.done $0x0  }
0xa5: {  	s6 =	rddreg [dreg:$0x1d];
	[sflag:s10] =	ssyncadd.s32 $0xFFFFD800  }
0xa6: {  	[tilespmem:s15], [sflag:$0x3] =	stream.indirect.gather [hbm4b:s4+s12], $0x80, s6, s12, $0xb8;
	[tilespmem:$0x1D080] =	vst v63  }
0xa7: {  	_ =	swait.ge [sflag:s16], $0x2800  }
0xa8: {  	[sflag:s16] =	ssyncset.done $0x0  }
0xa9: {  	s8 =	rddreg [dreg:$0x1e];
	[sflag:s16] =	ssyncadd.s32 $0xFFFFD800  }
0xaa: {  	[spmem:s2] =	stream.indirect.scatter.add.f32 [tilespmem:s13], [sflag:$0x4], $0x80, s8, s12, $0xb8;
	[tilespmem:$0x1D080] =	vst v63  }
0xab: {  	_ =	swait.ge [sflag:s10], $0x2800  }
0xac: {  	[sflag:s10] =	ssyncset.done $0x0  }
0xad: {  	s9 =	rddreg [dreg:$0x1f];
	[sflag:s10] =	ssyncadd.s32 $0xFFFFD800  }
0xae: {  	[tilespmem:s13], [sflag:$0x1] =	stream.indirect.gather [hbm4b:s4+s12], $0x80, s9, s12, $0xb8;
	[tilespmem:$0x1D080] =	vst v63  }
0xaf: {  	_ =	swait.ge [sflag:s17], $0x2800  }
0xb0: {  	s6 =	sld [smem:$0x7F5]  }
0xb1: {  	[sflag:s17] =	ssyncset.done $0x0  }
0xb2: {  	[sflag:s17] =	ssyncadd.s32 $0xFFFFD800  }
0xb3: {  	[spmem:s2] =	stream.indirect.scatter.add.f32 [tilespmem:s14], [sflag:$0x4], $0x80, s6, s12, $0xb8;
	[tilespmem:$0x1D080] =	vst v63  }
0xb4: {  	_ =	swait.ge [sflag:s10], $0x2800  }
0xb5: {  	s8 =	sld [smem:$0x7F6]  }
0xb6: {  	[sflag:s10] =	ssyncset.done $0x0  }
0xb7: {  	[sflag:s10] =	ssyncadd.s32 $0xFFFFD800  }
0xb8: {  	[tilespmem:s14], [sflag:$0x2] =	stream.indirect.gather [hbm4b:s4+s12], $0x80, s8, s12, $0xb8;
	[tilespmem:$0x1D080] =	vst v63  }
0xb9: {  	_ =	swait.ge [sflag:s18], $0x2800  }
0xba: {  	s9 =	sld [smem:$0x7F7]  }
0xbb: {  	[sflag:s18] =	ssyncset.done $0x0  }
0xbc: {  	[sflag:s18] =	ssyncadd.s32 $0xFFFFD800  }
0xbd: {  	[spmem:s2] =	stream.indirect.scatter.add.f32 [tilespmem:s15], [sflag:$0x4], $0x80, s9, s12, $0xb8;
	[tilespmem:$0x1D080] =	vst v63  }
0xbe: {  	_ =	swait.ge [sflag:s10], $0x2800  }
0xbf: {  	s6 =	sld [smem:$0x7F8]  }
0xc0: {  	[sflag:s10] =	ssyncset.done $0x0  }
0xc1: {  	[sflag:s10] =	ssyncadd.s32 $0xFFFFD800  }
0xc2: {  	[tilespmem:s15], [sflag:$0x3] =	stream.indirect.gather [hbm4b:s4+s12], $0x80, s6, s12, $0xb8;
	[tilespmem:$0x1D080] =	vst v63  }
0xc3: {  	_ =	swait.ge [sflag:s16], $0x2800  }
0xc4: {  	s8 =	sld [smem:$0x7F9]  }
0xc5: {  	[sflag:s16] =	ssyncset.done $0x0  }
0xc6: {  	[sflag:s16] =	ssyncadd.s32 $0xFFFFD800  }
0xc7: {  	[spmem:s2] =	stream.indirect.scatter.add.f32 [tilespmem:s13], [sflag:$0x4], $0x80, s8, s12, $0xb8;
	[tilespmem:$0x1D080] =	vst v63  }
0xc8: {  	_ =	swait.ge [sflag:s10], $0x2800  }
0xc9: {  	s9 =	sld [smem:$0x7FA]  }
0xca: {  	[sflag:s10] =	ssyncset.done $0x0  }
0xcb: {  	[sflag:s10] =	ssyncadd.s32 $0xFFFFD800  }
0xcc: {  	[tilespmem:s13], [sflag:$0x1] =	stream.indirect.gather [hbm4b:s4+s12], $0x80, s9, s12, $0xb8;
	[tilespmem:$0x1D080] =	vst v63  }
0xcd: {  	_ =	swait.ge [sflag:s17], $0x2800  }
0xce: {  	[sflag:s17] =	ssyncset.done $0x0  }
0xcf: {  	[sflag:s17] =	ssyncadd.s32 $0xFFFFD800  }
0xd0: {  	[spmem:s2] =	stream.indirect.scatter.add.f32 [tilespmem:s14], [sflag:$0x4], $0x80, s19, s12, $0xb8;
	[tilespmem:$0x1D080] =	vst v63  }
0xd1: {  	_ =	swait.ge [sflag:s10], $0x2800  }
0xd2: {  	[sflag:s10] =	ssyncset.done $0x0  }
0xd3: {  	[sflag:s10] =	ssyncadd.s32 $0xFFFFD800  }
0xd4: {  	[tilespmem:s14], [sflag:$0x2] =	stream.indirect.gather [hbm4b:s4+s12], $0x80, s20, s12, $0xb8;
	[tilespmem:$0x1D080] =	vst v63  }
0xd5: {  	_ =	swait.ge [sflag:s18], $0x2800  }
0xd6: {  	[sflag:s18] =	ssyncset.done $0x0  }
0xd7: {  	[sflag:s18] =	ssyncadd.s32 $0xFFFFD800  }
0xd8: {  	[spmem:s2] =	stream.indirect.scatter.add.f32 [tilespmem:s15], [sflag:$0x4], $0x80, s21, s12, $0xb8;
	[tilespmem:$0x1D080] =	vst v63  }
0xd9: {  	_ =	swait.ge [sflag:s10], $0x2800  }
0xda: {  	[sflag:s10] =	ssyncset.done $0x0  }
0xdb: {  	[sflag:s10] =	ssyncadd.s32 $0xFFFFD800  }
0xdc: {  	[tilespmem:s15], [sflag:$0x3] =	stream.indirect.gather [hbm4b:s4+s12], $0x80, s22, s12, $0xb8;
	[tilespmem:$0x1D080] =	vst v63  }
0xdd: {  	_ =	swait.ge [sflag:s16], $0x2800  }
0xde: {  	[sflag:s16] =	ssyncset.done $0x0  }
0xdf: {  	[sflag:s16] =	ssyncadd.s32 $0xFFFFD800  }
0xe0: {  	[spmem:s2] =	stream.indirect.scatter.add.f32 [tilespmem:s13], [sflag:$0x4], $0x80, s23, s12, $0xb8;
	[tilespmem:$0x1D080] =	vst v63  }
0xe1: {  	_ =	swait.ge [sflag:s10], $0x2800  }
0xe2: {  	[sflag:s10] =	ssyncset.done $0x0  }
0xe3: {  	[sflag:s10] =	ssyncadd.s32 $0xFFFFD800  }
0xe4: {  	[tilespmem:s13], [sflag:$0x1] =	stream.indirect.gather [hbm4b:s4+s12], $0x80, s24, s12, $0xb8;
	[tilespmem:$0x1D080] =	vst v63  }
0xe5: {  	_ =	swait.ge [sflag:s17], $0x2800  }
0xe6: {  	[sflag:s17] =	ssyncset.done $0x0  }
0xe7: {  	[sflag:s17] =	ssyncadd.s32 $0xFFFFD800  }
0xe8: {  	[spmem:s2] =	stream.indirect.scatter.add.f32 [tilespmem:s14], [sflag:$0x4], $0x80, s25, s12, $0xb8;
	[tilespmem:$0x1D080] =	vst v63  }
0xe9: {  	_ =	swait.ge [sflag:s10], $0x2800  }
0xea: {  	[sflag:s10] =	ssyncset.done $0x0  }
0xeb: {  	[sflag:s10] =	ssyncadd.s32 $0xFFFFD800  }
0xec: {  	[tilespmem:s14], [sflag:$0x2] =	stream.indirect.gather [hbm4b:s4+s12], $0x80, s26, s12, $0xb8;
	[tilespmem:$0x1D080] =	vst v63  }
0xed: {  	_ =	swait.ge [sflag:s18], $0x2800  }
0xee: {  	[sflag:s18] =	ssyncset.done $0x0  }
0xef: {  	[sflag:s18] =	ssyncadd.s32 $0xFFFFD800  }
0xf0: {  	[spmem:s2] =	stream.indirect.scatter.add.f32 [tilespmem:s15], [sflag:$0x4], $0x80, s28, s12, $0xb8;
	[tilespmem:$0x1D080] =	vst v63  }
0xf1: {  	_ =	swait.ge [sflag:s10], $0x2800  }
0xf2: {  	[sflag:s10] =	ssyncset.done $0x0  }
0xf3: {  	[sflag:s10] =	ssyncadd.s32 $0xFFFFD800  }
0xf4: {  	[tilespmem:s15], [sflag:$0x3] =	stream.indirect.gather [hbm4b:s4+s12], $0x80, s29, s12, $0xb8;
	[tilespmem:$0x1D080] =	vst v63  }
0xf5: {  	_ =	swait.ge [sflag:s16], $0x2800  }
0xf6: {  	[sflag:s16] =	ssyncset.done $0x0  }
0xf7: {  	[sflag:s16] =	ssyncadd.s32 $0xFFFFD800  }
0xf8: {  	[spmem:s2] =	stream.indirect.scatter.add.f32 [tilespmem:s13], [sflag:$0x4], $0x80, s30, s12, $0xb8;
	[tilespmem:$0x1D080] =	vst v63  }
0xf9: {  	_ =	swait.ge [sflag:s10], $0x2800  }
0xfa: {  	[sflag:s10] =	ssyncset.done $0x0  }
0xfb: {  	[sflag:s10] =	ssyncadd.s32 $0xFFFFD800  }
0xfc: {  	[tilespmem:s13], [sflag:$0x1] =	stream.indirect.gather [hbm4b:s4+s12], $0x80, s31, s12, $0xb8;
	[tilespmem:$0x1D080] =	vst v63  }
0xfd: {  	_ =	swait.ge [sflag:s17], $0x2800  }
0xfe: {  	[sflag:s17] =	ssyncset.done $0x0  }
0xff: {  	[sflag:s17] =	ssyncadd.s32 $0xFFFFD800  }
0x100: {  	[spmem:s2] =	stream.indirect.scatter.add.f32 [tilespmem:s14], [sflag:$0x4], $0x80, s1, s12, $0xb8;
	[tilespmem:$0x1D080] =	vst v63  }
0x101: {  	_ =	swait.ge [sflag:s10], $0x2800  }
0x102: {  	[sflag:s10] =	ssyncset.done $0x0  }
0x103: {  	[sflag:s10] =	ssyncadd.s32 $0xFFFFD800  }
0x104: {  	_ =	swait.ge [sflag:s18], $0x2800  }
0x105: {  	[sflag:s18] =	ssyncset.done $0x0  }
0x106: {  	[sflag:s18] =	ssyncadd.s32 $0xFFFFD800  }
0x107: {  	[spmem:s2] =	stream.indirect.scatter.add.f32 [tilespmem:s15], [sflag:$0x4], $0x80, s0, s12, $0xb8;
	[tilespmem:$0x1D080] =	vst v63  }
0x108: {  	_ =	swait.ge [sflag:s10], $0x2800  }
0x109: {  	[sflag:s10] =	ssyncset.done $0x0  }
0x10a: {  	[sflag:s10] =	ssyncadd.s32 $0xFFFFD800  }
0x10b: {  	_ =	swait.ge [sflag:s16], $0x2800  }
0x10c: {  	[sflag:s16] =	ssyncset.done $0x0  }
0x10d: {  	[sflag:s16] =	ssyncadd.s32 $0xFFFFD800  }
0x10e: {  	[spmem:s2] =	stream.indirect.scatter.add.f32 [tilespmem:s13], [sflag:$0x4], $0x80, s5, s12, $0xb8;
	[tilespmem:$0x1D080] =	vst v63  }
0x10f: {  	s7 =	simm.s32 $0x200;
	_ =	swait.ge [sflag:s10], $0x2800  }
0x110: {  	s8 =	simm.s32 $0x400;
	s9 =	rddreg [dreg:$0x4];
	[sflag:s10] =	ssyncset.done $0x0  }
.LBB2_2:
0x111: {  	[sflag:s10] =	ssyncadd.s32 $0xFFFFD800;
	s9 =	sadd.s32 s7, s9  }
0x112: {  	[tilespmem:s3], [sflag:$0x4] =	stream.linear.gather [hbm4b:s9+s3], $0xC80, $0x38;
	[tilespmem:$0x1D080] =	vst v63  }
0x113: {  	_ =	swait.ge [sflag:s10], $0xC80  }
0x114: {  	s9 =	rddreg [dreg:$0x3];
	[sflag:s10] =	ssyncset.done $0x0  }
0x115: {  	[sflag:s10] =	ssyncadd.s32 $0xFFFFF380;
	s9 =	sadd.s32 s7, s9  }
0x116: {  	[tilespmem:s11], [sflag:$0x4] =	stream.linear.gather [hbm4b:s9+s3], $0xC80, $0x38;
	[tilespmem:$0x1D080] =	vst v63  }
0x117: {  	_ =	swait.ge [sflag:s10], $0xC80  }
0x118: {  	[sflag:s10] =	ssyncset.done $0x0  }
0x119: {  	s6 =	smov.u32 s8;
	[sflag:s10] =	ssyncadd.s32 $0xFFFFF380  }
0x11a: {  	[tilespmem:s13], [sflag:$0x1] =	stream.indirect.gather [hbm4b:s4+s12], $0x80, s3, s12, $0xb8;
	[tilespmem:$0x1D080] =	vst v63  }
0x11b: {  	s7 =	smov.u32 s6;
	s6 =	rddreg [dreg:$0x5]  }
0x11c: {  	[tilespmem:s14], [sflag:$0x2] =	stream.indirect.gather [hbm4b:s4+s12], $0x80, s6, s12, $0xb8;
	[tilespmem:$0x1D080] =	vst v63  }
0x11d: {  	s9 =	rddreg [dreg:$0x6]  }
0x11e: {  	[tilespmem:s15], [sflag:$0x3] =	stream.indirect.gather [hbm4b:s4+s12], $0x80, s9, s12, $0xb8;
	[tilespmem:$0x1D080] =	vst v63  }
0x11f: {  	_ =	swait.ge [sflag:s16], $0x2800  }
0x120: {  	[sflag:s16] =	ssyncset.done $0x0  }
0x121: {  	[sflag:s16] =	ssyncadd.s32 $0xFFFFD800  }
0x122: {  	[spmem:s2] =	stream.indirect.scatter.add.f32 [tilespmem:s13], [sflag:$0x4], $0x80, s11, s12, $0xb8;
	[tilespmem:$0x1D080] =	vst v63  }
0x123: {  	_ =	swait.ge [sflag:s10], $0x2800  }
0x124: {  	[sflag:s10] =	ssyncset.done $0x0  }
0x125: {  	s9 =	rddreg [dreg:$0x7];
	[sflag:s10] =	ssyncadd.s32 $0xFFFFD800  }
0x126: {  	[tilespmem:s13], [sflag:$0x1] =	stream.indirect.gather [hbm4b:s4+s12], $0x80, s9, s12, $0xb8;
	[tilespmem:$0x1D080] =	vst v63  }
0x127: {  	_ =	swait.ge [sflag:s17], $0x2800  }
0x128: {  	[sflag:s17] =	ssyncset.done $0x0  }
0x129: {  	s9 =	rddreg [dreg:$0x8];
	[sflag:s17] =	ssyncadd.s32 $0xFFFFD800  }
0x12a: {  	[spmem:s2] =	stream.indirect.scatter.add.f32 [tilespmem:s14], [sflag:$0x4], $0x80, s9, s12, $0xb8;
	[tilespmem:$0x1D080] =	vst v63  }
0x12b: {  	_ =	swait.ge [sflag:s10], $0x2800  }
0x12c: {  	[sflag:s10] =	ssyncset.done $0x0  }
0x12d: {  	s9 =	rddreg [dreg:$0x9];
	[sflag:s10] =	ssyncadd.s32 $0xFFFFD800  }
0x12e: {  	[tilespmem:s14], [sflag:$0x2] =	stream.indirect.gather [hbm4b:s4+s12], $0x80, s9, s12, $0xb8;
	[tilespmem:$0x1D080] =	vst v63  }
0x12f: {  	_ =	swait.ge [sflag:s18], $0x2800  }
0x130: {  	[sflag:s18] =	ssyncset.done $0x0  }
0x131: {  	s9 =	rddreg [dreg:$0xa];
	[sflag:s18] =	ssyncadd.s32 $0xFFFFD800  }
0x132: {  	[spmem:s2] =	stream.indirect.scatter.add.f32 [tilespmem:s15], [sflag:$0x4], $0x80, s9, s12, $0xb8;
	[tilespmem:$0x1D080] =	vst v63  }
0x133: {  	_ =	swait.ge [sflag:s10], $0x2800  }
0x134: {  	[sflag:s10] =	ssyncset.done $0x0  }
0x135: {  	s9 =	rddreg [dreg:$0xb];
	[sflag:s10] =	ssyncadd.s32 $0xFFFFD800  }
0x136: {  	[tilespmem:s15], [sflag:$0x3] =	stream.indirect.gather [hbm4b:s4+s12], $0x80, s9, s12, $0xb8;
	[tilespmem:$0x1D080] =	vst v63  }
0x137: {  	_ =	swait.ge [sflag:s16], $0x2800  }
0x138: {  	[sflag:s16] =	ssyncset.done $0x0  }
0x139: {  	s9 =	rddreg [dreg:$0xc];
	[sflag:s16] =	ssyncadd.s32 $0xFFFFD800  }
0x13a: {  	[spmem:s2] =	stream.indirect.scatter.add.f32 [tilespmem:s13], [sflag:$0x4], $0x80, s9, s12, $0xb8;
	[tilespmem:$0x1D080] =	vst v63  }
0x13b: {  	_ =	swait.ge [sflag:s10], $0x2800  }
0x13c: {  	[sflag:s10] =	ssyncset.done $0x0  }
0x13d: {  	s9 =	rddreg [dreg:$0xd];
	[sflag:s10] =	ssyncadd.s32 $0xFFFFD800  }
0x13e: {  	[tilespmem:s13], [sflag:$0x1] =	stream.indirect.gather [hbm4b:s4+s12], $0x80, s9, s12, $0xb8;
	[tilespmem:$0x1D080] =	vst v63  }
0x13f: {  	_ =	swait.ge [sflag:s17], $0x2800  }
0x140: {  	[sflag:s17] =	ssyncset.done $0x0  }
0x141: {  	s9 =	rddreg [dreg:$0xe];
	[sflag:s17] =	ssyncadd.s32 $0xFFFFD800  }
0x142: {  	[spmem:s2] =	stream.indirect.scatter.add.f32 [tilespmem:s14], [sflag:$0x4], $0x80, s9, s12, $0xb8;
	[tilespmem:$0x1D080] =	vst v63  }
0x143: {  	_ =	swait.ge [sflag:s10], $0x2800  }
0x144: {  	[sflag:s10] =	ssyncset.done $0x0  }
0x145: {  	s9 =	rddreg [dreg:$0xf];
	[sflag:s10] =	ssyncadd.s32 $0xFFFFD800  }
0x146: {  	[tilespmem:s14], [sflag:$0x2] =	stream.indirect.gather [hbm4b:s4+s12], $0x80, s9, s12, $0xb8;
	[tilespmem:$0x1D080] =	vst v63  }
0x147: {  	_ =	swait.ge [sflag:s18], $0x2800  }
0x148: {  	[sflag:s18] =	ssyncset.done $0x0  }
0x149: {  	s9 =	rddreg [dreg:$0x10];
	[sflag:s18] =	ssyncadd.s32 $0xFFFFD800  }
0x14a: {  	[spmem:s2] =	stream.indirect.scatter.add.f32 [tilespmem:s15], [sflag:$0x4], $0x80, s9, s12, $0xb8;
	[tilespmem:$0x1D080] =	vst v63  }
0x14b: {  	_ =	swait.ge [sflag:s10], $0x2800  }
0x14c: {  	[sflag:s10] =	ssyncset.done $0x0  }
0x14d: {  	s9 =	rddreg [dreg:$0x11];
	[sflag:s10] =	ssyncadd.s32 $0xFFFFD800  }
0x14e: {  	[tilespmem:s15], [sflag:$0x3] =	stream.indirect.gather [hbm4b:s4+s12], $0x80, s9, s12, $0xb8;
	[tilespmem:$0x1D080] =	vst v63  }
0x14f: {  	_ =	swait.ge [sflag:s16], $0x2800  }
0x150: {  	[sflag:s16] =	ssyncset.done $0x0  }
0x151: {  	s9 =	rddreg [dreg:$0x12];
	[sflag:s16] =	ssyncadd.s32 $0xFFFFD800  }
0x152: {  	[spmem:s2] =	stream.indirect.scatter.add.f32 [tilespmem:s13], [sflag:$0x4], $0x80, s9, s12, $0xb8;
	[tilespmem:$0x1D080] =	vst v63  }
0x153: {  	_ =	swait.ge [sflag:s10], $0x2800  }
0x154: {  	[sflag:s10] =	ssyncset.done $0x0  }
0x155: {  	s9 =	rddreg [dreg:$0x13];
	[sflag:s10] =	ssyncadd.s32 $0xFFFFD800  }
0x156: {  	[tilespmem:s13], [sflag:$0x1] =	stream.indirect.gather [hbm4b:s4+s12], $0x80, s9, s12, $0xb8;
	[tilespmem:$0x1D080] =	vst v63  }
0x157: {  	_ =	swait.ge [sflag:s17], $0x2800  }
0x158: {  	[sflag:s17] =	ssyncset.done $0x0  }
0x159: {  	s9 =	rddreg [dreg:$0x14];
	[sflag:s17] =	ssyncadd.s32 $0xFFFFD800  }
0x15a: {  	[spmem:s2] =	stream.indirect.scatter.add.f32 [tilespmem:s14], [sflag:$0x4], $0x80, s9, s12, $0xb8;
	[tilespmem:$0x1D080] =	vst v63  }
0x15b: {  	_ =	swait.ge [sflag:s10], $0x2800  }
0x15c: {  	[sflag:s10] =	ssyncset.done $0x0  }
0x15d: {  	s9 =	rddreg [dreg:$0x15];
	[sflag:s10] =	ssyncadd.s32 $0xFFFFD800  }
0x15e: {  	[tilespmem:s14], [sflag:$0x2] =	stream.indirect.gather [hbm4b:s4+s12], $0x80, s9, s12, $0xb8;
	[tilespmem:$0x1D080] =	vst v63  }
0x15f: {  	_ =	swait.ge [sflag:s18], $0x2800  }
0x160: {  	[sflag:s18] =	ssyncset.done $0x0  }
0x161: {  	s9 =	rddreg [dreg:$0x16];
	[sflag:s18] =	ssyncadd.s32 $0xFFFFD800  }
0x162: {  	[spmem:s2] =	stream.indirect.scatter.add.f32 [tilespmem:s15], [sflag:$0x4], $0x80, s9, s12, $0xb8;
	[tilespmem:$0x1D080] =	vst v63  }
0x163: {  	_ =	swait.ge [sflag:s10], $0x2800  }
0x164: {  	[sflag:s10] =	ssyncset.done $0x0  }
0x165: {  	s9 =	rddreg [dreg:$0x17];
	[sflag:s10] =	ssyncadd.s32 $0xFFFFD800  }
0x166: {  	[tilespmem:s15], [sflag:$0x3] =	stream.indirect.gather [hbm4b:s4+s12], $0x80, s9, s12, $0xb8;
	[tilespmem:$0x1D080] =	vst v63  }
0x167: {  	_ =	swait.ge [sflag:s16], $0x2800  }
0x168: {  	[sflag:s16] =	ssyncset.done $0x0  }
0x169: {  	s9 =	rddreg [dreg:$0x18];
	[sflag:s16] =	ssyncadd.s32 $0xFFFFD800  }
0x16a: {  	[spmem:s2] =	stream.indirect.scatter.add.f32 [tilespmem:s13], [sflag:$0x4], $0x80, s9, s12, $0xb8;
	[tilespmem:$0x1D080] =	vst v63  }
0x16b: {  	_ =	swait.ge [sflag:s10], $0x2800  }
0x16c: {  	[sflag:s10] =	ssyncset.done $0x0  }
0x16d: {  	s9 =	rddreg [dreg:$0x19];
	[sflag:s10] =	ssyncadd.s32 $0xFFFFD800  }
0x16e: {  	[tilespmem:s13], [sflag:$0x1] =	stream.indirect.gather [hbm4b:s4+s12], $0x80, s9, s12, $0xb8;
	[tilespmem:$0x1D080] =	vst v63  }
0x16f: {  	_ =	swait.ge [sflag:s17], $0x2800  }
0x170: {  	[sflag:s17] =	ssyncset.done $0x0  }
0x171: {  	s9 =	rddreg [dreg:$0x1a];
	[sflag:s17] =	ssyncadd.s32 $0xFFFFD800  }
0x172: {  	[spmem:s2] =	stream.indirect.scatter.add.f32 [tilespmem:s14], [sflag:$0x4], $0x80, s9, s12, $0xb8;
	[tilespmem:$0x1D080] =	vst v63  }
0x173: {  	_ =	swait.ge [sflag:s10], $0x2800  }
0x174: {  	[sflag:s10] =	ssyncset.done $0x0  }
0x175: {  	s9 =	rddreg [dreg:$0x1b];
	[sflag:s10] =	ssyncadd.s32 $0xFFFFD800  }
0x176: {  	[tilespmem:s14], [sflag:$0x2] =	stream.indirect.gather [hbm4b:s4+s12], $0x80, s9, s12, $0xb8;
	[tilespmem:$0x1D080] =	vst v63  }
0x177: {  	_ =	swait.ge [sflag:s18], $0x2800  }
0x178: {  	[sflag:s18] =	ssyncset.done $0x0  }
0x179: {  	s9 =	rddreg [dreg:$0x1c];
	[sflag:s18] =	ssyncadd.s32 $0xFFFFD800  }
0x17a: {  	[spmem:s2] =	stream.indirect.scatter.add.f32 [tilespmem:s15], [sflag:$0x4], $0x80, s9, s12, $0xb8;
	[tilespmem:$0x1D080] =	vst v63  }
0x17b: {  	_ =	swait.ge [sflag:s10], $0x2800  }
0x17c: {  	[sflag:s10] =	ssyncset.done $0x0  }
0x17d: {  	s9 =	rddreg [dreg:$0x1d];
	[sflag:s10] =	ssyncadd.s32 $0xFFFFD800  }
0x17e: {  	[tilespmem:s15], [sflag:$0x3] =	stream.indirect.gather [hbm4b:s4+s12], $0x80, s9, s12, $0xb8;
	[tilespmem:$0x1D080] =	vst v63  }
0x17f: {  	_ =	swait.ge [sflag:s16], $0x2800  }
0x180: {  	[sflag:s16] =	ssyncset.done $0x0  }
0x181: {  	s9 =	rddreg [dreg:$0x1e];
	[sflag:s16] =	ssyncadd.s32 $0xFFFFD800  }
0x182: {  	[spmem:s2] =	stream.indirect.scatter.add.f32 [tilespmem:s13], [sflag:$0x4], $0x80, s9, s12, $0xb8;
	[tilespmem:$0x1D080] =	vst v63  }
0x183: {  	_ =	swait.ge [sflag:s10], $0x2800  }
0x184: {  	[sflag:s10] =	ssyncset.done $0x0  }
0x185: {  	s9 =	rddreg [dreg:$0x1f];
	[sflag:s10] =	ssyncadd.s32 $0xFFFFD800  }
0x186: {  	[tilespmem:s13], [sflag:$0x1] =	stream.indirect.gather [hbm4b:s4+s12], $0x80, s9, s12, $0xb8;
	[tilespmem:$0x1D080] =	vst v63  }
0x187: {  	_ =	swait.ge [sflag:s17], $0x2800  }
0x188: {  	s9 =	sld [smem:$0x7F5]  }
0x189: {  	[sflag:s17] =	ssyncset.done $0x0  }
0x18a: {  	[sflag:s17] =	ssyncadd.s32 $0xFFFFD800  }
0x18b: {  	[spmem:s2] =	stream.indirect.scatter.add.f32 [tilespmem:s14], [sflag:$0x4], $0x80, s9, s12, $0xb8;
	[tilespmem:$0x1D080] =	vst v63  }
0x18c: {  	_ =	swait.ge [sflag:s10], $0x2800  }
0x18d: {  	s9 =	sld [smem:$0x7F6]  }
0x18e: {  	[sflag:s10] =	ssyncset.done $0x0  }
0x18f: {  	[sflag:s10] =	ssyncadd.s32 $0xFFFFD800  }
0x190: {  	[tilespmem:s14], [sflag:$0x2] =	stream.indirect.gather [hbm4b:s4+s12], $0x80, s9, s12, $0xb8;
	[tilespmem:$0x1D080] =	vst v63  }
0x191: {  	_ =	swait.ge [sflag:s18], $0x2800  }
0x192: {  	s9 =	sld [smem:$0x7F7]  }
0x193: {  	[sflag:s18] =	ssyncset.done $0x0  }
0x194: {  	[sflag:s18] =	ssyncadd.s32 $0xFFFFD800  }
0x195: {  	[spmem:s2] =	stream.indirect.scatter.add.f32 [tilespmem:s15], [sflag:$0x4], $0x80, s9, s12, $0xb8;
	[tilespmem:$0x1D080] =	vst v63  }
0x196: {  	_ =	swait.ge [sflag:s10], $0x2800  }
0x197: {  	s9 =	sld [smem:$0x7F8]  }
0x198: {  	[sflag:s10] =	ssyncset.done $0x0  }
0x199: {  	[sflag:s10] =	ssyncadd.s32 $0xFFFFD800  }
0x19a: {  	[tilespmem:s15], [sflag:$0x3] =	stream.indirect.gather [hbm4b:s4+s12], $0x80, s9, s12, $0xb8;
	[tilespmem:$0x1D080] =	vst v63  }
0x19b: {  	_ =	swait.ge [sflag:s16], $0x2800  }
0x19c: {  	s9 =	sld [smem:$0x7F9]  }
0x19d: {  	[sflag:s16] =	ssyncset.done $0x0  }
0x19e: {  	[sflag:s16] =	ssyncadd.s32 $0xFFFFD800  }
0x19f: {  	[spmem:s2] =	stream.indirect.scatter.add.f32 [tilespmem:s13], [sflag:$0x4], $0x80, s9, s12, $0xb8;
	[tilespmem:$0x1D080] =	vst v63  }
0x1a0: {  	_ =	swait.ge [sflag:s10], $0x2800  }
0x1a1: {  	s9 =	sld [smem:$0x7FA]  }
0x1a2: {  	[sflag:s10] =	ssyncset.done $0x0  }
0x1a3: {  	[sflag:s10] =	ssyncadd.s32 $0xFFFFD800  }
0x1a4: {  	[tilespmem:s13], [sflag:$0x1] =	stream.indirect.gather [hbm4b:s4+s12], $0x80, s9, s12, $0xb8;
	[tilespmem:$0x1D080] =	vst v63  }
0x1a5: {  	_ =	swait.ge [sflag:s17], $0x2800  }
0x1a6: {  	[sflag:s17] =	ssyncset.done $0x0  }
0x1a7: {  	[sflag:s17] =	ssyncadd.s32 $0xFFFFD800  }
0x1a8: {  	[spmem:s2] =	stream.indirect.scatter.add.f32 [tilespmem:s14], [sflag:$0x4], $0x80, s19, s12, $0xb8;
	[tilespmem:$0x1D080] =	vst v63  }
0x1a9: {  	_ =	swait.ge [sflag:s10], $0x2800  }
0x1aa: {  	[sflag:s10] =	ssyncset.done $0x0  }
0x1ab: {  	[sflag:s10] =	ssyncadd.s32 $0xFFFFD800  }
0x1ac: {  	[tilespmem:s14], [sflag:$0x2] =	stream.indirect.gather [hbm4b:s4+s12], $0x80, s20, s12, $0xb8;
	[tilespmem:$0x1D080] =	vst v63  }
0x1ad: {  	_ =	swait.ge [sflag:s18], $0x2800  }
0x1ae: {  	[sflag:s18] =	ssyncset.done $0x0  }
0x1af: {  	[sflag:s18] =	ssyncadd.s32 $0xFFFFD800  }
0x1b0: {  	[spmem:s2] =	stream.indirect.scatter.add.f32 [tilespmem:s15], [sflag:$0x4], $0x80, s21, s12, $0xb8;
	[tilespmem:$0x1D080] =	vst v63  }
0x1b1: {  	_ =	swait.ge [sflag:s10], $0x2800  }
0x1b2: {  	[sflag:s10] =	ssyncset.done $0x0  }
0x1b3: {  	[sflag:s10] =	ssyncadd.s32 $0xFFFFD800  }
0x1b4: {  	[tilespmem:s15], [sflag:$0x3] =	stream.indirect.gather [hbm4b:s4+s12], $0x80, s22, s12, $0xb8;
	[tilespmem:$0x1D080] =	vst v63  }
0x1b5: {  	_ =	swait.ge [sflag:s16], $0x2800  }
0x1b6: {  	[sflag:s16] =	ssyncset.done $0x0  }
0x1b7: {  	[sflag:s16] =	ssyncadd.s32 $0xFFFFD800  }
0x1b8: {  	[spmem:s2] =	stream.indirect.scatter.add.f32 [tilespmem:s13], [sflag:$0x4], $0x80, s23, s12, $0xb8;
	[tilespmem:$0x1D080] =	vst v63  }
0x1b9: {  	_ =	swait.ge [sflag:s10], $0x2800  }
0x1ba: {  	[sflag:s10] =	ssyncset.done $0x0  }
0x1bb: {  	[sflag:s10] =	ssyncadd.s32 $0xFFFFD800  }
0x1bc: {  	[tilespmem:s13], [sflag:$0x1] =	stream.indirect.gather [hbm4b:s4+s12], $0x80, s24, s12, $0xb8;
	[tilespmem:$0x1D080] =	vst v63  }
0x1bd: {  	_ =	swait.ge [sflag:s17], $0x2800  }
0x1be: {  	[sflag:s17] =	ssyncset.done $0x0  }
0x1bf: {  	[sflag:s17] =	ssyncadd.s32 $0xFFFFD800  }
0x1c0: {  	[spmem:s2] =	stream.indirect.scatter.add.f32 [tilespmem:s14], [sflag:$0x4], $0x80, s25, s12, $0xb8;
	[tilespmem:$0x1D080] =	vst v63  }
0x1c1: {  	_ =	swait.ge [sflag:s10], $0x2800  }
0x1c2: {  	[sflag:s10] =	ssyncset.done $0x0  }
0x1c3: {  	[sflag:s10] =	ssyncadd.s32 $0xFFFFD800  }
0x1c4: {  	[tilespmem:s14], [sflag:$0x2] =	stream.indirect.gather [hbm4b:s4+s12], $0x80, s26, s12, $0xb8;
	[tilespmem:$0x1D080] =	vst v63  }
0x1c5: {  	_ =	swait.ge [sflag:s18], $0x2800  }
0x1c6: {  	[sflag:s18] =	ssyncset.done $0x0  }
0x1c7: {  	[sflag:s18] =	ssyncadd.s32 $0xFFFFD800  }
0x1c8: {  	[spmem:s2] =	stream.indirect.scatter.add.f32 [tilespmem:s15], [sflag:$0x4], $0x80, s28, s12, $0xb8;
	[tilespmem:$0x1D080] =	vst v63  }
0x1c9: {  	_ =	swait.ge [sflag:s10], $0x2800  }
0x1ca: {  	[sflag:s10] =	ssyncset.done $0x0  }
0x1cb: {  	[sflag:s10] =	ssyncadd.s32 $0xFFFFD800  }
0x1cc: {  	[tilespmem:s15], [sflag:$0x3] =	stream.indirect.gather [hbm4b:s4+s12], $0x80, s29, s12, $0xb8;
	[tilespmem:$0x1D080] =	vst v63  }
0x1cd: {  	_ =	swait.ge [sflag:s16], $0x2800  }
0x1ce: {  	[sflag:s16] =	ssyncset.done $0x0  }
0x1cf: {  	[sflag:s16] =	ssyncadd.s32 $0xFFFFD800  }
0x1d0: {  	[spmem:s2] =	stream.indirect.scatter.add.f32 [tilespmem:s13], [sflag:$0x4], $0x80, s30, s12, $0xb8;
	[tilespmem:$0x1D080] =	vst v63  }
0x1d1: {  	_ =	swait.ge [sflag:s10], $0x2800  }
0x1d2: {  	[sflag:s10] =	ssyncset.done $0x0  }
0x1d3: {  	[sflag:s10] =	ssyncadd.s32 $0xFFFFD800  }
0x1d4: {  	[tilespmem:s13], [sflag:$0x1] =	stream.indirect.gather [hbm4b:s4+s12], $0x80, s31, s12, $0xb8;
	[tilespmem:$0x1D080] =	vst v63  }
0x1d5: {  	_ =	swait.ge [sflag:s17], $0x2800  }
0x1d6: {  	[sflag:s17] =	ssyncset.done $0x0  }
0x1d7: {  	[sflag:s17] =	ssyncadd.s32 $0xFFFFD800  }
0x1d8: {  	[spmem:s2] =	stream.indirect.scatter.add.f32 [tilespmem:s14], [sflag:$0x4], $0x80, s1, s12, $0xb8;
	[tilespmem:$0x1D080] =	vst v63  }
0x1d9: {  	_ =	swait.ge [sflag:s10], $0x2800  }
0x1da: {  	[sflag:s10] =	ssyncset.done $0x0  }
0x1db: {  	[sflag:s10] =	ssyncadd.s32 $0xFFFFD800  }
0x1dc: {  	_ =	swait.ge [sflag:s18], $0x2800  }
0x1dd: {  	[sflag:s18] =	ssyncset.done $0x0  }
0x1de: {  	[sflag:s18] =	ssyncadd.s32 $0xFFFFD800  }
0x1df: {  	[spmem:s2] =	stream.indirect.scatter.add.f32 [tilespmem:s15], [sflag:$0x4], $0x80, s0, s12, $0xb8;
	[tilespmem:$0x1D080] =	vst v63  }
0x1e0: {  	_ =	swait.ge [sflag:s10], $0x2800  }
0x1e1: {  	[sflag:s10] =	ssyncset.done $0x0  }
0x1e2: {  	[sflag:s10] =	ssyncadd.s32 $0xFFFFD800  }
0x1e3: {  	p1 =	sne.s32 s8, $0x800;
	_ =	swait.ge [sflag:s16], $0x2800  }
.Ltmp0:
0x1e4: {  	[sflag:s16] =	ssyncset.done $0x0;
	(pc) =	sbr.rel @p1 .LBB2_2-.Ltmp0, $4  }
0x1e5: {  	[sflag:s16] =	ssyncadd.s32 $0xFFFFD800  }
0x1e6: {  	[spmem:s2] =	stream.indirect.scatter.add.f32 [tilespmem:s13], [sflag:$0x4], $0x80, s5, s12, $0xb8;
	[tilespmem:$0x1D080] =	vst v63  }
0x1e7: {  	_ =	swait.ge [sflag:s10], $0x2800  }
0x1e8: {  	s8 =	sadd.s32 $0x200, s8;
	s9 =	rddreg [dreg:$0x4];
	[sflag:s10] =	ssyncset.done $0x0  }
0x1e9: {  	[sflag:s10] =	ssyncadd.s32 $0xFFFFD800;
	s6 =	sadd.s32 s7, s9  }
0x1ea: {  	[tilespmem:s3], [sflag:$0x4] =	stream.linear.gather [hbm4b:s6+s3], $0xC80, $0x38;
	[tilespmem:$0x1D080] =	vst v63  }
0x1eb: {  	_ =	swait.ge [sflag:s10], $0xC80  }
0x1ec: {  	s9 =	rddreg [dreg:$0x3];
	[sflag:s10] =	ssyncset.done $0x0  }
0x1ed: {  	[sflag:s10] =	ssyncadd.s32 $0xFFFFF380;
	s6 =	sadd.s32 s7, s9  }
0x1ee: {  	[tilespmem:s11], [sflag:$0x4] =	stream.linear.gather [hbm4b:s6+s3], $0xC80, $0x38;
	[tilespmem:$0x1D080] =	vst v63  }
0x1ef: {  	_ =	swait.ge [sflag:s10], $0xC80  }
0x1f0: {  	[sflag:s10] =	ssyncset.done $0x0  }
0x1f1: {  	[sflag:s10] =	ssyncadd.s32 $0xFFFFF380  }
0x1f2: {  	[tilespmem:s13], [sflag:$0x1] =	stream.indirect.gather [hbm4b:s4+s12], $0x80, s3, s12, $0xb8;
	[tilespmem:$0x1D080] =	vst v63  }
0x1f3: {  	s7 =	rddreg [dreg:$0x5]  }
0x1f4: {  	[tilespmem:s14], [sflag:$0x2] =	stream.indirect.gather [hbm4b:s4+s12], $0x80, s7, s12, $0xb8;
	[tilespmem:$0x1D080] =	vst v63  }
0x1f5: {  	s8 =	rddreg [dreg:$0x6]  }
0x1f6: {  	[tilespmem:s15], [sflag:$0x3] =	stream.indirect.gather [hbm4b:s4+s12], $0x80, s8, s12, $0xb8;
	[tilespmem:$0x1D080] =	vst v63  }
0x1f7: {  	_ =	swait.ge [sflag:s16], $0x2800  }
0x1f8: {  	[sflag:s16] =	ssyncset.done $0x0  }
0x1f9: {  	[sflag:s16] =	ssyncadd.s32 $0xFFFFD800  }
0x1fa: {  	[spmem:s2] =	stream.indirect.scatter.add.f32 [tilespmem:s13], [sflag:$0x4], $0x80, s11, s12, $0xb8;
	[tilespmem:$0x1D080] =	vst v63  }
0x1fb: {  	_ =	swait.ge [sflag:s10], $0x2800  }
0x1fc: {  	[sflag:s10] =	ssyncset.done $0x0  }
0x1fd: {  	s9 =	rddreg [dreg:$0x7];
	[sflag:s10] =	ssyncadd.s32 $0xFFFFD800  }
0x1fe: {  	[tilespmem:s13], [sflag:$0x1] =	stream.indirect.gather [hbm4b:s4+s12], $0x80, s9, s12, $0xb8;
	[tilespmem:$0x1D080] =	vst v63  }
0x1ff: {  	_ =	swait.ge [sflag:s17], $0x2800  }
0x200: {  	[sflag:s17] =	ssyncset.done $0x0  }
0x201: {  	s7 =	rddreg [dreg:$0x8];
	[sflag:s17] =	ssyncadd.s32 $0xFFFFD800  }
0x202: {  	[spmem:s2] =	stream.indirect.scatter.add.f32 [tilespmem:s14], [sflag:$0x4], $0x80, s7, s12, $0xb8;
	[tilespmem:$0x1D080] =	vst v63  }
0x203: {  	_ =	swait.ge [sflag:s10], $0x2800  }
0x204: {  	[sflag:s10] =	ssyncset.done $0x0  }
0x205: {  	s8 =	rddreg [dreg:$0x9];
	[sflag:s10] =	ssyncadd.s32 $0xFFFFD800  }
0x206: {  	[tilespmem:s14], [sflag:$0x2] =	stream.indirect.gather [hbm4b:s4+s12], $0x80, s8, s12, $0xb8;
	[tilespmem:$0x1D080] =	vst v63  }
0x207: {  	_ =	swait.ge [sflag:s18], $0x2800  }
0x208: {  	[sflag:s18] =	ssyncset.done $0x0  }
0x209: {  	s9 =	rddreg [dreg:$0xa];
	[sflag:s18] =	ssyncadd.s32 $0xFFFFD800  }
0x20a: {  	[spmem:s2] =	stream.indirect.scatter.add.f32 [tilespmem:s15], [sflag:$0x4], $0x80, s9, s12, $0xb8;
	[tilespmem:$0x1D080] =	vst v63  }
0x20b: {  	_ =	swait.ge [sflag:s10], $0x2800  }
0x20c: {  	[sflag:s10] =	ssyncset.done $0x0  }
0x20d: {  	s7 =	rddreg [dreg:$0xb];
	[sflag:s10] =	ssyncadd.s32 $0xFFFFD800  }
0x20e: {  	[tilespmem:s15], [sflag:$0x3] =	stream.indirect.gather [hbm4b:s4+s12], $0x80, s7, s12, $0xb8;
	[tilespmem:$0x1D080] =	vst v63  }
0x20f: {  	_ =	swait.ge [sflag:s16], $0x2800  }
0x210: {  	[sflag:s16] =	ssyncset.done $0x0  }
0x211: {  	s8 =	rddreg [dreg:$0xc];
	[sflag:s16] =	ssyncadd.s32 $0xFFFFD800  }
0x212: {  	[spmem:s2] =	stream.indirect.scatter.add.f32 [tilespmem:s13], [sflag:$0x4], $0x80, s8, s12, $0xb8;
	[tilespmem:$0x1D080] =	vst v63  }
0x213: {  	_ =	swait.ge [sflag:s10], $0x2800  }
0x214: {  	[sflag:s10] =	ssyncset.done $0x0  }
0x215: {  	s9 =	rddreg [dreg:$0xd];
	[sflag:s10] =	ssyncadd.s32 $0xFFFFD800  }
0x216: {  	[tilespmem:s13], [sflag:$0x1] =	stream.indirect.gather [hbm4b:s4+s12], $0x80, s9, s12, $0xb8;
	[tilespmem:$0x1D080] =	vst v63  }
0x217: {  	_ =	swait.ge [sflag:s17], $0x2800  }
0x218: {  	[sflag:s17] =	ssyncset.done $0x0  }
0x219: {  	s7 =	rddreg [dreg:$0xe];
	[sflag:s17] =	ssyncadd.s32 $0xFFFFD800  }
0x21a: {  	[spmem:s2] =	stream.indirect.scatter.add.f32 [tilespmem:s14], [sflag:$0x4], $0x80, s7, s12, $0xb8;
	[tilespmem:$0x1D080] =	vst v63  }
0x21b: {  	_ =	swait.ge [sflag:s10], $0x2800  }
0x21c: {  	[sflag:s10] =	ssyncset.done $0x0  }
0x21d: {  	s8 =	rddreg [dreg:$0xf];
	[sflag:s10] =	ssyncadd.s32 $0xFFFFD800  }
0x21e: {  	[tilespmem:s14], [sflag:$0x2] =	stream.indirect.gather [hbm4b:s4+s12], $0x80, s8, s12, $0xb8;
	[tilespmem:$0x1D080] =	vst v63  }
0x21f: {  	_ =	swait.ge [sflag:s18], $0x2800  }
0x220: {  	[sflag:s18] =	ssyncset.done $0x0  }
0x221: {  	s9 =	rddreg [dreg:$0x10];
	[sflag:s18] =	ssyncadd.s32 $0xFFFFD800  }
0x222: {  	[spmem:s2] =	stream.indirect.scatter.add.f32 [tilespmem:s15], [sflag:$0x4], $0x80, s9, s12, $0xb8;
	[tilespmem:$0x1D080] =	vst v63  }
0x223: {  	_ =	swait.ge [sflag:s10], $0x2800  }
0x224: {  	[sflag:s10] =	ssyncset.done $0x0  }
0x225: {  	s7 =	rddreg [dreg:$0x11];
	[sflag:s10] =	ssyncadd.s32 $0xFFFFD800  }
0x226: {  	[tilespmem:s15], [sflag:$0x3] =	stream.indirect.gather [hbm4b:s4+s12], $0x80, s7, s12, $0xb8;
	[tilespmem:$0x1D080] =	vst v63  }
0x227: {  	_ =	swait.ge [sflag:s16], $0x2800  }
0x228: {  	[sflag:s16] =	ssyncset.done $0x0  }
0x229: {  	s8 =	rddreg [dreg:$0x12];
	[sflag:s16] =	ssyncadd.s32 $0xFFFFD800  }
0x22a: {  	[spmem:s2] =	stream.indirect.scatter.add.f32 [tilespmem:s13], [sflag:$0x4], $0x80, s8, s12, $0xb8;
	[tilespmem:$0x1D080] =	vst v63  }
0x22b: {  	_ =	swait.ge [sflag:s10], $0x2800  }
0x22c: {  	[sflag:s10] =	ssyncset.done $0x0  }
0x22d: {  	s9 =	rddreg [dreg:$0x13];
	[sflag:s10] =	ssyncadd.s32 $0xFFFFD800  }
0x22e: {  	[tilespmem:s13], [sflag:$0x1] =	stream.indirect.gather [hbm4b:s4+s12], $0x80, s9, s12, $0xb8;
	[tilespmem:$0x1D080] =	vst v63  }
0x22f: {  	_ =	swait.ge [sflag:s17], $0x2800  }
0x230: {  	[sflag:s17] =	ssyncset.done $0x0  }
0x231: {  	s7 =	rddreg [dreg:$0x14];
	[sflag:s17] =	ssyncadd.s32 $0xFFFFD800  }
0x232: {  	[spmem:s2] =	stream.indirect.scatter.add.f32 [tilespmem:s14], [sflag:$0x4], $0x80, s7, s12, $0xb8;
	[tilespmem:$0x1D080] =	vst v63  }
0x233: {  	_ =	swait.ge [sflag:s10], $0x2800  }
0x234: {  	[sflag:s10] =	ssyncset.done $0x0  }
0x235: {  	s8 =	rddreg [dreg:$0x15];
	[sflag:s10] =	ssyncadd.s32 $0xFFFFD800  }
0x236: {  	[tilespmem:s14], [sflag:$0x2] =	stream.indirect.gather [hbm4b:s4+s12], $0x80, s8, s12, $0xb8;
	[tilespmem:$0x1D080] =	vst v63  }
0x237: {  	_ =	swait.ge [sflag:s18], $0x2800  }
0x238: {  	[sflag:s18] =	ssyncset.done $0x0  }
0x239: {  	s9 =	rddreg [dreg:$0x16];
	[sflag:s18] =	ssyncadd.s32 $0xFFFFD800  }
0x23a: {  	[spmem:s2] =	stream.indirect.scatter.add.f32 [tilespmem:s15], [sflag:$0x4], $0x80, s9, s12, $0xb8;
	[tilespmem:$0x1D080] =	vst v63  }
0x23b: {  	_ =	swait.ge [sflag:s10], $0x2800  }
0x23c: {  	[sflag:s10] =	ssyncset.done $0x0  }
0x23d: {  	s7 =	rddreg [dreg:$0x17];
	[sflag:s10] =	ssyncadd.s32 $0xFFFFD800  }
0x23e: {  	[tilespmem:s15], [sflag:$0x3] =	stream.indirect.gather [hbm4b:s4+s12], $0x80, s7, s12, $0xb8;
	[tilespmem:$0x1D080] =	vst v63  }
0x23f: {  	_ =	swait.ge [sflag:s16], $0x2800  }
0x240: {  	[sflag:s16] =	ssyncset.done $0x0  }
0x241: {  	s8 =	rddreg [dreg:$0x18];
	[sflag:s16] =	ssyncadd.s32 $0xFFFFD800  }
0x242: {  	[spmem:s2] =	stream.indirect.scatter.add.f32 [tilespmem:s13], [sflag:$0x4], $0x80, s8, s12, $0xb8;
	[tilespmem:$0x1D080] =	vst v63  }
0x243: {  	_ =	swait.ge [sflag:s10], $0x2800  }
0x244: {  	[sflag:s10] =	ssyncset.done $0x0  }
0x245: {  	s9 =	rddreg [dreg:$0x19];
	[sflag:s10] =	ssyncadd.s32 $0xFFFFD800  }
0x246: {  	[tilespmem:s13], [sflag:$0x1] =	stream.indirect.gather [hbm4b:s4+s12], $0x80, s9, s12, $0xb8;
	[tilespmem:$0x1D080] =	vst v63  }
0x247: {  	_ =	swait.ge [sflag:s17], $0x2800  }
0x248: {  	[sflag:s17] =	ssyncset.done $0x0  }
0x249: {  	s7 =	rddreg [dreg:$0x1a];
	[sflag:s17] =	ssyncadd.s32 $0xFFFFD800  }
0x24a: {  	[spmem:s2] =	stream.indirect.scatter.add.f32 [tilespmem:s14], [sflag:$0x4], $0x80, s7, s12, $0xb8;
	[tilespmem:$0x1D080] =	vst v63  }
0x24b: {  	_ =	swait.ge [sflag:s10], $0x2800  }
0x24c: {  	[sflag:s10] =	ssyncset.done $0x0  }
0x24d: {  	s8 =	rddreg [dreg:$0x1b];
	[sflag:s10] =	ssyncadd.s32 $0xFFFFD800  }
0x24e: {  	[tilespmem:s14], [sflag:$0x2] =	stream.indirect.gather [hbm4b:s4+s12], $0x80, s8, s12, $0xb8;
	[tilespmem:$0x1D080] =	vst v63  }
0x24f: {  	_ =	swait.ge [sflag:s18], $0x2800  }
0x250: {  	[sflag:s18] =	ssyncset.done $0x0  }
0x251: {  	s9 =	rddreg [dreg:$0x1c];
	[sflag:s18] =	ssyncadd.s32 $0xFFFFD800  }
0x252: {  	[spmem:s2] =	stream.indirect.scatter.add.f32 [tilespmem:s15], [sflag:$0x4], $0x80, s9, s12, $0xb8;
	[tilespmem:$0x1D080] =	vst v63  }
0x253: {  	_ =	swait.ge [sflag:s10], $0x2800  }
0x254: {  	[sflag:s10] =	ssyncset.done $0x0  }
0x255: {  	s7 =	rddreg [dreg:$0x1d];
	[sflag:s10] =	ssyncadd.s32 $0xFFFFD800  }
0x256: {  	[tilespmem:s15], [sflag:$0x3] =	stream.indirect.gather [hbm4b:s4+s12], $0x80, s7, s12, $0xb8;
	[tilespmem:$0x1D080] =	vst v63  }
0x257: {  	_ =	swait.ge [sflag:s16], $0x2800  }
0x258: {  	[sflag:s16] =	ssyncset.done $0x0  }
0x259: {  	s8 =	rddreg [dreg:$0x1e];
	[sflag:s16] =	ssyncadd.s32 $0xFFFFD800  }
0x25a: {  	[spmem:s2] =	stream.indirect.scatter.add.f32 [tilespmem:s13], [sflag:$0x4], $0x80, s8, s12, $0xb8;
	[tilespmem:$0x1D080] =	vst v63  }
0x25b: {  	_ =	swait.ge [sflag:s10], $0x2800  }
0x25c: {  	[sflag:s10] =	ssyncset.done $0x0  }
0x25d: {  	s9 =	rddreg [dreg:$0x1f];
	[sflag:s10] =	ssyncadd.s32 $0xFFFFD800  }
0x25e: {  	[tilespmem:s13], [sflag:$0x1] =	stream.indirect.gather [hbm4b:s4+s12], $0x80, s9, s12, $0xb8;
	[tilespmem:$0x1D080] =	vst v63  }
0x25f: {  	_ =	swait.ge [sflag:s17], $0x2800  }
0x260: {  	s7 =	sld [smem:$0x7F5]  }
0x261: {  	[sflag:s17] =	ssyncset.done $0x0  }
0x262: {  	[sflag:s17] =	ssyncadd.s32 $0xFFFFD800  }
0x263: {  	[spmem:s2] =	stream.indirect.scatter.add.f32 [tilespmem:s14], [sflag:$0x4], $0x80, s7, s12, $0xb8;
	[tilespmem:$0x1D080] =	vst v63  }
0x264: {  	_ =	swait.ge [sflag:s10], $0x2800  }
0x265: {  	s8 =	sld [smem:$0x7F6]  }
0x266: {  	[sflag:s10] =	ssyncset.done $0x0  }
0x267: {  	[sflag:s10] =	ssyncadd.s32 $0xFFFFD800  }
0x268: {  	[tilespmem:s14], [sflag:$0x2] =	stream.indirect.gather [hbm4b:s4+s12], $0x80, s8, s12, $0xb8;
	[tilespmem:$0x1D080] =	vst v63  }
0x269: {  	_ =	swait.ge [sflag:s18], $0x2800  }
0x26a: {  	s9 =	sld [smem:$0x7F7]  }
0x26b: {  	[sflag:s18] =	ssyncset.done $0x0  }
0x26c: {  	[sflag:s18] =	ssyncadd.s32 $0xFFFFD800  }
0x26d: {  	[spmem:s2] =	stream.indirect.scatter.add.f32 [tilespmem:s15], [sflag:$0x4], $0x80, s9, s12, $0xb8;
	[tilespmem:$0x1D080] =	vst v63  }
0x26e: {  	_ =	swait.ge [sflag:s10], $0x2800  }
0x26f: {  	s7 =	sld [smem:$0x7F8]  }
0x270: {  	[sflag:s10] =	ssyncset.done $0x0  }
0x271: {  	[sflag:s10] =	ssyncadd.s32 $0xFFFFD800  }
0x272: {  	[tilespmem:s15], [sflag:$0x3] =	stream.indirect.gather [hbm4b:s4+s12], $0x80, s7, s12, $0xb8;
	[tilespmem:$0x1D080] =	vst v63  }
0x273: {  	_ =	swait.ge [sflag:s16], $0x2800  }
0x274: {  	s8 =	sld [smem:$0x7F9]  }
0x275: {  	[sflag:s16] =	ssyncset.done $0x0  }
0x276: {  	[sflag:s16] =	ssyncadd.s32 $0xFFFFD800  }
0x277: {  	[spmem:s2] =	stream.indirect.scatter.add.f32 [tilespmem:s13], [sflag:$0x4], $0x80, s8, s12, $0xb8;
	[tilespmem:$0x1D080] =	vst v63  }
0x278: {  	_ =	swait.ge [sflag:s10], $0x2800  }
0x279: {  	s9 =	sld [smem:$0x7FA]  }
0x27a: {  	[sflag:s10] =	ssyncset.done $0x0  }
0x27b: {  	[sflag:s10] =	ssyncadd.s32 $0xFFFFD800  }
0x27c: {  	[tilespmem:s13], [sflag:$0x1] =	stream.indirect.gather [hbm4b:s4+s12], $0x80, s9, s12, $0xb8;
	[tilespmem:$0x1D080] =	vst v63  }
0x27d: {  	_ =	swait.ge [sflag:s17], $0x2800  }
0x27e: {  	[sflag:s17] =	ssyncset.done $0x0  }
0x27f: {  	[sflag:s17] =	ssyncadd.s32 $0xFFFFD800  }
0x280: {  	[spmem:s2] =	stream.indirect.scatter.add.f32 [tilespmem:s14], [sflag:$0x4], $0x80, s19, s12, $0xb8;
	[tilespmem:$0x1D080] =	vst v63  }
0x281: {  	_ =	swait.ge [sflag:s10], $0x2800  }
0x282: {  	[sflag:s10] =	ssyncset.done $0x0  }
0x283: {  	[sflag:s10] =	ssyncadd.s32 $0xFFFFD800  }
0x284: {  	[tilespmem:s14], [sflag:$0x2] =	stream.indirect.gather [hbm4b:s4+s12], $0x80, s20, s12, $0xb8;
	[tilespmem:$0x1D080] =	vst v63  }
0x285: {  	_ =	swait.ge [sflag:s18], $0x2800  }
0x286: {  	[sflag:s18] =	ssyncset.done $0x0  }
0x287: {  	[sflag:s18] =	ssyncadd.s32 $0xFFFFD800  }
0x288: {  	[spmem:s2] =	stream.indirect.scatter.add.f32 [tilespmem:s15], [sflag:$0x4], $0x80, s21, s12, $0xb8;
	[tilespmem:$0x1D080] =	vst v63  }
0x289: {  	_ =	swait.ge [sflag:s10], $0x2800  }
0x28a: {  	[sflag:s10] =	ssyncset.done $0x0  }
0x28b: {  	[sflag:s10] =	ssyncadd.s32 $0xFFFFD800  }
0x28c: {  	[tilespmem:s15], [sflag:$0x3] =	stream.indirect.gather [hbm4b:s4+s12], $0x80, s22, s12, $0xb8;
	[tilespmem:$0x1D080] =	vst v63  }
0x28d: {  	_ =	swait.ge [sflag:s16], $0x2800  }
0x28e: {  	[sflag:s16] =	ssyncset.done $0x0  }
0x28f: {  	[sflag:s16] =	ssyncadd.s32 $0xFFFFD800  }
0x290: {  	[spmem:s2] =	stream.indirect.scatter.add.f32 [tilespmem:s13], [sflag:$0x4], $0x80, s23, s12, $0xb8;
	[tilespmem:$0x1D080] =	vst v63  }
0x291: {  	_ =	swait.ge [sflag:s10], $0x2800  }
0x292: {  	[sflag:s10] =	ssyncset.done $0x0  }
0x293: {  	[sflag:s10] =	ssyncadd.s32 $0xFFFFD800  }
0x294: {  	[tilespmem:s13], [sflag:$0x1] =	stream.indirect.gather [hbm4b:s4+s12], $0x80, s24, s12, $0xb8;
	[tilespmem:$0x1D080] =	vst v63  }
0x295: {  	_ =	swait.ge [sflag:s17], $0x2800  }
0x296: {  	[sflag:s17] =	ssyncset.done $0x0  }
0x297: {  	[sflag:s17] =	ssyncadd.s32 $0xFFFFD800  }
0x298: {  	[spmem:s2] =	stream.indirect.scatter.add.f32 [tilespmem:s14], [sflag:$0x4], $0x80, s25, s12, $0xb8;
	[tilespmem:$0x1D080] =	vst v63  }
0x299: {  	_ =	swait.ge [sflag:s10], $0x2800  }
0x29a: {  	[sflag:s10] =	ssyncset.done $0x0  }
0x29b: {  	[sflag:s10] =	ssyncadd.s32 $0xFFFFD800  }
0x29c: {  	[tilespmem:s14], [sflag:$0x2] =	stream.indirect.gather [hbm4b:s4+s12], $0x80, s26, s12, $0xb8;
	[tilespmem:$0x1D080] =	vst v63  }
0x29d: {  	_ =	swait.ge [sflag:s18], $0x2800  }
0x29e: {  	[sflag:s18] =	ssyncset.done $0x0  }
0x29f: {  	[sflag:s18] =	ssyncadd.s32 $0xFFFFD800  }
0x2a0: {  	[spmem:s2] =	stream.indirect.scatter.add.f32 [tilespmem:s15], [sflag:$0x4], $0x80, s28, s12, $0xb8;
	[tilespmem:$0x1D080] =	vst v63  }
0x2a1: {  	_ =	swait.ge [sflag:s10], $0x2800  }
0x2a2: {  	[sflag:s10] =	ssyncset.done $0x0  }
0x2a3: {  	[sflag:s10] =	ssyncadd.s32 $0xFFFFD800  }
0x2a4: {  	[tilespmem:s15], [sflag:$0x3] =	stream.indirect.gather [hbm4b:s4+s12], $0x80, s29, s12, $0xb8;
	[tilespmem:$0x1D080] =	vst v63  }
0x2a5: {  	_ =	swait.ge [sflag:s16], $0x2800  }
0x2a6: {  	[sflag:s16] =	ssyncset.done $0x0  }
0x2a7: {  	[sflag:s16] =	ssyncadd.s32 $0xFFFFD800  }
0x2a8: {  	[spmem:s2] =	stream.indirect.scatter.add.f32 [tilespmem:s13], [sflag:$0x4], $0x80, s30, s12, $0xb8;
	[tilespmem:$0x1D080] =	vst v63  }
0x2a9: {  	_ =	swait.ge [sflag:s10], $0x2800  }
0x2aa: {  	[sflag:s10] =	ssyncset.done $0x0  }
0x2ab: {  	[sflag:s10] =	ssyncadd.s32 $0xFFFFD800  }
0x2ac: {  	[tilespmem:s13], [sflag:$0x1] =	stream.indirect.gather [hbm4b:s4+s12], $0x80, s31, s12, $0xb8;
	[tilespmem:$0x1D080] =	vst v63  }
0x2ad: {  	_ =	swait.ge [sflag:s17], $0x2800  }
0x2ae: {  	[sflag:s17] =	ssyncset.done $0x0  }
0x2af: {  	[sflag:s17] =	ssyncadd.s32 $0xFFFFD800  }
0x2b0: {  	[spmem:s2] =	stream.indirect.scatter.add.f32 [tilespmem:s14], [sflag:$0x4], $0x80, s1, s12, $0xb8;
	[tilespmem:$0x1D080] =	vst v63  }
0x2b1: {  	_ =	swait.ge [sflag:s10], $0x2800  }
0x2b2: {  	[sflag:s10] =	ssyncset.done $0x0  }
0x2b3: {  	[sflag:s10] =	ssyncadd.s32 $0xFFFFD800  }
0x2b4: {  	_ =	swait.ge [sflag:s18], $0x2800  }
0x2b5: {  	[sflag:s18] =	ssyncset.done $0x0  }
0x2b6: {  	[sflag:s18] =	ssyncadd.s32 $0xFFFFD800  }
0x2b7: {  	[spmem:s2] =	stream.indirect.scatter.add.f32 [tilespmem:s15], [sflag:$0x4], $0x80, s0, s12, $0xb8;
	[tilespmem:$0x1D080] =	vst v63  }
0x2b8: {  	_ =	swait.ge [sflag:s10], $0x2800  }
0x2b9: {  	[sflag:s10] =	ssyncset.done $0x0  }
0x2ba: {  	[sflag:s10] =	ssyncadd.s32 $0xFFFFD800  }
0x2bb: {  	_ =	swait.ge [sflag:s16], $0x2800  }
0x2bc: {  	[sflag:s16] =	ssyncset.done $0x0  }
0x2bd: {  	[sflag:s16] =	ssyncadd.s32 $0xFFFFD800  }
0x2be: {  	[spmem:s2] =	stream.indirect.scatter.add.f32 [tilespmem:s13], [sflag:$0x4], $0x80, s5, s12, $0xb8;
	[tilespmem:$0x1D080] =	vst v63  }
0x2bf: {  	_ =	swait.ge [sflag:s10], $0x2800  }
0x2c0: {  	[sflag:s10] =	ssyncset.done $0x0  }
0x2c1: {  	[sflag:s10] =	ssyncadd.s32 $0xFFFFD800  }
0x2c2: {  	[bflag:$0x0] =	sbarrier.arrive $0xFFFF  }
0x2c3: {  	s6 =	sld [smem:$0x7F3]  }
0x2c4: {  	s8 =	sld [smem:$0x7FC]  }
0x2c5: {  	s9 =	sld [smem:$0x7FD];
	_ =	sdelay $0x1  }
0x2c6: {  	s7 =	simm.s32 @!p0 $0x4  }
0x2c7: {  	[hbm:s6], [sflag:s8] =	dma.local @!p0 [spmem:s9], $0x3E80  }
0x2c8: {  	_ =	swait.ge @!p0 [sflag:s7], $0x3E80  }
0x2c9: {  	s6 =	sld [smem:$0x7FB]  }
0x2ca: {  	[sflag:s7] =	ssyncset.done @!p0 $0x0;
	s7 =	sld [smem:$0x7F4];
	_ =	sdelay $0x1  }
0x2cb: {  	s6 =	sadd.s32 $0x1, s6  }
0x2cc: {  	p1 =	sne.s32 s6, s7  }
.Ltmp1:
0x2cd: {  	_ = 	snop;
	(pc) =	sbr.rel @p1 .LBB2_1-.Ltmp1, $3  }
0x2ce: {  	_ =	sdelay $0x1  }
0x2cf: {  	[smem:$0x7FB] =	sst s6;
	s6 =	simm.s32 @!p0 $0x4  }
0x2d0: {  	[sflag:s6] =	ssyncadd.s32 @!p0 $0xFFFFC180  }
0x2d1: {  	_ =	sfence.sel $0x180000  }
0x2d2: {  	[bflag:$0x0] =	sbarrier.arrive $0xFFFF  }
0x2d3: {  	_ =	strace $0x9000004A  }
0x2d4: {  	s0 =	stileid.u32;
	[bflag:$0x2] =	sbarrier.arrive $0xFFFF  }
0x2d5: {  	p0 =	sne.s32 s0, $0x0;
	s0 =	rddreg [dreg:$0x2]  }
0x2d6: {  	s0 =	sadd.s32 @!p0 $0x100000, s0  }
0x2d7: {  	[sflag:s0] =	ssyncadd.tile.s32 @!p0 $0x1;
	_ =	shalt  }
.Lfunc_end2:
_tile_overlayer_lowered:
.L_overlay_start_2:
0x2d8: {  	(tag) =	ssettag $0x2  }
0x2d9: {  	s0 =	rddreg [dreg:$0x0];
	s2 =	stileid.u32  }
0x2da: {  	s1 =	rddreg [dreg:$0x1];
	p0 =	sne.s32 s2, $0x0  }
0x2db: {  	s3 =	rddreg [dreg:$0x2];
	[bflag:$0x3] =	sbarrier.arrive $0xFFFF;
	s2 =	simm.s32 @!p0 $0x1C04  }
0x2dc: {  	[timem:s3], [sflag:s2] =	dma.local @!p0 [hbm:s0], s1  }
0x2dd: {  	s0 =	simm.s32 @!p0 $0x4  }
0x2de: {  	_ =	swait.ge @!p0 [sflag:s0], s1  }
0x2df: {  	s1 =	ssub.s32 @!p0 $0x0, s1;
	[sflag:s0] =	ssyncset.done @!p0 $0x0  }
0x2e0: {  	[sflag:s0] =	ssyncadd.s32 @!p0 s1  }
0x2e1: {  	[bflag:$0x3] =	sbarrier.arrive $0xFFFF  }
0x2e2: {  	_ =	shalt  }

</sc_bundles>
